<compile_context>
chip_gen: v7x
topology: tpu7x:2x2x1
jax: 0.10.2.dev20260603
libtpu: 0.0.44.dev20260713+nightly
codegen_flags: <defaults>
</compile_context>

<pallas_src>
import functools

import jax
import jax.numpy as jnp
from jax import lax
from jax.experimental import pallas as pl
from jax.experimental.pallas import tpu as pltpu
from jax.experimental.pallas import tpu_sc as plsc

D = 192
B = 4
N = 65536
DT = D // 8
NC = 2
NS = 16
L = 16
NW = NC * NS
PB = 128

M_SC = 12
NSN = 2048 * M_SC
WN = N - NSN
PPW = NSN * B // NW
NCH = PPW // PB
NGRP = PB // L
I = 8
BLKN = 8192


def _make_sc_kernel():
    mesh = plsc.VectorSubcoreMesh(core_axis_name="c", subcore_axis_name="s")

    @functools.partial(
        pl.kernel,
        out_type=jax.ShapeDtypeStruct((B * NSN,), jnp.float32),
        mesh=mesh,
        compiler_params=pltpu.CompilerParams(needs_layout_passes=False),
        scratch_types=[
            pltpu.VMEM((DT, 8, PB), jnp.float32),
            pltpu.VMEM((DT, 8, PB), jnp.float32),
            pltpu.VMEM((PPW,), jnp.float32),
            pltpu.SemaphoreType.DMA,
            pltpu.SemaphoreType.DMA,
        ],
    )
    def disp_kernel(cost_hbm, out_hbm, buf_a, buf_b, out_v, sem_a, sem_b):
        wid = lax.axis_index("s") * NC + lax.axis_index("c")
        b = wid // 8
        nt0 = (wid % 8) * NCH

        def start(k, buf, sem):
            pltpu.async_copy(
                cost_hbm.at[b, :, :, pl.ds((nt0 + k) * PB, PB)], buf, sem)

        def wait(buf, sem):
            pltpu.make_async_copy(
                cost_hbm.at[0, :, :, pl.ds(0, PB)], buf, sem).wait()

        neg = jnp.full((L,), -jnp.inf, dtype=jnp.float32)
        zeros = jnp.zeros((L,), dtype=jnp.int32)
        ones = jnp.ones((L,), dtype=jnp.int32)

        def scan_top2(buf, k):
            for g0 in range(0, NGRP, I):

                def dtbody(dt, carry):
                    dvec, st = carry
                    st = list(st)
                    for ds in range(8):
                        for i in range(I):
                            m1, m2, i1, i2 = st[i]
                            v = buf[dt, ds, pl.ds((g0 + i) * L, L)]
                            gt1 = v > m1
                            gt2 = v > m2
                            n_i2 = jnp.where(gt1, i1, jnp.where(gt2, dvec, i2))
                            n_m2 = jnp.where(gt1, m1, jnp.maximum(m2, v))
                            n_i1 = jnp.where(gt1, dvec, i1)
                            n_m1 = jnp.maximum(m1, v)
                            st[i] = (n_m1, n_m2, n_i1, n_i2)
                        dvec = dvec + ones
                    return dvec, tuple(st)

                init = (zeros, tuple((neg, neg, zeros, zeros)
                                     for _ in range(I)))
                _, res = lax.fori_loop(0, DT, dtbody, init)
                for i in range(I):
                    m1, m2, i1, i2 = res[i]
                    r = jnp.exp(m2 - m1)
                    pred = (i1.astype(jnp.float32)
                            + i2.astype(jnp.float32) * r) / (1.0 + r)
                    out_v[pl.ds(k * PB + (g0 + i) * L, L)] = pred

        start(0, buf_a, sem_a)

        def chunk_body(i, _):
            c0 = i * 2
            start(c0 + 1, buf_b, sem_b)
            wait(buf_a, sem_a)
            scan_top2(buf_a, c0)

            @pl.when(i < NCH // 2 - 1)
            def _():
                start(c0 + 2, buf_a, sem_a)

            wait(buf_b, sem_b)
            scan_top2(buf_b, c0 + 1)
            return 0

        lax.fori_loop(0, NCH // 2, chunk_body, 0)
        pltpu.sync_copy(out_v, out_hbm.at[pl.ds(wid * PPW, PPW)])

    return disp_kernel


def _tc_block(x_ref, o_ref):
    x = x_ref[0].reshape(D, BLKN)
    iota = lax.broadcasted_iota(jnp.int32, (D, BLKN), 0).astype(jnp.float32)
    big = jnp.float32(D)
    m1 = jnp.max(x, axis=0)
    i1 = jnp.min(jnp.where(x == m1[None, :], iota, big), axis=0)
    x2 = jnp.where(iota == i1[None, :], -jnp.inf, x)
    m2 = jnp.max(x2, axis=0)
    i2 = jnp.min(jnp.where(x2 == m2[None, :], iota, big), axis=0)
    r = jnp.exp(m2 - m1)
    o_ref[...] = (i1 + i2 * r) / (1.0 + r)


_tc_call = pl.pallas_call(
    _tc_block,
    out_shape=jax.ShapeDtypeStruct((B * WN,), jnp.float32),
    grid=(B, WN // BLKN),
    in_specs=[pl.BlockSpec((1, DT, 8, BLKN),
                           lambda b, j: (b, 0, 0, NSN // BLKN + j))],
    out_specs=pl.BlockSpec((BLKN,), lambda b, j: (b * (WN // BLKN) + j)),
)

_disp_kernel = _make_sc_kernel()


@jax.jit
def kernel(cost):
    cost_t = cost.transpose(0, 2, 1).reshape(B, DT, 8, N)
    sc_out = _disp_kernel(cost_t).reshape(B, NSN)
    tc_out = _tc_call(cost_t).reshape(B, WN)
    return jnp.concatenate([sc_out, tc_out], axis=1)

# --- scband reference (transcript-rebuilt; emitter-appended) ---
"""Pipeline reference for scband-disparity-regression-26800595927729 (READ-ONLY COPY).

The authoritative reference and input builder live on the scoring server;
editing this copy changes nothing except your own understanding.
"""

import jax, jax.numpy as jnp
import numpy as np

MAXDISP = 192
K = 2

def setup_inputs(seed: int = 0) -> dict:
    key = jax.random.key(seed)
    cost = jax.random.normal(key, (4, 65536, MAXDISP), dtype=jnp.float32)
    return {"cost": cost}

def reference(cost):
    B, N, D = cost.shape
    assert D == MAXDISP
    # disparity samples broadcast to cost shape
    disp_samples = jnp.arange(0, MAXDISP, dtype=cost.dtype)
    disp_samples = jnp.broadcast_to(disp_samples.reshape(1, 1, MAXDISP), (B, N, MAXDISP))
    # torch: sort descending, take top-k indices; equivalent to top_k
    _, pool_ind = jax.lax.top_k(cost, K)
    # gather cost at top-k indices (torch.gather along last dim)
    cost_k = jnp.take_along_axis(cost, pool_ind, axis=-1)
    prob = jax.nn.softmax(cost_k, axis=-1)
    disp_k = jnp.take_along_axis(disp_samples, pool_ind, axis=-1)
    pred = jnp.sum(disp_k * prob, axis=-1)
    return pred

if __name__ == "__main__":
    import jax
    _d = setup_inputs()
    print(jax.jit(kernel)(*tuple(_d.values())))

</pallas_src>

<mosaic_0001>
#map = affine_map<(d0, d1) -> (0, 0, 0, 0)>
#map1 = affine_map<(d0, d1) -> (0)>
module attributes {stable_mosaic.version = 14 : i64} {
  func.func @disp_kernel(%arg0: i32, %arg1: i32, %arg2: memref<4x24x8x65536xf32, #tpu.memory_space<hbm>>, %arg3: memref<98304xf32, #tpu.memory_space<hbm>>, %arg4: memref<24x8x128xf32, #tpu.memory_space<vmem>>, %arg5: memref<24x8x128xf32, #tpu.memory_space<vmem>>, %arg6: memref<3072xf32, #tpu.memory_space<vmem>>, %arg7: memref<!tpu.dma_semaphore, #tpu.memory_space<semaphore_mem>>, %arg8: memref<!tpu.dma_semaphore, #tpu.memory_space<semaphore_mem>>) attributes {dimension_semantics = [#tpu.dimension_semantics<core_parallel>, #tpu.dimension_semantics<subcore_parallel>], iteration_bounds = array<i64: 2, 16>, scalar_prefetch = 0 : i64, scratch_operands = 5 : i64, tpu.core_type = #tpu.core_type<sc_vector_subcore>, window_params = [{transform_indices = #map}, {transform_indices = #map1}]} {
    %mul3A = arith.constant 2 : i32
    %mul3A_0 = arith.muli %arg1, %mul3A : i32
    %add3A = arith.addi %mul3A_0, %arg0 : i32
    %jit3A = arith.constant 8 : i32
    %div3A = arith.divsi %add3A, %jit3A : i32
    %sign3A = arith.constant 0 : i32
    %sign3A_1 = arith.cmpi sgt, %add3A, %sign3A : i32
    %sign3A_2 = arith.extui %sign3A_1 : i1 to i32
    %sign3A_3 = arith.constant 0 : i32
    %sign3A_4 = arith.cmpi slt, %add3A, %sign3A_3 : i32
    %sign3A_5 = arith.extui %sign3A_4 : i1 to i32
    %sign3A_6 = arith.subi %sign3A_2, %sign3A_5 : i32
    %sign3A_7 = arith.constant 0 : i32
    %sign3A_8 = arith.cmpi sgt, %jit3A, %sign3A_7 : i32
    %sign3A_9 = arith.extui %sign3A_8 : i1 to i32
    %sign3A_10 = arith.constant 0 : i32
    %sign3A_11 = arith.cmpi slt, %jit3A, %sign3A_10 : i32
    %sign3A_12 = arith.extui %sign3A_11 : i1 to i32
    %sign3A_13 = arith.subi %sign3A_9, %sign3A_12 : i32
    %ne3A = arith.cmpi ne, %sign3A_6, %sign3A_13 : i32
    %rem3A = arith.remsi %add3A, %jit3A : i32
    %ne3A_14 = arith.constant 0 : i32
    %ne3A_15 = arith.cmpi ne, %rem3A, %ne3A_14 : i32
    %and3A = arith.andi %ne3A, %ne3A_15 : i1
    %sub3A = arith.constant 1 : i32
    %sub3A_16 = arith.subi %div3A, %sub3A : i32
    %select_n3A = arith.select %and3A, %sub3A_16, %div3A : i32
    %jit3A_17 = arith.constant 8 : i32
    %eq3A = arith.constant 0 : i32
    %eq3A_18 = arith.cmpi eq, %jit3A_17, %eq3A : i32
    %jit3A_19 = arith.constant 1 : i32
    %select_n3A_20 = arith.select %eq3A_18, %jit3A_19, %jit3A_17 : i32
    %rem3A_21 = arith.remsi %add3A, %select_n3A_20 : i32
    %ne3A_22 = arith.constant 0 : i32
    %ne3A_23 = arith.cmpi ne, %rem3A_21, %ne3A_22 : i32
    %lt3A = arith.constant 0 : i32
    %lt3A_24 = arith.cmpi slt, %rem3A_21, %lt3A : i32
    %lt3A_25 = arith.constant 0 : i32
    %lt3A_26 = arith.cmpi slt, %select_n3A_20, %lt3A_25 : i32
    %ne3A_27 = arith.xori %lt3A_24, %lt3A_26 : i1
    %and3A_28 = arith.andi %ne3A_27, %ne3A_23 : i1
    %add3A_29 = arith.addi %rem3A_21, %select_n3A_20 : i32
    %select_n3A_30 = arith.select %and3A_28, %add3A_29, %rem3A_21 : i32
    %mul3A_31 = arith.constant 24 : i32
    %mul3A_32 = arith.muli %select_n3A_30, %mul3A_31 : i32
    %broadcast_in_dim3A = arith.constant 0xFF800000 : f32
    %broadcast_in_dim3A_33 = vector.broadcast %broadcast_in_dim3A : f32 to vector<16xf32>
    %broadcast_in_dim3A_34 = arith.constant 0 : i32
    %broadcast_in_dim3A_35 = vector.broadcast %broadcast_in_dim3A_34 : i32 to vector<16xi32>
    %broadcast_in_dim3A_36 = arith.constant 1 : i32
    %broadcast_in_dim3A_37 = vector.broadcast %broadcast_in_dim3A_36 : i32 to vector<16xi32>
    %add3A_38 = arith.constant 0 : i32
    %add3A_39 = arith.addi %mul3A_32, %add3A_38 : i32
    %mul3A_40 = arith.constant 128 : i32
    %mul3A_41 = arith.muli %add3A_39, %mul3A_40 : i32
    %dma_start3A = arith.constant 0 : i32
    %dma_start3A_42 = arith.constant 0 : i32
    %dma_start3A_43 = tpu.memref_slice %arg2[%select_n3A, %dma_start3A, %dma_start3A_42, %mul3A_41] : memref<4x24x8x65536xf32, #tpu.memory_space<hbm>> -> memref<1x24x8x128xf32, #tpu.memory_space<hbm>>
    %dma_start3A_44 = tpu.memref_squeeze %dma_start3A_43 : memref<1x24x8x128xf32, #tpu.memory_space<hbm>> -> memref<24x8x128xf32, #tpu.memory_space<hbm>>
    %dma_start3A_45 = arith.constant 0 : i32
    %dma_start3A_46 = arith.constant 0 : i32
    %dma_start3A_47 = tpu.memref_slice %arg2[%select_n3A, %dma_start3A_45, %dma_start3A_46, %mul3A_41] : memref<4x24x8x65536xf32, #tpu.memory_space<hbm>> -> memref<1x24x8x128xf32, #tpu.memory_space<hbm>>
    %dma_start3A_48 = tpu.memref_squeeze %dma_start3A_47 : memref<1x24x8x128xf32, #tpu.memory_space<hbm>> -> memref<24x8x128xf32, #tpu.memory_space<hbm>>
    tpu.enqueue_dma source(%dma_start3A_48 : memref<24x8x128xf32, #tpu.memory_space<hbm>>) target(%arg4 : memref<24x8x128xf32, #tpu.memory_space<vmem>>) target_semaphore(%arg7 : memref<!tpu.dma_semaphore, #tpu.memory_space<semaphore_mem>>)
    %scan3A = arith.constant 0 : i32
    %scan3A_49 = arith.constant 0 : i32
    %scan3A_50 = arith.constant 12 : i32
    %scan3A_51 = arith.addi %scan3A_49, %scan3A_50 : i32
    %scan3A_52 = arith.constant 1 : i32
    %scan3A_53 = scf.for %scan3A_57 = %scan3A_49 to %scan3A_51 step %scan3A_52 iter_args(%scan3A_58 = %scan3A) -> (i32)  : i32 {
      %mul3A_59 = arith.constant 2 : i32
      %mul3A_60 = arith.muli %scan3A_57, %mul3A_59 : i32
      %add3A_61 = arith.constant 1 : i32
      %add3A_62 = arith.addi %mul3A_60, %add3A_61 : i32
      %add3A_63 = arith.addi %mul3A_32, %add3A_62 : i32
      %mul3A_64 = arith.constant 128 : i32
      %mul3A_65 = arith.muli %add3A_63, %mul3A_64 : i32
      %dma_start3A_66 = arith.constant 0 : i32
      %dma_start3A_67 = arith.constant 0 : i32
      %dma_start3A_68 = tpu.memref_slice %arg2[%select_n3A, %dma_start3A_66, %dma_start3A_67, %mul3A_65] : memref<4x24x8x65536xf32, #tpu.memory_space<hbm>> -> memref<1x24x8x128xf32, #tpu.memory_space<hbm>>
      %dma_start3A_69 = tpu.memref_squeeze %dma_start3A_68 : memref<1x24x8x128xf32, #tpu.memory_space<hbm>> -> memref<24x8x128xf32, #tpu.memory_space<hbm>>
      %dma_start3A_70 = arith.constant 0 : i32
      %dma_start3A_71 = arith.constant 0 : i32
      %dma_start3A_72 = tpu.memref_slice %arg2[%select_n3A, %dma_start3A_70, %dma_start3A_71, %mul3A_65] : memref<4x24x8x65536xf32, #tpu.memory_space<hbm>> -> memref<1x24x8x128xf32, #tpu.memory_space<hbm>>
      %dma_start3A_73 = tpu.memref_squeeze %dma_start3A_72 : memref<1x24x8x128xf32, #tpu.memory_space<hbm>> -> memref<24x8x128xf32, #tpu.memory_space<hbm>>
      tpu.enqueue_dma source(%dma_start3A_73 : memref<24x8x128xf32, #tpu.memory_space<hbm>>) target(%arg5 : memref<24x8x128xf32, #tpu.memory_space<vmem>>) target_semaphore(%arg8 : memref<!tpu.dma_semaphore, #tpu.memory_space<semaphore_mem>>)
      %dma_wait3A = arith.constant 0 : i32
      %dma_wait3A_74 = arith.constant 0 : i32
      %dma_wait3A_75 = arith.constant 0 : i32
      %dma_wait3A_76 = arith.constant 0 : i32
      %dma_wait3A_77 = tpu.memref_slice %arg2[%dma_wait3A, %dma_wait3A_74, %dma_wait3A_75, %dma_wait3A_76] : memref<4x24x8x65536xf32, #tpu.memory_space<hbm>> -> memref<1x24x8x128xf32, #tpu.memory_space<hbm>>
      %dma_wait3A_78 = tpu.memref_squeeze %dma_wait3A_77 : memref<1x24x8x128xf32, #tpu.memory_space<hbm>> -> memref<24x8x128xf32, #tpu.memory_space<hbm>>
      %dma_wait3A_79 = arith.constant 0 : i32
      %dma_wait3A_80 = arith.constant 0 : i32
      %dma_wait3A_81 = arith.constant 0 : i32
      %dma_wait3A_82 = tpu.memref_slice %arg2[%dma_wait3A, %dma_wait3A_79, %dma_wait3A_80, %dma_wait3A_81] : memref<4x24x8x65536xf32, #tpu.memory_space<hbm>> -> memref<1x24x8x128xf32, #tpu.memory_space<hbm>>
      %dma_wait3A_83 = tpu.memref_squeeze %dma_wait3A_82 : memref<1x24x8x128xf32, #tpu.memory_space<hbm>> -> memref<24x8x128xf32, #tpu.memory_space<hbm>>
      tpu.wait_dma2 semaphore(%arg7 : memref<!tpu.dma_semaphore, #tpu.memory_space<semaphore_mem>>) src(%dma_wait3A_83 : memref<24x8x128xf32, #tpu.memory_space<hbm>>) dst(%arg4 : memref<24x8x128xf32, #tpu.memory_space<vmem>>)
      %scan3A_84 = arith.constant 0 : i32
      %scan3A_85 = arith.constant 24 : i32
      %scan3A_86 = arith.addi %scan3A_84, %scan3A_85 : i32
      %scan3A_87 = arith.constant 1 : i32
      %scan3A_88:33 = scf.for %scan3A_367 = %scan3A_84 to %scan3A_86 step %scan3A_87 iter_args(%scan3A_368 = %broadcast_in_dim3A_35, %scan3A_369 = %broadcast_in_dim3A_33, %scan3A_370 = %broadcast_in_dim3A_33, %scan3A_371 = %broadcast_in_dim3A_35, %scan3A_372 = %broadcast_in_dim3A_35, %scan3A_373 = %broadcast_in_dim3A_33, %scan3A_374 = %broadcast_in_dim3A_33, %scan3A_375 = %broadcast_in_dim3A_35, %scan3A_376 = %broadcast_in_dim3A_35, %scan3A_377 = %broadcast_in_dim3A_33, %scan3A_378 = %broadcast_in_dim3A_33, %scan3A_379 = %broadcast_in_dim3A_35, %scan3A_380 = %broadcast_in_dim3A_35, %scan3A_381 = %broadcast_in_dim3A_33, %scan3A_382 = %broadcast_in_dim3A_33, %scan3A_383 = %broadcast_in_dim3A_35, %scan3A_384 = %broadcast_in_dim3A_35, %scan3A_385 = %broadcast_in_dim3A_33, %scan3A_386 = %broadcast_in_dim3A_33, %scan3A_387 = %broadcast_in_dim3A_35, %scan3A_388 = %broadcast_in_dim3A_35, %scan3A_389 = %broadcast_in_dim3A_33, %scan3A_390 = %broadcast_in_dim3A_33, %scan3A_391 = %broadcast_in_dim3A_35, %scan3A_392 = %broadcast_in_dim3A_35, %scan3A_393 = %broadcast_in_dim3A_33, %scan3A_394 = %broadcast_in_dim3A_33, %scan3A_395 = %broadcast_in_dim3A_35, %scan3A_396 = %broadcast_in_dim3A_35, %scan3A_397 = %broadcast_in_dim3A_33, %scan3A_398 = %broadcast_in_dim3A_33, %scan3A_399 = %broadcast_in_dim3A_35, %scan3A_400 = %broadcast_in_dim3A_35) -> (vector<16xi32>, vector<16xf32>, vector<16xf32>, vector<16xi32>, vector<16xi32>, vector<16xf32>, vector<16xf32>, vector<16xi32>, vector<16xi32>, vector<16xf32>, vector<16xf32>, vector<16xi32>, vector<16xi32>, vector<16xf32>, vector<16xf32>, vector<16xi32>, vector<16xi32>, vector<16xf32>, vector<16xf32>, vector<16xi32>, vector<16xi32>, vector<16xf32>, vector<16xf32>, vector<16xi32>, vector<16xi32>, vector<16xf32>, vector<16xf32>, vector<16xi32>, vector<16xi32>, vector<16xf32>, vector<16xf32>, vector<16xi32>, vector<16xi32>)  : i32 {
        %get3A = arith.constant 0 : i32
        %get3A_401 = arith.index_cast %scan3A_367 : i32 to index
        %get3A_402 = arith.index_cast %get3A : i32 to index
        %get3A_403 = arith.constant 0 : index
        %get3A_404 = tpu.vector_load %arg4[%get3A_401, %get3A_402, %get3A_403] {strides = array<i32>} : memref<24x8x128xf32, #tpu.memory_space<vmem>>, vector<16xf32>,
        %gt3A = arith.cmpf ogt, %get3A_404, %scan3A_369 : vector<16xf32>
        %gt3A_405 = arith.cmpf ogt, %get3A_404, %scan3A_370 : vector<16xf32>
        %select_n3A_406 = arith.select %gt3A_405, %scan3A_368, %scan3A_372 : vector<16xi1>, vector<16xi32>
        %select_n3A_407 = arith.select %gt3A, %scan3A_371, %select_n3A_406 : vector<16xi1>, vector<16xi32>
        %max3A = arith.maximumf %scan3A_370, %get3A_404 : vector<16xf32>
        %select_n3A_408 = arith.select %gt3A, %scan3A_369, %max3A : vector<16xi1>, vector<16xf32>
        %select_n3A_409 = arith.select %gt3A, %scan3A_368, %scan3A_371 : vector<16xi1>, vector<16xi32>
        %max3A_410 = arith.maximumf %scan3A_369, %get3A_404 : vector<16xf32>
        %get3A_411 = arith.constant 0 : i32
        %get3A_412 = arith.index_cast %scan3A_367 : i32 to index
        %get3A_413 = arith.index_cast %get3A_411 : i32 to index
        %get3A_414 = arith.constant 16 : index
        %get3A_415 = tpu.vector_load %arg4[%get3A_412, %get3A_413, %get3A_414] {strides = array<i32>} : memref<24x8x128xf32, #tpu.memory_space<vmem>>, vector<16xf32>,
        %gt3A_416 = arith.cmpf ogt, %get3A_415, %scan3A_373 : vector<16xf32>
        %gt3A_417 = arith.cmpf ogt, %get3A_415, %scan3A_374 : vector<16xf32>
        %select_n3A_418 = arith.select %gt3A_417, %scan3A_368, %scan3A_376 : vector<16xi1>, vector<16xi32>
        %select_n3A_419 = arith.select %gt3A_416, %scan3A_375, %select_n3A_418 : vector<16xi1>, vector<16xi32>
        %max3A_420 = arith.maximumf %scan3A_374, %get3A_415 : vector<16xf32>
        %select_n3A_421 = arith.select %gt3A_416, %scan3A_373, %max3A_420 : vector<16xi1>, vector<16xf32>
        %select_n3A_422 = arith.select %gt3A_416, %scan3A_368, %scan3A_375 : vector<16xi1>, vector<16xi32>
        %max3A_423 = arith.maximumf %scan3A_373, %get3A_415 : vector<16xf32>
        %get3A_424 = arith.constant 0 : i32
        %get3A_425 = arith.index_cast %scan3A_367 : i32 to index
        %get3A_426 = arith.index_cast %get3A_424 : i32 to index
        %get3A_427 = arith.constant 32 : index
        %get3A_428 = tpu.vector_load %arg4[%get3A_425, %get3A_426, %get3A_427] {strides = array<i32>} : memref<24x8x128xf32, #tpu.memory_space<vmem>>, vector<16xf32>,
        %gt3A_429 = arith.cmpf ogt, %get3A_428, %scan3A_377 : vector<16xf32>
        %gt3A_430 = arith.cmpf ogt, %get3A_428, %scan3A_378 : vector<16xf32>
        %select_n3A_431 = arith.select %gt3A_430, %scan3A_368, %scan3A_380 : vector<16xi1>, vector<16xi32>
        %select_n3A_432 = arith.select %gt3A_429, %scan3A_379, %select_n3A_431 : vector<16xi1>, vector<16xi32>
        %max3A_433 = arith.maximumf %scan3A_378, %get3A_428 : vector<16xf32>
        %select_n3A_434 = arith.select %gt3A_429, %scan3A_377, %max3A_433 : vector<16xi1>, vector<16xf32>
        %select_n3A_435 = arith.select %gt3A_429, %scan3A_368, %scan3A_379 : vector<16xi1>, vector<16xi32>
        %max3A_436 = arith.maximumf %scan3A_377, %get3A_428 : vector<16xf32>
        %get3A_437 = arith.constant 0 : i32
        %get3A_438 = arith.index_cast %scan3A_367 : i32 to index
        %get3A_439 = arith.index_cast %get3A_437 : i32 to index
        %get3A_440 = arith.constant 48 : index
        %get3A_441 = tpu.vector_load %arg4[%get3A_438, %get3A_439, %get3A_440] {strides = array<i32>} : memref<24x8x128xf32, #tpu.memory_space<vmem>>, vector<16xf32>,
        %gt3A_442 = arith.cmpf ogt, %get3A_441, %scan3A_381 : vector<16xf32>
        %gt3A_443 = arith.cmpf ogt, %get3A_441, %scan3A_382 : vector<16xf32>
        %select_n3A_444 = arith.select %gt3A_443, %scan3A_368, %scan3A_384 : vector<16xi1>, vector<16xi32>
        %select_n3A_445 = arith.select %gt3A_442, %scan3A_383, %select_n3A_444 : vector<16xi1>, vector<16xi32>
        %max3A_446 = arith.maximumf %scan3A_382, %get3A_441 : vector<16xf32>
        %select_n3A_447 = arith.select %gt3A_442, %scan3A_381, %max3A_446 : vector<16xi1>, vector<16xf32>
        %select_n3A_448 = arith.select %gt3A_442, %scan3A_368, %scan3A_383 : vector<16xi1>, vector<16xi32>
        %max3A_449 = arith.maximumf %scan3A_381, %get3A_441 : vector<16xf32>
        %get3A_450 = arith.constant 0 : i32
        %get3A_451 = arith.index_cast %scan3A_367 : i32 to index
        %get3A_452 = arith.index_cast %get3A_450 : i32 to index
        %get3A_453 = arith.constant 64 : index
        %get3A_454 = tpu.vector_load %arg4[%get3A_451, %get3A_452, %get3A_453] {strides = array<i32>} : memref<24x8x128xf32, #tpu.memory_space<vmem>>, vector<16xf32>,
        %gt3A_455 = arith.cmpf ogt, %get3A_454, %scan3A_385 : vector<16xf32>
        %gt3A_456 = arith.cmpf ogt, %get3A_454, %scan3A_386 : vector<16xf32>
        %select_n3A_457 = arith.select %gt3A_456, %scan3A_368, %scan3A_388 : vector<16xi1>, vector<16xi32>
        %select_n3A_458 = arith.select %gt3A_455, %scan3A_387, %select_n3A_457 : vector<16xi1>, vector<16xi32>
        %max3A_459 = arith.maximumf %scan3A_386, %get3A_454 : vector<16xf32>
        %select_n3A_460 = arith.select %gt3A_455, %scan3A_385, %max3A_459 : vector<16xi1>, vector<16xf32>
        %select_n3A_461 = arith.select %gt3A_455, %scan3A_368, %scan3A_387 : vector<16xi1>, vector<16xi32>
        %max3A_462 = arith.maximumf %scan3A_385, %get3A_454 : vector<16xf32>
        %get3A_463 = arith.constant 0 : i32
        %get3A_464 = arith.index_cast %scan3A_367 : i32 to index
        %get3A_465 = arith.index_cast %get3A_463 : i32 to index
        %get3A_466 = arith.constant 80 : index
        %get3A_467 = tpu.vector_load %arg4[%get3A_464, %get3A_465, %get3A_466] {strides = array<i32>} : memref<24x8x128xf32, #tpu.memory_space<vmem>>, vector<16xf32>,
        %gt3A_468 = arith.cmpf ogt, %get3A_467, %scan3A_389 : vector<16xf32>
        %gt3A_469 = arith.cmpf ogt, %get3A_467, %scan3A_390 : vector<16xf32>
        %select_n3A_470 = arith.select %gt3A_469, %scan3A_368, %scan3A_392 : vector<16xi1>, vector<16xi32>
        %select_n3A_471 = arith.select %gt3A_468, %scan3A_391, %select_n3A_470 : vector<16xi1>, vector<16xi32>
        %max3A_472 = arith.maximumf %scan3A_390, %get3A_467 : vector<16xf32>
        %select_n3A_473 = arith.select %gt3A_468, %scan3A_389, %max3A_472 : vector<16xi1>, vector<16xf32>
        %select_n3A_474 = arith.select %gt3A_468, %scan3A_368, %scan3A_391 : vector<16xi1>, vector<16xi32>
        %max3A_475 = arith.maximumf %scan3A_389, %get3A_467 : vector<16xf32>
        %get3A_476 = arith.constant 0 : i32
        %get3A_477 = arith.index_cast %scan3A_367 : i32 to index
        %get3A_478 = arith.index_cast %get3A_476 : i32 to index
        %get3A_479 = arith.constant 96 : index
        %get3A_480 = tpu.vector_load %arg4[%get3A_477, %get3A_478, %get3A_479] {strides = array<i32>} : memref<24x8x128xf32, #tpu.memory_space<vmem>>, vector<16xf32>,
        %gt3A_481 = arith.cmpf ogt, %get3A_480, %scan3A_393 : vector<16xf32>
        %gt3A_482 = arith.cmpf ogt, %get3A_480, %scan3A_394 : vector<16xf32>
        %select_n3A_483 = arith.select %gt3A_482, %scan3A_368, %scan3A_396 : vector<16xi1>, vector<16xi32>
        %select_n3A_484 = arith.select %gt3A_481, %scan3A_395, %select_n3A_483 : vector<16xi1>, vector<16xi32>
        %max3A_485 = arith.maximumf %scan3A_394, %get3A_480 : vector<16xf32>
        %select_n3A_486 = arith.select %gt3A_481, %scan3A_393, %max3A_485 : vector<16xi1>, vector<16xf32>
        %select_n3A_487 = arith.select %gt3A_481, %scan3A_368, %scan3A_395 : vector<16xi1>, vector<16xi32>
        %max3A_488 = arith.maximumf %scan3A_393, %get3A_480 : vector<16xf32>
        %get3A_489 = arith.constant 0 : i32
        %get3A_490 = arith.index_cast %scan3A_367 : i32 to index
        %get3A_491 = arith.index_cast %get3A_489 : i32 to index
        %get3A_492 = arith.constant 112 : index
        %get3A_493 = tpu.vector_load %arg4[%get3A_490, %get3A_491, %get3A_492] {strides = array<i32>} : memref<24x8x128xf32, #tpu.memory_space<vmem>>, vector<16xf32>,
        %gt3A_494 = arith.cmpf ogt, %get3A_493, %scan3A_397 : vector<16xf32>
        %gt3A_495 = arith.cmpf ogt, %get3A_493, %scan3A_398 : vector<16xf32>
        %select_n3A_496 = arith.select %gt3A_495, %scan3A_368, %scan3A_400 : vector<16xi1>, vector<16xi32>
        %select_n3A_497 = arith.select %gt3A_494, %scan3A_399, %select_n3A_496 : vector<16xi1>, vector<16xi32>
        %max3A_498 = arith.maximumf %scan3A_398, %get3A_493 : vector<16xf32>
        %select_n3A_499 = arith.select %gt3A_494, %scan3A_397, %max3A_498 : vector<16xi1>, vector<16xf32>
        %select_n3A_500 = arith.select %gt3A_494, %scan3A_368, %scan3A_399 : vector<16xi1>, vector<16xi32>
        %max3A_501 = arith.maximumf %scan3A_397, %get3A_493 : vector<16xf32>
        %add3A_502 = arith.addi %scan3A_368, %broadcast_in_dim3A_37 : vector<16xi32>
        %get3A_503 = arith.constant 1 : i32
        %get3A_504 = arith.index_cast %scan3A_367 : i32 to index
        %get3A_505 = arith.index_cast %get3A_503 : i32 to index
        %get3A_506 = arith.constant 0 : index
        %get3A_507 = tpu.vector_load %arg4[%get3A_504, %get3A_505, %get3A_506] {strides = array<i32>} : memref<24x8x128xf32, #tpu.memory_space<vmem>>, vector<16xf32>,
        %gt3A_508 = arith.cmpf ogt, %get3A_507, %max3A_410 : vector<16xf32>
        %gt3A_509 = arith.cmpf ogt, %get3A_507, %select_n3A_408 : vector<16xf32>
        %select_n3A_510 = arith.select %gt3A_509, %add3A_502, %select_n3A_407 : vector<16xi1>, vector<16xi32>
        %select_n3A_511 = arith.select %gt3A_508, %select_n3A_409, %select_n3A_510 : vector<16xi1>, vector<16xi32>
        %max3A_512 = arith.maximumf %select_n3A_408, %get3A_507 : vector<16xf32>
        %select_n3A_513 = arith.select %gt3A_508, %max3A_410, %max3A_512 : vector<16xi1>, vector<16xf32>
        %select_n3A_514 = arith.select %gt3A_508, %add3A_502, %select_n3A_409 : vector<16xi1>, vector<16xi32>
        %max3A_515 = arith.maximumf %max3A_410, %get3A_507 : vector<16xf32>
        %get3A_516 = arith.constant 1 : i32
        %get3A_517 = arith.index_cast %scan3A_367 : i32 to index
        %get3A_518 = arith.index_cast %get3A_516 : i32 to index
        %get3A_519 = arith.constant 16 : index
        %get3A_520 = tpu.vector_load %arg4[%get3A_517, %get3A_518, %get3A_519] {strides = array<i32>} : memref<24x8x128xf32, #tpu.memory_space<vmem>>, vector<16xf32>,
        %gt3A_521 = arith.cmpf ogt, %get3A_520, %max3A_423 : vector<16xf32>
        %gt3A_522 = arith.cmpf ogt, %get3A_520, %select_n3A_421 : vector<16xf32>
        %select_n3A_523 = arith.select %gt3A_522, %add3A_502, %select_n3A_419 : vector<16xi1>, vector<16xi32>
        %select_n3A_524 = arith.select %gt3A_521, %select_n3A_422, %select_n3A_523 : vector<16xi1>, vector<16xi32>
        %max3A_525 = arith.maximumf %select_n3A_421, %get3A_520 : vector<16xf32>
        %select_n3A_526 = arith.select %gt3A_521, %max3A_423, %max3A_525 : vector<16xi1>, vector<16xf32>
        %select_n3A_527 = arith.select %gt3A_521, %add3A_502, %select_n3A_422 : vector<16xi1>, vector<16xi32>
        %max3A_528 = arith.maximumf %max3A_423, %get3A_520 : vector<16xf32>
        %get3A_529 = arith.constant 1 : i32
        %get3A_530 = arith.index_cast %scan3A_367 : i32 to index
        %get3A_531 = arith.index_cast %get3A_529 : i32 to index
        %get3A_532 = arith.constant 32 : index
        %get3A_533 = tpu.vector_load %arg4[%get3A_530, %get3A_531, %get3A_532] {strides = array<i32>} : memref<24x8x128xf32, #tpu.memory_space<vmem>>, vector<16xf32>,
        %gt3A_534 = arith.cmpf ogt, %get3A_533, %max3A_436 : vector<16xf32>
        %gt3A_535 = arith.cmpf ogt, %get3A_533, %select_n3A_434 : vector<16xf32>
        %select_n3A_536 = arith.select %gt3A_535, %add3A_502, %select_n3A_432 : vector<16xi1>, vector<16xi32>
        %select_n3A_537 = arith.select %gt3A_534, %select_n3A_435, %select_n3A_536 : vector<16xi1>, vector<16xi32>
        %max3A_538 = arith.maximumf %select_n3A_434, %get3A_533 : vector<16xf32>
        %select_n3A_539 = arith.select %gt3A_534, %max3A_436, %max3A_538 : vector<16xi1>, vector<16xf32>
        %select_n3A_540 = arith.select %gt3A_534, %add3A_502, %select_n3A_435 : vector<16xi1>, vector<16xi32>
        %max3A_541 = arith.maximumf %max3A_436, %get3A_533 : vector<16xf32>
        %get3A_542 = arith.constant 1 : i32
        %get3A_543 = arith.index_cast %scan3A_367 : i32 to index
        %get3A_544 = arith.index_cast %get3A_542 : i32 to index
        %get3A_545 = arith.constant 48 : index
        %get3A_546 = tpu.vector_load %arg4[%get3A_543, %get3A_544, %get3A_545] {strides = array<i32>} : memref<24x8x128xf32, #tpu.memory_space<vmem>>, vector<16xf32>,
        %gt3A_547 = arith.cmpf ogt, %get3A_546, %max3A_449 : vector<16xf32>
        %gt3A_548 = arith.cmpf ogt, %get3A_546, %select_n3A_447 : vector<16xf32>
        %select_n3A_549 = arith.select %gt3A_548, %add3A_502, %select_n3A_445 : vector<16xi1>, vector<16xi32>
        %select_n3A_550 = arith.select %gt3A_547, %select_n3A_448, %select_n3A_549 : vector<16xi1>, vector<16xi32>
        %max3A_551 = arith.maximumf %select_n3A_447, %get3A_546 : vector<16xf32>
        %select_n3A_552 = arith.select %gt3A_547, %max3A_449, %max3A_551 : vector<16xi1>, vector<16xf32>
        %select_n3A_553 = arith.select %gt3A_547, %add3A_502, %select_n3A_448 : vector<16xi1>, vector<16xi32>
        %max3A_554 = arith.maximumf %max3A_449, %get3A_546 : vector<16xf32>
        %get3A_555 = arith.constant 1 : i32
        %get3A_556 = arith.index_cast %scan3A_367 : i32 to index
        %get3A_557 = arith.index_cast %get3A_555 : i32 to index
        %get3A_558 = arith.constant 64 : index
        %get3A_559 = tpu.vector_load %arg4[%get3A_556, %get3A_557, %get3A_558] {strides = array<i32>} : memref<24x8x128xf32, #tpu.memory_space<vmem>>, vector<16xf32>,
        %gt3A_560 = arith.cmpf ogt, %get3A_559, %max3A_462 : vector<16xf32>
        %gt3A_561 = arith.cmpf ogt, %get3A_559, %select_n3A_460 : vector<16xf32>
        %select_n3A_562 = arith.select %gt3A_561, %add3A_502, %select_n3A_458 : vector<16xi1>, vector<16xi32>
        %select_n3A_563 = arith.select %gt3A_560, %select_n3A_461, %select_n3A_562 : vector<16xi1>, vector<16xi32>
        %max3A_564 = arith.maximumf %select_n3A_460, %get3A_559 : vector<16xf32>
        %select_n3A_565 = arith.select %gt3A_560, %max3A_462, %max3A_564 : vector<16xi1>, vector<16xf32>
        %select_n3A_566 = arith.select %gt3A_560, %add3A_502, %select_n3A_461 : vector<16xi1>, vector<16xi32>
        %max3A_567 = arith.maximumf %max3A_462, %get3A_559 : vector<16xf32>
        %get3A_568 = arith.constant 1 : i32
        %get3A_569 = arith.index_cast %scan3A_367 : i32 to index
        %get3A_570 = arith.index_cast %get3A_568 : i32 to index
        %get3A_571 = arith.constant 80 : index
        %get3A_572 = tpu.vector_load %arg4[%get3A_569, %get3A_570, %get3A_571] {strides = array<i32>} : memref<24x8x128xf32, #tpu.memory_space<vmem>>, vector<16xf32>,
        %gt3A_573 = arith.cmpf ogt, %get3A_572, %max3A_475 : vector<16xf32>
        %gt3A_574 = arith.cmpf ogt, %get3A_572, %select_n3A_473 : vector<16xf32>
        %select_n3A_575 = arith.select %gt3A_574, %add3A_502, %select_n3A_471 : vector<16xi1>, vector<16xi32>
        %select_n3A_576 = arith.select %gt3A_573, %select_n3A_474, %select_n3A_575 : vector<16xi1>, vector<16xi32>
        %max3A_577 = arith.maximumf %select_n3A_473, %get3A_572 : vector<16xf32>
        %select_n3A_578 = arith.select %gt3A_573, %max3A_475, %max3A_577 : vector<16xi1>, vector<16xf32>
        %select_n3A_579 = arith.select %gt3A_573, %add3A_502, %select_n3A_474 : vector<16xi1>, vector<16xi32>
        %max3A_580 = arith.maximumf %max3A_475, %get3A_572 : vector<16xf32>
        %get3A_581 = arith.constant 1 : i32
        %get3A_582 = arith.index_cast %scan3A_367 : i32 to index
        %get3A_583 = arith.index_cast %get3A_581 : i32 to index
        %get3A_584 = arith.constant 96 : index
        %get3A_585 = tpu.vector_load %arg4[%get3A_582, %get3A_583, %get3A_584] {strides = array<i32>} : memref<24x8x128xf32, #tpu.memory_space<vmem>>, vector<16xf32>,
        %gt3A_586 = arith.cmpf ogt, %get3A_585, %max3A_488 : vector<16xf32>
        %gt3A_587 = arith.cmpf ogt, %get3A_585, %select_n3A_486 : vector<16xf32>
        %select_n3A_588 = arith.select %gt3A_587, %add3A_502, %select_n3A_484 : vector<16xi1>, vector<16xi32>
        %select_n3A_589 = arith.select %gt3A_586, %select_n3A_487, %select_n3A_588 : vector<16xi1>, vector<16xi32>
        %max3A_590 = arith.maximumf %select_n3A_486, %get3A_585 : vector<16xf32>
        %select_n3A_591 = arith.select %gt3A_586, %max3A_488, %max3A_590 : vector<16xi1>, vector<16xf32>
        %select_n3A_592 = arith.select %gt3A_586, %add3A_502, %select_n3A_487 : vector<16xi1>, vector<16xi32>
        %max3A_593 = arith.maximumf %max3A_488, %get3A_585 : vector<16xf32>
        %get3A_594 = arith.constant 1 : i32
        %get3A_595 = arith.index_cast %scan3A_367 : i32 to index
        %get3A_596 = arith.index_cast %get3A_594 : i32 to index
        %get3A_597 = arith.constant 112 : index
        %get3A_598 = tpu.vector_load %arg4[%get3A_595, %get3A_596, %get3A_597] {strides = array<i32>} : memref<24x8x128xf32, #tpu.memory_space<vmem>>, vector<16xf32>,
        %gt3A_599 = arith.cmpf ogt, %get3A_598, %max3A_501 : vector<16xf32>
        %gt3A_600 = arith.cmpf ogt, %get3A_598, %select_n3A_499 : vector<16xf32>
        %select_n3A_601 = arith.select %gt3A_600, %add3A_502, %select_n3A_497 : vector<16xi1>, vector<16xi32>
        %select_n3A_602 = arith.select %gt3A_599, %select_n3A_500, %select_n3A_601 : vector<16xi1>, vector<16xi32>
        %max3A_603 = arith.maximumf %select_n3A_499, %get3A_598 : vector<16xf32>
        %select_n3A_604 = arith.select %gt3A_599, %max3A_501, %max3A_603 : vector<16xi1>, vector<16xf32>
        %select_n3A_605 = arith.select %gt3A_599, %add3A_502, %select_n3A_500 : vector<16xi1>, vector<16xi32>
        %max3A_606 = arith.maximumf %max3A_501, %get3A_598 : vector<16xf32>
        %add3A_607 = arith.addi %add3A_502, %broadcast_in_dim3A_37 : vector<16xi32>
        %get3A_608 = arith.constant 2 : i32
        %get3A_609 = arith.index_cast %scan3A_367 : i32 to index
        %get3A_610 = arith.index_cast %get3A_608 : i32 to index
        %get3A_611 = arith.constant 0 : index
        %get3A_612 = tpu.vector_load %arg4[%get3A_609, %get3A_610, %get3A_611] {strides = array<i32>} : memref<24x8x128xf32, #tpu.memory_space<vmem>>, vector<16xf32>,
        %gt3A_613 = arith.cmpf ogt, %get3A_612, %max3A_515 : vector<16xf32>
        %gt3A_614 = arith.cmpf ogt, %get3A_612, %select_n3A_513 : vector<16xf32>
        %select_n3A_615 = arith.select %gt3A_614, %add3A_607, %select_n3A_511 : vector<16xi1>, vector<16xi32>
        %select_n3A_616 = arith.select %gt3A_613, %select_n3A_514, %select_n3A_615 : vector<16xi1>, vector<16xi32>
        %max3A_617 = arith.maximumf %select_n3A_513, %get3A_612 : vector<16xf32>
        %select_n3A_618 = arith.select %gt3A_613, %max3A_515, %max3A_617 : vector<16xi1>, vector<16xf32>
        %select_n3A_619 = arith.select %gt3A_613, %add3A_607, %select_n3A_514 : vector<16xi1>, vector<16xi32>
        %max3A_620 = arith.maximumf %max3A_515, %get3A_612 : vector<16xf32>
        %get3A_621 = arith.constant 2 : i32
        %get3A_622 = arith.index_cast %scan3A_367 : i32 to index
        %get3A_623 = arith.index_cast %get3A_621 : i32 to index
        %get3A_624 = arith.constant 16 : index
        %get3A_625 = tpu.vector_load %arg4[%get3A_622, %get3A_623, %get3A_624] {strides = array<i32>} : memref<24x8x128xf32, #tpu.memory_space<vmem>>, vector<16xf32>,
        %gt3A_626 = arith.cmpf ogt, %get3A_625, %max3A_528 : vector<16xf32>
        %gt3A_627 = arith.cmpf ogt, %get3A_625, %select_n3A_526 : vector<16xf32>
        %select_n3A_628 = arith.select %gt3A_627, %add3A_607, %select_n3A_524 : vector<16xi1>, vector<16xi32>
        %select_n3A_629 = arith.select %gt3A_626, %select_n3A_527, %select_n3A_628 : vector<16xi1>, vector<16xi32>
        %max3A_630 = arith.maximumf %select_n3A_526, %get3A_625 : vector<16xf32>
        %select_n3A_631 = arith.select %gt3A_626, %max3A_528, %max3A_630 : vector<16xi1>, vector<16xf32>
        %select_n3A_632 = arith.select %gt3A_626, %add3A_607, %select_n3A_527 : vector<16xi1>, vector<16xi32>
        %max3A_633 = arith.maximumf %max3A_528, %get3A_625 : vector<16xf32>
        %get3A_634 = arith.constant 2 : i32
        %get3A_635 = arith.index_cast %scan3A_367 : i32 to index
        %get3A_636 = arith.index_cast %get3A_634 : i32 to index
        %get3A_637 = arith.constant 32 : index
        %get3A_638 = tpu.vector_load %arg4[%get3A_635, %get3A_636, %get3A_637] {strides = array<i32>} : memref<24x8x128xf32, #tpu.memory_space<vmem>>, vector<16xf32>,
        %gt3A_639 = arith.cmpf ogt, %get3A_638, %max3A_541 : vector<16xf32>
        %gt3A_640 = arith.cmpf ogt, %get3A_638, %select_n3A_539 : vector<16xf32>
        %select_n3A_641 = arith.select %gt3A_640, %add3A_607, %select_n3A_537 : vector<16xi1>, vector<16xi32>
        %select_n3A_642 = arith.select %gt3A_639, %select_n3A_540, %select_n3A_641 : vector<16xi1>, vector<16xi32>
        %max3A_643 = arith.maximumf %select_n3A_539, %get3A_638 : vector<16xf32>
        %select_n3A_644 = arith.select %gt3A_639, %max3A_541, %max3A_643 : vector<16xi1>, vector<16xf32>
        %select_n3A_645 = arith.select %gt3A_639, %add3A_607, %select_n3A_540 : vector<16xi1>, vector<16xi32>
        %max3A_646 = arith.maximumf %max3A_541, %get3A_638 : vector<16xf32>
        %get3A_647 = arith.constant 2 : i32
        %get3A_648 = arith.index_cast %scan3A_367 : i32 to index
        %get3A_649 = arith.index_cast %get3A_647 : i32 to index
        %get3A_650 = arith.constant 48 : index
        %get3A_651 = tpu.vector_load %arg4[%get3A_648, %get3A_649, %get3A_650] {strides = array<i32>} : memref<24x8x128xf32, #tpu.memory_space<vmem>>, vector<16xf32>,
        %gt3A_652 = arith.cmpf ogt, %get3A_651, %max3A_554 : vector<16xf32>
        %gt3A_653 = arith.cmpf ogt, %get3A_651, %select_n3A_552 : vector<16xf32>
        %select_n3A_654 = arith.select %gt3A_653, %add3A_607, %select_n3A_550 : vector<16xi1>, vector<16xi32>
        %select_n3A_655 = arith.select %gt3A_652, %select_n3A_553, %select_n3A_654 : vector<16xi1>, vector<16xi32>
        %max3A_656 = arith.maximumf %select_n3A_552, %get3A_651 : vector<16xf32>
        %select_n3A_657 = arith.select %gt3A_652, %max3A_554, %max3A_656 : vector<16xi1>, vector<16xf32>
        %select_n3A_658 = arith.select %gt3A_652, %add3A_607, %select_n3A_553 : vector<16xi1>, vector<16xi32>
        %max3A_659 = arith.maximumf %max3A_554, %get3A_651 : vector<16xf32>
        %get3A_660 = arith.constant 2 : i32
        %get3A_661 = arith.index_cast %scan3A_367 : i32 to index
        %get3A_662 = arith.index_cast %get3A_660 : i32 to index
        %get3A_663 = arith.constant 64 : index
        %get3A_664 = tpu.vector_load %arg4[%get3A_661, %get3A_662, %get3A_663] {strides = array<i32>} : memref<24x8x128xf32, #tpu.memory_space<vmem>>, vector<16xf32>,
        %gt3A_665 = arith.cmpf ogt, %get3A_664, %max3A_567 : vector<16xf32>
        %gt3A_666 = arith.cmpf ogt, %get3A_664, %select_n3A_565 : vector<16xf32>
        %select_n3A_667 = arith.select %gt3A_666, %add3A_607, %select_n3A_563 : vector<16xi1>, vector<16xi32>
        %select_n3A_668 = arith.select %gt3A_665, %select_n3A_566, %select_n3A_667 : vector<16xi1>, vector<16xi32>
        %max3A_669 = arith.maximumf %select_n3A_565, %get3A_664 : vector<16xf32>
        %select_n3A_670 = arith.select %gt3A_665, %max3A_567, %max3A_669 : vector<16xi1>, vector<16xf32>
        %select_n3A_671 = arith.select %gt3A_665, %add3A_607, %select_n3A_566 : vector<16xi1>, vector<16xi32>
        %max3A_672 = arith.maximumf %max3A_567, %get3A_664 : vector<16xf32>
        %get3A_673 = arith.constant 2 : i32
        %get3A_674 = arith.index_cast %scan3A_367 : i32 to index
        %get3A_675 = arith.index_cast %get3A_673 : i32 to index
        %get3A_676 = arith.constant 80 : index
        %get3A_677 = tpu.vector_load %arg4[%get3A_674, %get3A_675, %get3A_676] {strides = array<i32>} : memref<24x8x128xf32, #tpu.memory_space<vmem>>, vector<16xf32>,
        %gt3A_678 = arith.cmpf ogt, %get3A_677, %max3A_580 : vector<16xf32>
        %gt3A_679 = arith.cmpf ogt, %get3A_677, %select_n3A_578 : vector<16xf32>
        %select_n3A_680 = arith.select %gt3A_679, %add3A_607, %select_n3A_576 : vector<16xi1>, vector<16xi32>
        %select_n3A_681 = arith.select %gt3A_678, %select_n3A_579, %select_n3A_680 : vector<16xi1>, vector<16xi32>
        %max3A_682 = arith.maximumf %select_n3A_578, %get3A_677 : vector<16xf32>
        %select_n3A_683 = arith.select %gt3A_678, %max3A_580, %max3A_682 : vector<16xi1>, vector<16xf32>
        %select_n3A_684 = arith.select %gt3A_678, %add3A_607, %select_n3A_579 : vector<16xi1>, vector<16xi32>
        %max3A_685 = arith.maximumf %max3A_580, %get3A_677 : vector<16xf32>
        %get3A_686 = arith.constant 2 : i32
        %get3A_687 = arith.index_cast %scan3A_367 : i32 to index
        %get3A_688 = arith.index_cast %get3A_686 : i32 to index
        %get3A_689 = arith.constant 96 : index
        %get3A_690 = tpu.vector_load %arg4[%get3A_687, %get3A_688, %get3A_689] {strides = array<i32>} : memref<24x8x128xf32, #tpu.memory_space<vmem>>, vector<16xf32>,
        %gt3A_691 = arith.cmpf ogt, %get3A_690, %max3A_593 : vector<16xf32>
        %gt3A_692 = arith.cmpf ogt, %get3A_690, %select_n3A_591 : vector<16xf32>
        %select_n3A_693 = arith.select %gt3A_692, %add3A_607, %select_n3A_589 : vector<16xi1>, vector<16xi32>
        %select_n3A_694 = arith.select %gt3A_691, %select_n3A_592, %select_n3A_693 : vector<16xi1>, vector<16xi32>
        %max3A_695 = arith.maximumf %select_n3A_591, %get3A_690 : vector<16xf32>
        %select_n3A_696 = arith.select %gt3A_691, %max3A_593, %max3A_695 : vector<16xi1>, vector<16xf32>
        %select_n3A_697 = arith.select %gt3A_691, %add3A_607, %select_n3A_592 : vector<16xi1>, vector<16xi32>
        %max3A_698 = arith.maximumf %max3A_593, %get3A_690 : vector<16xf32>
        %get3A_699 = arith.constant 2 : i32
        %get3A_700 = arith.index_cast %scan3A_367 : i32 to index
        %get3A_701 = arith.index_cast %get3A_699 : i32 to index
        %get3A_702 = arith.constant 112 : index
        %get3A_703 = tpu.vector_load %arg4[%get3A_700, %get3A_701, %get3A_702] {strides = array<i32>} : memref<24x8x128xf32, #tpu.memory_space<vmem>>, vector<16xf32>,
        %gt3A_704 = arith.cmpf ogt, %get3A_703, %max3A_606 : vector<16xf32>
        %gt3A_705 = arith.cmpf ogt, %get3A_703, %select_n3A_604 : vector<16xf32>
        %select_n3A_706 = arith.select %gt3A_705, %add3A_607, %select_n3A_602 : vector<16xi1>, vector<16xi32>
        %select_n3A_707 = arith.select %gt3A_704, %select_n3A_605, %select_n3A_706 : vector<16xi1>, vector<16xi32>
        %max3A_708 = arith.maximumf %select_n3A_604, %get3A_703 : vector<16xf32>
        %select_n3A_709 = arith.select %gt3A_704, %max3A_606, %max3A_708 : vector<16xi1>, vector<16xf32>
        %select_n3A_710 = arith.select %gt3A_704, %add3A_607, %select_n3A_605 : vector<16xi1>, vector<16xi32>
        %max3A_711 = arith.maximumf %max3A_606, %get3A_703 : vector<16xf32>
        %add3A_712 = arith.addi %add3A_607, %broadcast_in_dim3A_37 : vector<16xi32>
        %get3A_713 = arith.constant 3 : i32
        %get3A_714 = arith.index_cast %scan3A_367 : i32 to index
        %get3A_715 = arith.index_cast %get3A_713 : i32 to index
        %get3A_716 = arith.constant 0 : index
        %get3A_717 = tpu.vector_load %arg4[%get3A_714, %get3A_715, %get3A_716] {strides = array<i32>} : memref<24x8x128xf32, #tpu.memory_space<vmem>>, vector<16xf32>,
        %gt3A_718 = arith.cmpf ogt, %get3A_717, %max3A_620 : vector<16xf32>
        %gt3A_719 = arith.cmpf ogt, %get3A_717, %select_n3A_618 : vector<16xf32>
        %select_n3A_720 = arith.select %gt3A_719, %add3A_712, %select_n3A_616 : vector<16xi1>, vector<16xi32>
        %select_n3A_721 = arith.select %gt3A_718, %select_n3A_619, %select_n3A_720 : vector<16xi1>, vector<16xi32>
        %max3A_722 = arith.maximumf %select_n3A_618, %get3A_717 : vector<16xf32>
        %select_n3A_723 = arith.select %gt3A_718, %max3A_620, %max3A_722 : vector<16xi1>, vector<16xf32>
        %select_n3A_724 = arith.select %gt3A_718, %add3A_712, %select_n3A_619 : vector<16xi1>, vector<16xi32>
        %max3A_725 = arith.maximumf %max3A_620, %get3A_717 : vector<16xf32>
        %get3A_726 = arith.constant 3 : i32
        %get3A_727 = arith.index_cast %scan3A_367 : i32 to index
        %get3A_728 = arith.index_cast %get3A_726 : i32 to index
        %get3A_729 = arith.constant 16 : index
        %get3A_730 = tpu.vector_load %arg4[%get3A_727, %get3A_728, %get3A_729] {strides = array<i32>} : memref<24x8x128xf32, #tpu.memory_space<vmem>>, vector<16xf32>,
        %gt3A_731 = arith.cmpf ogt, %get3A_730, %max3A_633 : vector<16xf32>
        %gt3A_732 = arith.cmpf ogt, %get3A_730, %select_n3A_631 : vector<16xf32>
        %select_n3A_733 = arith.select %gt3A_732, %add3A_712, %select_n3A_629 : vector<16xi1>, vector<16xi32>
        %select_n3A_734 = arith.select %gt3A_731, %select_n3A_632, %select_n3A_733 : vector<16xi1>, vector<16xi32>
        %max3A_735 = arith.maximumf %select_n3A_631, %get3A_730 : vector<16xf32>
        %select_n3A_736 = arith.select %gt3A_731, %max3A_633, %max3A_735 : vector<16xi1>, vector<16xf32>
        %select_n3A_737 = arith.select %gt3A_731, %add3A_712, %select_n3A_632 : vector<16xi1>, vector<16xi32>
        %max3A_738 = arith.maximumf %max3A_633, %get3A_730 : vector<16xf32>
        %get3A_739 = arith.constant 3 : i32
        %get3A_740 = arith.index_cast %scan3A_367 : i32 to index
        %get3A_741 = arith.index_cast %get3A_739 : i32 to index
        %get3A_742 = arith.constant 32 : index
        %get3A_743 = tpu.vector_load %arg4[%get3A_740, %get3A_741, %get3A_742] {strides = array<i32>} : memref<24x8x128xf32, #tpu.memory_space<vmem>>, vector<16xf32>,
        %gt3A_744 = arith.cmpf ogt, %get3A_743, %max3A_646 : vector<16xf32>
        %gt3A_745 = arith.cmpf ogt, %get3A_743, %select_n3A_644 : vector<16xf32>
        %select_n3A_746 = arith.select %gt3A_745, %add3A_712, %select_n3A_642 : vector<16xi1>, vector<16xi32>
        %select_n3A_747 = arith.select %gt3A_744, %select_n3A_645, %select_n3A_746 : vector<16xi1>, vector<16xi32>
        %max3A_748 = arith.maximumf %select_n3A_644, %get3A_743 : vector<16xf32>
        %select_n3A_749 = arith.select %gt3A_744, %max3A_646, %max3A_748 : vector<16xi1>, vector<16xf32>
        %select_n3A_750 = arith.select %gt3A_744, %add3A_712, %select_n3A_645 : vector<16xi1>, vector<16xi32>
        %max3A_751 = arith.maximumf %max3A_646, %get3A_743 : vector<16xf32>
        %get3A_752 = arith.constant 3 : i32
        %get3A_753 = arith.index_cast %scan3A_367 : i32 to index
        %get3A_754 = arith.index_cast %get3A_752 : i32 to index
        %get3A_755 = arith.constant 48 : index
        %get3A_756 = tpu.vector_load %arg4[%get3A_753, %get3A_754, %get3A_755] {strides = array<i32>} : memref<24x8x128xf32, #tpu.memory_space<vmem>>, vector<16xf32>,
        %gt3A_757 = arith.cmpf ogt, %get3A_756, %max3A_659 : vector<16xf32>
        %gt3A_758 = arith.cmpf ogt, %get3A_756, %select_n3A_657 : vector<16xf32>
        %select_n3A_759 = arith.select %gt3A_758, %add3A_712, %select_n3A_655 : vector<16xi1>, vector<16xi32>
        %select_n3A_760 = arith.select %gt3A_757, %select_n3A_658, %select_n3A_759 : vector<16xi1>, vector<16xi32>
        %max3A_761 = arith.maximumf %select_n3A_657, %get3A_756 : vector<16xf32>
        %select_n3A_762 = arith.select %gt3A_757, %max3A_659, %max3A_761 : vector<16xi1>, vector<16xf32>
        %select_n3A_763 = arith.select %gt3A_757, %add3A_712, %select_n3A_658 : vector<16xi1>, vector<16xi32>
        %max3A_764 = arith.maximumf %max3A_659, %get3A_756 : vector<16xf32>
        %get3A_765 = arith.constant 3 : i32
        %get3A_766 = arith.index_cast %scan3A_367 : i32 to index
        %get3A_767 = arith.index_cast %get3A_765 : i32 to index
        %get3A_768 = arith.constant 64 : index
        %get3A_769 = tpu.vector_load %arg4[%get3A_766, %get3A_767, %get3A_768] {strides = array<i32>} : memref<24x8x128xf32, #tpu.memory_space<vmem>>, vector<16xf32>,
        %gt3A_770 = arith.cmpf ogt, %get3A_769, %max3A_672 : vector<16xf32>
        %gt3A_771 = arith.cmpf ogt, %get3A_769, %select_n3A_670 : vector<16xf32>
        %select_n3A_772 = arith.select %gt3A_771, %add3A_712, %select_n3A_668 : vector<16xi1>, vector<16xi32>
        %select_n3A_773 = arith.select %gt3A_770, %select_n3A_671, %select_n3A_772 : vector<16xi1>, vector<16xi32>
        %max3A_774 = arith.maximumf %select_n3A_670, %get3A_769 : vector<16xf32>
        %select_n3A_775 = arith.select %gt3A_770, %max3A_672, %max3A_774 : vector<16xi1>, vector<16xf32>
        %select_n3A_776 = arith.select %gt3A_770, %add3A_712, %select_n3A_671 : vector<16xi1>, vector<16xi32>
        %max3A_777 = arith.maximumf %max3A_672, %get3A_769 : vector<16xf32>
        %get3A_778 = arith.constant 3 : i32
        %get3A_779 = arith.index_cast %scan3A_367 : i32 to index
        %get3A_780 = arith.index_cast %get3A_778 : i32 to index
        %get3A_781 = arith.constant 80 : index
        %get3A_782 = tpu.vector_load %arg4[%get3A_779, %get3A_780, %get3A_781] {strides = array<i32>} : memref<24x8x128xf32, #tpu.memory_space<vmem>>, vector<16xf32>,
        %gt3A_783 = arith.cmpf ogt, %get3A_782, %max3A_685 : vector<16xf32>
        %gt3A_784 = arith.cmpf ogt, %get3A_782, %select_n3A_683 : vector<16xf32>
        %select_n3A_785 = arith.select %gt3A_784, %add3A_712, %select_n3A_681 : vector<16xi1>, vector<16xi32>
        %select_n3A_786 = arith.select %gt3A_783, %select_n3A_684, %select_n3A_785 : vector<16xi1>, vector<16xi32>
        %max3A_787 = arith.maximumf %select_n3A_683, %get3A_782 : vector<16xf32>
        %select_n3A_788 = arith.select %gt3A_783, %max3A_685, %max3A_787 : vector<16xi1>, vector<16xf32>
        %select_n3A_789 = arith.select %gt3A_783, %add3A_712, %select_n3A_684 : vector<16xi1>, vector<16xi32>
        %max3A_790 = arith.maximumf %max3A_685, %get3A_782 : vector<16xf32>
        %get3A_791 = arith.constant 3 : i32
        %get3A_792 = arith.index_cast %scan3A_367 : i32 to index
        %get3A_793 = arith.index_cast %get3A_791 : i32 to index
        %get3A_794 = arith.constant 96 : index
        %get3A_795 = tpu.vector_load %arg4[%get3A_792, %get3A_793, %get3A_794] {strides = array<i32>} : memref<24x8x128xf32, #tpu.memory_space<vmem>>, vector<16xf32>,
        %gt3A_796 = arith.cmpf ogt, %get3A_795, %max3A_698 : vector<16xf32>
        %gt3A_797 = arith.cmpf ogt, %get3A_795, %select_n3A_696 : vector<16xf32>
        %select_n3A_798 = arith.select %gt3A_797, %add3A_712, %select_n3A_694 : vector<16xi1>, vector<16xi32>
        %select_n3A_799 = arith.select %gt3A_796, %select_n3A_697, %select_n3A_798 : vector<16xi1>, vector<16xi32>
        %max3A_800 = arith.maximumf %select_n3A_696, %get3A_795 : vector<16xf32>
        %select_n3A_801 = arith.select %gt3A_796, %max3A_698, %max3A_800 : vector<16xi1>, vector<16xf32>
        %select_n3A_802 = arith.select %gt3A_796, %add3A_712, %select_n3A_697 : vector<16xi1>, vector<16xi32>
        %max3A_803 = arith.maximumf %max3A_698, %get3A_795 : vector<16xf32>
        %get3A_804 = arith.constant 3 : i32
        %get3A_805 = arith.index_cast %scan3A_367 : i32 to index
        %get3A_806 = arith.index_cast %get3A_804 : i32 to index
        %get3A_807 = arith.constant 112 : index
        %get3A_808 = tpu.vector_load %arg4[%get3A_805, %get3A_806, %get3A_807] {strides = array<i32>} : memref<24x8x128xf32, #tpu.memory_space<vmem>>, vector<16xf32>,
        %gt3A_809 = arith.cmpf ogt, %get3A_808, %max3A_711 : vector<16xf32>
        %gt3A_810 = arith.cmpf ogt, %get3A_808, %select_n3A_709 : vector<16xf32>
        %select_n3A_811 = arith.select %gt3A_810, %add3A_712, %select_n3A_707 : vector<16xi1>, vector<16xi32>
        %select_n3A_812 = arith.select %gt3A_809, %select_n3A_710, %select_n3A_811 : vector<16xi1>, vector<16xi32>
        %max3A_813 = arith.maximumf %select_n3A_709, %get3A_808 : vector<16xf32>
        %select_n3A_814 = arith.select %gt3A_809, %max3A_711, %max3A_813 : vector<16xi1>, vector<16xf32>
        %select_n3A_815 = arith.select %gt3A_809, %add3A_712, %select_n3A_710 : vector<16xi1>, vector<16xi32>
        %max3A_816 = arith.maximumf %max3A_711, %get3A_808 : vector<16xf32>
        %add3A_817 = arith.addi %add3A_712, %broadcast_in_dim3A_37 : vector<16xi32>
        %get3A_818 = arith.constant 4 : i32
        %get3A_819 = arith.index_cast %scan3A_367 : i32 to index
        %get3A_820 = arith.index_cast %get3A_818 : i32 to index
        %get3A_821 = arith.constant 0 : index
        %get3A_822 = tpu.vector_load %arg4[%get3A_819, %get3A_820, %get3A_821] {strides = array<i32>} : memref<24x8x128xf32, #tpu.memory_space<vmem>>, vector<16xf32>,
        %gt3A_823 = arith.cmpf ogt, %get3A_822, %max3A_725 : vector<16xf32>
        %gt3A_824 = arith.cmpf ogt, %get3A_822, %select_n3A_723 : vector<16xf32>
        %select_n3A_825 = arith.select %gt3A_824, %add3A_817, %select_n3A_721 : vector<16xi1>, vector<16xi32>
        %select_n3A_826 = arith.select %gt3A_823, %select_n3A_724, %select_n3A_825 : vector<16xi1>, vector<16xi32>
        %max3A_827 = arith.maximumf %select_n3A_723, %get3A_822 : vector<16xf32>
        %select_n3A_828 = arith.select %gt3A_823, %max3A_725, %max3A_827 : vector<16xi1>, vector<16xf32>
        %select_n3A_829 = arith.select %gt3A_823, %add3A_817, %select_n3A_724 : vector<16xi1>, vector<16xi32>
        %max3A_830 = arith.maximumf %max3A_725, %get3A_822 : vector<16xf32>
        %get3A_831 = arith.constant 4 : i32
        %get3A_832 = arith.index_cast %scan3A_367 : i32 to index
        %get3A_833 = arith.index_cast %get3A_831 : i32 to index
        %get3A_834 = arith.constant 16 : index
        %get3A_835 = tpu.vector_load %arg4[%get3A_832, %get3A_833, %get3A_834] {strides = array<i32>} : memref<24x8x128xf32, #tpu.memory_space<vmem>>, vector<16xf32>,
        %gt3A_836 = arith.cmpf ogt, %get3A_835, %max3A_738 : vector<16xf32>
        %gt3A_837 = arith.cmpf ogt, %get3A_835, %select_n3A_736 : vector<16xf32>
        %select_n3A_838 = arith.select %gt3A_837, %add3A_817, %select_n3A_734 : vector<16xi1>, vector<16xi32>
        %select_n3A_839 = arith.select %gt3A_836, %select_n3A_737, %select_n3A_838 : vector<16xi1>, vector<16xi32>
        %max3A_840 = arith.maximumf %select_n3A_736, %get3A_835 : vector<16xf32>
        %select_n3A_841 = arith.select %gt3A_836, %max3A_738, %max3A_840 : vector<16xi1>, vector<16xf32>
        %select_n3A_842 = arith.select %gt3A_836, %add3A_817, %select_n3A_737 : vector<16xi1>, vector<16xi32>
        %max3A_843 = arith.maximumf %max3A_738, %get3A_835 : vector<16xf32>
        %get3A_844 = arith.constant 4 : i32
        %get3A_845 = arith.index_cast %scan3A_367 : i32 to index
        %get3A_846 = arith.index_cast %get3A_844 : i32 to index
        %get3A_847 = arith.constant 32 : index
        %get3A_848 = tpu.vector_load %arg4[%get3A_845, %get3A_846, %get3A_847] {strides = array<i32>} : memref<24x8x128xf32, #tpu.memory_space<vmem>>, vector<16xf32>,
        %gt3A_849 = arith.cmpf ogt, %get3A_848, %max3A_751 : vector<16xf32>
        %gt3A_850 = arith.cmpf ogt, %get3A_848, %select_n3A_749 : vector<16xf32>
        %select_n3A_851 = arith.select %gt3A_850, %add3A_817, %select_n3A_747 : vector<16xi1>, vector<16xi32>
        %select_n3A_852 = arith.select %gt3A_849, %select_n3A_750, %select_n3A_851 : vector<16xi1>, vector<16xi32>
        %max3A_853 = arith.maximumf %select_n3A_749, %get3A_848 : vector<16xf32>
        %select_n3A_854 = arith.select %gt3A_849, %max3A_751, %max3A_853 : vector<16xi1>, vector<16xf32>
        %select_n3A_855 = arith.select %gt3A_849, %add3A_817, %select_n3A_750 : vector<16xi1>, vector<16xi32>
        %max3A_856 = arith.maximumf %max3A_751, %get3A_848 : vector<16xf32>
        %get3A_857 = arith.constant 4 : i32
        %get3A_858 = arith.index_cast %scan3A_367 : i32 to index
        %get3A_859 = arith.index_cast %get3A_857 : i32 to index
        %get3A_860 = arith.constant 48 : index
        %get3A_861 = tpu.vector_load %arg4[%get3A_858, %get3A_859, %get3A_860] {strides = array<i32>} : memref<24x8x128xf32, #tpu.memory_space<vmem>>, vector<16xf32>,
        %gt3A_862 = arith.cmpf ogt, %get3A_861, %max3A_764 : vector<16xf32>
        %gt3A_863 = arith.cmpf ogt, %get3A_861, %select_n3A_762 : vector<16xf32>
        %select_n3A_864 = arith.select %gt3A_863, %add3A_817, %select_n3A_760 : vector<16xi1>, vector<16xi32>
        %select_n3A_865 = arith.select %gt3A_862, %select_n3A_763, %select_n3A_864 : vector<16xi1>, vector<16xi32>
        %max3A_866 = arith.maximumf %select_n3A_762, %get3A_861 : vector<16xf32>
        %select_n3A_867 = arith.select %gt3A_862, %max3A_764, %max3A_866 : vector<16xi1>, vector<16xf32>
        %select_n3A_868 = arith.select %gt3A_862, %add3A_817, %select_n3A_763 : vector<16xi1>, vector<16xi32>
        %max3A_869 = arith.maximumf %max3A_764, %get3A_861 : vector<16xf32>
        %get3A_870 = arith.constant 4 : i32
        %get3A_871 = arith.index_cast %scan3A_367 : i32 to index
        %get3A_872 = arith.index_cast %get3A_870 : i32 to index
        %get3A_873 = arith.constant 64 : index
        %get3A_874 = tpu.vector_load %arg4[%get3A_871, %get3A_872, %get3A_873] {strides = array<i32>} : memref<24x8x128xf32, #tpu.memory_space<vmem>>, vector<16xf32>,
        %gt3A_875 = arith.cmpf ogt, %get3A_874, %max3A_777 : vector<16xf32>
        %gt3A_876 = arith.cmpf ogt, %get3A_874, %select_n3A_775 : vector<16xf32>
        %select_n3A_877 = arith.select %gt3A_876, %add3A_817, %select_n3A_773 : vector<16xi1>, vector<16xi32>
        %select_n3A_878 = arith.select %gt3A_875, %select_n3A_776, %select_n3A_877 : vector<16xi1>, vector<16xi32>
        %max3A_879 = arith.maximumf %select_n3A_775, %get3A_874 : vector<16xf32>
        %select_n3A_880 = arith.select %gt3A_875, %max3A_777, %max3A_879 : vector<16xi1>, vector<16xf32>
        %select_n3A_881 = arith.select %gt3A_875, %add3A_817, %select_n3A_776 : vector<16xi1>, vector<16xi32>
        %max3A_882 = arith.maximumf %max3A_777, %get3A_874 : vector<16xf32>
        %get3A_883 = arith.constant 4 : i32
        %get3A_884 = arith.index_cast %scan3A_367 : i32 to index
        %get3A_885 = arith.index_cast %get3A_883 : i32 to index
        %get3A_886 = arith.constant 80 : index
        %get3A_887 = tpu.vector_load %arg4[%get3A_884, %get3A_885, %get3A_886] {strides = array<i32>} : memref<24x8x128xf32, #tpu.memory_space<vmem>>, vector<16xf32>,
        %gt3A_888 = arith.cmpf ogt, %get3A_887, %max3A_790 : vector<16xf32>
        %gt3A_889 = arith.cmpf ogt, %get3A_887, %select_n3A_788 : vector<16xf32>
        %select_n3A_890 = arith.select %gt3A_889, %add3A_817, %select_n3A_786 : vector<16xi1>, vector<16xi32>
        %select_n3A_891 = arith.select %gt3A_888, %select_n3A_789, %select_n3A_890 : vector<16xi1>, vector<16xi32>
        %max3A_892 = arith.maximumf %select_n3A_788, %get3A_887 : vector<16xf32>
        %select_n3A_893 = arith.select %gt3A_888, %max3A_790, %max3A_892 : vector<16xi1>, vector<16xf32>
        %select_n3A_894 = arith.select %gt3A_888, %add3A_817, %select_n3A_789 : vector<16xi1>, vector<16xi32>
        %max3A_895 = arith.maximumf %max3A_790, %get3A_887 : vector<16xf32>
        %get3A_896 = arith.constant 4 : i32
        %get3A_897 = arith.index_cast %scan3A_367 : i32 to index
        %get3A_898 = arith.index_cast %get3A_896 : i32 to index
        %get3A_899 = arith.constant 96 : index
        %get3A_900 = tpu.vector_load %arg4[%get3A_897, %get3A_898, %get3A_899] {strides = array<i32>} : memref<24x8x128xf32, #tpu.memory_space<vmem>>, vector<16xf32>,
        %gt3A_901 = arith.cmpf ogt, %get3A_900, %max3A_803 : vector<16xf32>
        %gt3A_902 = arith.cmpf ogt, %get3A_900, %select_n3A_801 : vector<16xf32>
        %select_n3A_903 = arith.select %gt3A_902, %add3A_817, %select_n3A_799 : vector<16xi1>, vector<16xi32>
        %select_n3A_904 = arith.select %gt3A_901, %select_n3A_802, %select_n3A_903 : vector<16xi1>, vector<16xi32>
        %max3A_905 = arith.maximumf %select_n3A_801, %get3A_900 : vector<16xf32>
        %select_n3A_906 = arith.select %gt3A_901, %max3A_803, %max3A_905 : vector<16xi1>, vector<16xf32>
        %select_n3A_907 = arith.select %gt3A_901, %add3A_817, %select_n3A_802 : vector<16xi1>, vector<16xi32>
        %max3A_908 = arith.maximumf %max3A_803, %get3A_900 : vector<16xf32>
        %get3A_909 = arith.constant 4 : i32
        %get3A_910 = arith.index_cast %scan3A_367 : i32 to index
        %get3A_911 = arith.index_cast %get3A_909 : i32 to index
        %get3A_912 = arith.constant 112 : index
        %get3A_913 = tpu.vector_load %arg4[%get3A_910, %get3A_911, %get3A_912] {strides = array<i32>} : memref<24x8x128xf32, #tpu.memory_space<vmem>>, vector<16xf32>,
        %gt3A_914 = arith.cmpf ogt, %get3A_913, %max3A_816 : vector<16xf32>
        %gt3A_915 = arith.cmpf ogt, %get3A_913, %select_n3A_814 : vector<16xf32>
        %select_n3A_916 = arith.select %gt3A_915, %add3A_817, %select_n3A_812 : vector<16xi1>, vector<16xi32>
        %select_n3A_917 = arith.select %gt3A_914, %select_n3A_815, %select_n3A_916 : vector<16xi1>, vector<16xi32>
        %max3A_918 = arith.maximumf %select_n3A_814, %get3A_913 : vector<16xf32>
        %select_n3A_919 = arith.select %gt3A_914, %max3A_816, %max3A_918 : vector<16xi1>, vector<16xf32>
        %select_n3A_920 = arith.select %gt3A_914, %add3A_817, %select_n3A_815 : vector<16xi1>, vector<16xi32>
        %max3A_921 = arith.maximumf %max3A_816, %get3A_913 : vector<16xf32>
        %add3A_922 = arith.addi %add3A_817, %broadcast_in_dim3A_37 : vector<16xi32>
        %get3A_923 = arith.constant 5 : i32
        %get3A_924 = arith.index_cast %scan3A_367 : i32 to index
        %get3A_925 = arith.index_cast %get3A_923 : i32 to index
        %get3A_926 = arith.constant 0 : index
        %get3A_927 = tpu.vector_load %arg4[%get3A_924, %get3A_925, %get3A_926] {strides = array<i32>} : memref<24x8x128xf32, #tpu.memory_space<vmem>>, vector<16xf32>,
        %gt3A_928 = arith.cmpf ogt, %get3A_927, %max3A_830 : vector<16xf32>
        %gt3A_929 = arith.cmpf ogt, %get3A_927, %select_n3A_828 : vector<16xf32>
        %select_n3A_930 = arith.select %gt3A_929, %add3A_922, %select_n3A_826 : vector<16xi1>, vector<16xi32>
        %select_n3A_931 = arith.select %gt3A_928, %select_n3A_829, %select_n3A_930 : vector<16xi1>, vector<16xi32>
        %max3A_932 = arith.maximumf %select_n3A_828, %get3A_927 : vector<16xf32>
        %select_n3A_933 = arith.select %gt3A_928, %max3A_830, %max3A_932 : vector<16xi1>, vector<16xf32>
        %select_n3A_934 = arith.select %gt3A_928, %add3A_922, %select_n3A_829 : vector<16xi1>, vector<16xi32>
        %max3A_935 = arith.maximumf %max3A_830, %get3A_927 : vector<16xf32>
        %get3A_936 = arith.constant 5 : i32
        %get3A_937 = arith.index_cast %scan3A_367 : i32 to index
        %get3A_938 = arith.index_cast %get3A_936 : i32 to index
        %get3A_939 = arith.constant 16 : index
        %get3A_940 = tpu.vector_load %arg4[%get3A_937, %get3A_938, %get3A_939] {strides = array<i32>} : memref<24x8x128xf32, #tpu.memory_space<vmem>>, vector<16xf32>,
        %gt3A_941 = arith.cmpf ogt, %get3A_940, %max3A_843 : vector<16xf32>
        %gt3A_942 = arith.cmpf ogt, %get3A_940, %select_n3A_841 : vector<16xf32>
        %select_n3A_943 = arith.select %gt3A_942, %add3A_922, %select_n3A_839 : vector<16xi1>, vector<16xi32>
        %select_n3A_944 = arith.select %gt3A_941, %select_n3A_842, %select_n3A_943 : vector<16xi1>, vector<16xi32>
        %max3A_945 = arith.maximumf %select_n3A_841, %get3A_940 : vector<16xf32>
        %select_n3A_946 = arith.select %gt3A_941, %max3A_843, %max3A_945 : vector<16xi1>, vector<16xf32>
        %select_n3A_947 = arith.select %gt3A_941, %add3A_922, %select_n3A_842 : vector<16xi1>, vector<16xi32>
        %max3A_948 = arith.maximumf %max3A_843, %get3A_940 : vector<16xf32>
        %get3A_949 = arith.constant 5 : i32
        %get3A_950 = arith.index_cast %scan3A_367 : i32 to index
        %get3A_951 = arith.index_cast %get3A_949 : i32 to index
        %get3A_952 = arith.constant 32 : index
        %get3A_953 = tpu.vector_load %arg4[%get3A_950, %get3A_951, %get3A_952] {strides = array<i32>} : memref<24x8x128xf32, #tpu.memory_space<vmem>>, vector<16xf32>,
        %gt3A_954 = arith.cmpf ogt, %get3A_953, %max3A_856 : vector<16xf32>
        %gt3A_955 = arith.cmpf ogt, %get3A_953, %select_n3A_854 : vector<16xf32>
        %select_n3A_956 = arith.select %gt3A_955, %add3A_922, %select_n3A_852 : vector<16xi1>, vector<16xi32>
        %select_n3A_957 = arith.select %gt3A_954, %select_n3A_855, %select_n3A_956 : vector<16xi1>, vector<16xi32>
        %max3A_958 = arith.maximumf %select_n3A_854, %get3A_953 : vector<16xf32>
        %select_n3A_959 = arith.select %gt3A_954, %max3A_856, %max3A_958 : vector<16xi1>, vector<16xf32>
        %select_n3A_960 = arith.select %gt3A_954, %add3A_922, %select_n3A_855 : vector<16xi1>, vector<16xi32>
        %max3A_961 = arith.maximumf %max3A_856, %get3A_953 : vector<16xf32>
        %get3A_962 = arith.constant 5 : i32
        %get3A_963 = arith.index_cast %scan3A_367 : i32 to index
        %get3A_964 = arith.index_cast %get3A_962 : i32 to index
        %get3A_965 = arith.constant 48 : index
        %get3A_966 = tpu.vector_load %arg4[%get3A_963, %get3A_964, %get3A_965] {strides = array<i32>} : memref<24x8x128xf32, #tpu.memory_space<vmem>>, vector<16xf32>,
        %gt3A_967 = arith.cmpf ogt, %get3A_966, %max3A_869 : vector<16xf32>
        %gt3A_968 = arith.cmpf ogt, %get3A_966, %select_n3A_867 : vector<16xf32>
        %select_n3A_969 = arith.select %gt3A_968, %add3A_922, %select_n3A_865 : vector<16xi1>, vector<16xi32>
        %select_n3A_970 = arith.select %gt3A_967, %select_n3A_868, %select_n3A_969 : vector<16xi1>, vector<16xi32>
        %max3A_971 = arith.maximumf %select_n3A_867, %get3A_966 : vector<16xf32>
        %select_n3A_972 = arith.select %gt3A_967, %max3A_869, %max3A_971 : vector<16xi1>, vector<16xf32>
        %select_n3A_973 = arith.select %gt3A_967, %add3A_922, %select_n3A_868 : vector<16xi1>, vector<16xi32>
        %max3A_974 = arith.maximumf %max3A_869, %get3A_966 : vector<16xf32>
        %get3A_975 = arith.constant 5 : i32
        %get3A_976 = arith.index_cast %scan3A_367 : i32 to index
        %get3A_977 = arith.index_cast %get3A_975 : i32 to index
        %get3A_978 = arith.constant 64 : index
        %get3A_979 = tpu.vector_load %arg4[%get3A_976, %get3A_977, %get3A_978] {strides = array<i32>} : memref<24x8x128xf32, #tpu.memory_space<vmem>>, vector<16xf32>,
        %gt3A_980 = arith.cmpf ogt, %get3A_979, %max3A_882 : vector<16xf32>
        %gt3A_981 = arith.cmpf ogt, %get3A_979, %select_n3A_880 : vector<16xf32>
        %select_n3A_982 = arith.select %gt3A_981, %add3A_922, %select_n3A_878 : vector<16xi1>, vector<16xi32>
        %select_n3A_983 = arith.select %gt3A_980, %select_n3A_881, %select_n3A_982 : vector<16xi1>, vector<16xi32>
        %max3A_984 = arith.maximumf %select_n3A_880, %get3A_979 : vector<16xf32>
        %select_n3A_985 = arith.select %gt3A_980, %max3A_882, %max3A_984 : vector<16xi1>, vector<16xf32>
        %select_n3A_986 = arith.select %gt3A_980, %add3A_922, %select_n3A_881 : vector<16xi1>, vector<16xi32>
        %max3A_987 = arith.maximumf %max3A_882, %get3A_979 : vector<16xf32>
        %get3A_988 = arith.constant 5 : i32
        %get3A_989 = arith.index_cast %scan3A_367 : i32 to index
        %get3A_990 = arith.index_cast %get3A_988 : i32 to index
        %get3A_991 = arith.constant 80 : index
        %get3A_992 = tpu.vector_load %arg4[%get3A_989, %get3A_990, %get3A_991] {strides = array<i32>} : memref<24x8x128xf32, #tpu.memory_space<vmem>>, vector<16xf32>,
        %gt3A_993 = arith.cmpf ogt, %get3A_992, %max3A_895 : vector<16xf32>
        %gt3A_994 = arith.cmpf ogt, %get3A_992, %select_n3A_893 : vector<16xf32>
        %select_n3A_995 = arith.select %gt3A_994, %add3A_922, %select_n3A_891 : vector<16xi1>, vector<16xi32>
        %select_n3A_996 = arith.select %gt3A_993, %select_n3A_894, %select_n3A_995 : vector<16xi1>, vector<16xi32>
        %max3A_997 = arith.maximumf %select_n3A_893, %get3A_992 : vector<16xf32>
        %select_n3A_998 = arith.select %gt3A_993, %max3A_895, %max3A_997 : vector<16xi1>, vector<16xf32>
        %select_n3A_999 = arith.select %gt3A_993, %add3A_922, %select_n3A_894 : vector<16xi1>, vector<16xi32>
        %max3A_1000 = arith.maximumf %max3A_895, %get3A_992 : vector<16xf32>
        %get3A_1001 = arith.constant 5 : i32
        %get3A_1002 = arith.index_cast %scan3A_367 : i32 to index
        %get3A_1003 = arith.index_cast %get3A_1001 : i32 to index
        %get3A_1004 = arith.constant 96 : index
        %get3A_1005 = tpu.vector_load %arg4[%get3A_1002, %get3A_1003, %get3A_1004] {strides = array<i32>} : memref<24x8x128xf32, #tpu.memory_space<vmem>>, vector<16xf32>,
        %gt3A_1006 = arith.cmpf ogt, %get3A_1005, %max3A_908 : vector<16xf32>
        %gt3A_1007 = arith.cmpf ogt, %get3A_1005, %select_n3A_906 : vector<16xf32>
        %select_n3A_1008 = arith.select %gt3A_1007, %add3A_922, %select_n3A_904 : vector<16xi1>, vector<16xi32>
        %select_n3A_1009 = arith.select %gt3A_1006, %select_n3A_907, %select_n3A_1008 : vector<16xi1>, vector<16xi32>
        %max3A_1010 = arith.maximumf %select_n3A_906, %get3A_1005 : vector<16xf32>
        %select_n3A_1011 = arith.select %gt3A_1006, %max3A_908, %max3A_1010 : vector<16xi1>, vector<16xf32>
        %select_n3A_1012 = arith.select %gt3A_1006, %add3A_922, %select_n3A_907 : vector<16xi1>, vector<16xi32>
        %max3A_1013 = arith.maximumf %max3A_908, %get3A_1005 : vector<16xf32>
        %get3A_1014 = arith.constant 5 : i32
        %get3A_1015 = arith.index_cast %scan3A_367 : i32 to index
        %get3A_1016 = arith.index_cast %get3A_1014 : i32 to index
        %get3A_1017 = arith.constant 112 : index
        %get3A_1018 = tpu.vector_load %arg4[%get3A_1015, %get3A_1016, %get3A_1017] {strides = array<i32>} : memref<24x8x128xf32, #tpu.memory_space<vmem>>, vector<16xf32>,
        %gt3A_1019 = arith.cmpf ogt, %get3A_1018, %max3A_921 : vector<16xf32>
        %gt3A_1020 = arith.cmpf ogt, %get3A_1018, %select_n3A_919 : vector<16xf32>
        %select_n3A_1021 = arith.select %gt3A_1020, %add3A_922, %select_n3A_917 : vector<16xi1>, vector<16xi32>
        %select_n3A_1022 = arith.select %gt3A_1019, %select_n3A_920, %select_n3A_1021 : vector<16xi1>, vector<16xi32>
        %max3A_1023 = arith.maximumf %select_n3A_919, %get3A_1018 : vector<16xf32>
        %select_n3A_1024 = arith.select %gt3A_1019, %max3A_921, %max3A_1023 : vector<16xi1>, vector<16xf32>
        %select_n3A_1025 = arith.select %gt3A_1019, %add3A_922, %select_n3A_920 : vector<16xi1>, vector<16xi32>
        %max3A_1026 = arith.maximumf %max3A_921, %get3A_1018 : vector<16xf32>
        %add3A_1027 = arith.addi %add3A_922, %broadcast_in_dim3A_37 : vector<16xi32>
        %get3A_1028 = arith.constant 6 : i32
        %get3A_1029 = arith.index_cast %scan3A_367 : i32 to index
        %get3A_1030 = arith.index_cast %get3A_1028 : i32 to index
        %get3A_1031 = arith.constant 0 : index
        %get3A_1032 = tpu.vector_load %arg4[%get3A_1029, %get3A_1030, %get3A_1031] {strides = array<i32>} : memref<24x8x128xf32, #tpu.memory_space<vmem>>, vector<16xf32>,
        %gt3A_1033 = arith.cmpf ogt, %get3A_1032, %max3A_935 : vector<16xf32>
        %gt3A_1034 = arith.cmpf ogt, %get3A_1032, %select_n3A_933 : vector<16xf32>
        %select_n3A_1035 = arith.select %gt3A_1034, %add3A_1027, %select_n3A_931 : vector<16xi1>, vector<16xi32>
        %select_n3A_1036 = arith.select %gt3A_1033, %select_n3A_934, %select_n3A_1035 : vector<16xi1>, vector<16xi32>
        %max3A_1037 = arith.maximumf %select_n3A_933, %get3A_1032 : vector<16xf32>
        %select_n3A_1038 = arith.select %gt3A_1033, %max3A_935, %max3A_1037 : vector<16xi1>, vector<16xf32>
        %select_n3A_1039 = arith.select %gt3A_1033, %add3A_1027, %select_n3A_934 : vector<16xi1>, vector<16xi32>
        %max3A_1040 = arith.maximumf %max3A_935, %get3A_1032 : vector<16xf32>
        %get3A_1041 = arith.constant 6 : i32
        %get3A_1042 = arith.index_cast %scan3A_367 : i32 to index
        %get3A_1043 = arith.index_cast %get3A_1041 : i32 to index
        %get3A_1044 = arith.constant 16 : index
        %get3A_1045 = tpu.vector_load %arg4[%get3A_1042, %get3A_1043, %get3A_1044] {strides = array<i32>} : memref<24x8x128xf32, #tpu.memory_space<vmem>>, vector<16xf32>,
        %gt3A_1046 = arith.cmpf ogt, %get3A_1045, %max3A_948 : vector<16xf32>
        %gt3A_1047 = arith.cmpf ogt, %get3A_1045, %select_n3A_946 : vector<16xf32>
        %select_n3A_1048 = arith.select %gt3A_1047, %add3A_1027, %select_n3A_944 : vector<16xi1>, vector<16xi32>
        %select_n3A_1049 = arith.select %gt3A_1046, %select_n3A_947, %select_n3A_1048 : vector<16xi1>, vector<16xi32>
        %max3A_1050 = arith.maximumf %select_n3A_946, %get3A_1045 : vector<16xf32>
        %select_n3A_1051 = arith.select %gt3A_1046, %max3A_948, %max3A_1050 : vector<16xi1>, vector<16xf32>
        %select_n3A_1052 = arith.select %gt3A_1046, %add3A_1027, %select_n3A_947 : vector<16xi1>, vector<16xi32>
        %max3A_1053 = arith.maximumf %max3A_948, %get3A_1045 : vector<16xf32>
        %get3A_1054 = arith.constant 6 : i32
        %get3A_1055 = arith.index_cast %scan3A_367 : i32 to index
        %get3A_1056 = arith.index_cast %get3A_1054 : i32 to index
        %get3A_1057 = arith.constant 32 : index
        %get3A_1058 = tpu.vector_load %arg4[%get3A_1055, %get3A_1056, %get3A_1057] {strides = array<i32>} : memref<24x8x128xf32, #tpu.memory_space<vmem>>, vector<16xf32>,
        %gt3A_1059 = arith.cmpf ogt, %get3A_1058, %max3A_961 : vector<16xf32>
        %gt3A_1060 = arith.cmpf ogt, %get3A_1058, %select_n3A_959 : vector<16xf32>
        %select_n3A_1061 = arith.select %gt3A_1060, %add3A_1027, %select_n3A_957 : vector<16xi1>, vector<16xi32>
        %select_n3A_1062 = arith.select %gt3A_1059, %select_n3A_960, %select_n3A_1061 : vector<16xi1>, vector<16xi32>
        %max3A_1063 = arith.maximumf %select_n3A_959, %get3A_1058 : vector<16xf32>
        %select_n3A_1064 = arith.select %gt3A_1059, %max3A_961, %max3A_1063 : vector<16xi1>, vector<16xf32>
        %select_n3A_1065 = arith.select %gt3A_1059, %add3A_1027, %select_n3A_960 : vector<16xi1>, vector<16xi32>
        %max3A_1066 = arith.maximumf %max3A_961, %get3A_1058 : vector<16xf32>
        %get3A_1067 = arith.constant 6 : i32
        %get3A_1068 = arith.index_cast %scan3A_367 : i32 to index
        %get3A_1069 = arith.index_cast %get3A_1067 : i32 to index
        %get3A_1070 = arith.constant 48 : index
        %get3A_1071 = tpu.vector_load %arg4[%get3A_1068, %get3A_1069, %get3A_1070] {strides = array<i32>} : memref<24x8x128xf32, #tpu.memory_space<vmem>>, vector<16xf32>,
        %gt3A_1072 = arith.cmpf ogt, %get3A_1071, %max3A_974 : vector<16xf32>
        %gt3A_1073 = arith.cmpf ogt, %get3A_1071, %select_n3A_972 : vector<16xf32>
        %select_n3A_1074 = arith.select %gt3A_1073, %add3A_1027, %select_n3A_970 : vector<16xi1>, vector<16xi32>
        %select_n3A_1075 = arith.select %gt3A_1072, %select_n3A_973, %select_n3A_1074 : vector<16xi1>, vector<16xi32>
        %max3A_1076 = arith.maximumf %select_n3A_972, %get3A_1071 : vector<16xf32>
        %select_n3A_1077 = arith.select %gt3A_1072, %max3A_974, %max3A_1076 : vector<16xi1>, vector<16xf32>
        %select_n3A_1078 = arith.select %gt3A_1072, %add3A_1027, %select_n3A_973 : vector<16xi1>, vector<16xi32>
        %max3A_1079 = arith.maximumf %max3A_974, %get3A_1071 : vector<16xf32>
        %get3A_1080 = arith.constant 6 : i32
        %get3A_1081 = arith.index_cast %scan3A_367 : i32 to index
        %get3A_1082 = arith.index_cast %get3A_1080 : i32 to index
        %get3A_1083 = arith.constant 64 : index
        %get3A_1084 = tpu.vector_load %arg4[%get3A_1081, %get3A_1082, %get3A_1083] {strides = array<i32>} : memref<24x8x128xf32, #tpu.memory_space<vmem>>, vector<16xf32>,
        %gt3A_1085 = arith.cmpf ogt, %get3A_1084, %max3A_987 : vector<16xf32>
        %gt3A_1086 = arith.cmpf ogt, %get3A_1084, %select_n3A_985 : vector<16xf32>
        %select_n3A_1087 = arith.select %gt3A_1086, %add3A_1027, %select_n3A_983 : vector<16xi1>, vector<16xi32>
        %select_n3A_1088 = arith.select %gt3A_1085, %select_n3A_986, %select_n3A_1087 : vector<16xi1>, vector<16xi32>
        %max3A_1089 = arith.maximumf %select_n3A_985, %get3A_1084 : vector<16xf32>
        %select_n3A_1090 = arith.select %gt3A_1085, %max3A_987, %max3A_1089 : vector<16xi1>, vector<16xf32>
        %select_n3A_1091 = arith.select %gt3A_1085, %add3A_1027, %select_n3A_986 : vector<16xi1>, vector<16xi32>
        %max3A_1092 = arith.maximumf %max3A_987, %get3A_1084 : vector<16xf32>
        %get3A_1093 = arith.constant 6 : i32
        %get3A_1094 = arith.index_cast %scan3A_367 : i32 to index
        %get3A_1095 = arith.index_cast %get3A_1093 : i32 to index
        %get3A_1096 = arith.constant 80 : index
        %get3A_1097 = tpu.vector_load %arg4[%get3A_1094, %get3A_1095, %get3A_1096] {strides = array<i32>} : memref<24x8x128xf32, #tpu.memory_space<vmem>>, vector<16xf32>,
        %gt3A_1098 = arith.cmpf ogt, %get3A_1097, %max3A_1000 : vector<16xf32>
        %gt3A_1099 = arith.cmpf ogt, %get3A_1097, %select_n3A_998 : vector<16xf32>
        %select_n3A_1100 = arith.select %gt3A_1099, %add3A_1027, %select_n3A_996 : vector<16xi1>, vector<16xi32>
        %select_n3A_1101 = arith.select %gt3A_1098, %select_n3A_999, %select_n3A_1100 : vector<16xi1>, vector<16xi32>
        %max3A_1102 = arith.maximumf %select_n3A_998, %get3A_1097 : vector<16xf32>
        %select_n3A_1103 = arith.select %gt3A_1098, %max3A_1000, %max3A_1102 : vector<16xi1>, vector<16xf32>
        %select_n3A_1104 = arith.select %gt3A_1098, %add3A_1027, %select_n3A_999 : vector<16xi1>, vector<16xi32>
        %max3A_1105 = arith.maximumf %max3A_1000, %get3A_1097 : vector<16xf32>
        %get3A_1106 = arith.constant 6 : i32
        %get3A_1107 = arith.index_cast %scan3A_367 : i32 to index
        %get3A_1108 = arith.index_cast %get3A_1106 : i32 to index
        %get3A_1109 = arith.constant 96 : index
        %get3A_1110 = tpu.vector_load %arg4[%get3A_1107, %get3A_1108, %get3A_1109] {strides = array<i32>} : memref<24x8x128xf32, #tpu.memory_space<vmem>>, vector<16xf32>,
        %gt3A_1111 = arith.cmpf ogt, %get3A_1110, %max3A_1013 : vector<16xf32>
        %gt3A_1112 = arith.cmpf ogt, %get3A_1110, %select_n3A_1011 : vector<16xf32>
        %select_n3A_1113 = arith.select %gt3A_1112, %add3A_1027, %select_n3A_1009 : vector<16xi1>, vector<16xi32>
        %select_n3A_1114 = arith.select %gt3A_1111, %select_n3A_1012, %select_n3A_1113 : vector<16xi1>, vector<16xi32>
        %max3A_1115 = arith.maximumf %select_n3A_1011, %get3A_1110 : vector<16xf32>
        %select_n3A_1116 = arith.select %gt3A_1111, %max3A_1013, %max3A_1115 : vector<16xi1>, vector<16xf32>
        %select_n3A_1117 = arith.select %gt3A_1111, %add3A_1027, %select_n3A_1012 : vector<16xi1>, vector<16xi32>
        %max3A_1118 = arith.maximumf %max3A_1013, %get3A_1110 : vector<16xf32>
        %get3A_1119 = arith.constant 6 : i32
        %get3A_1120 = arith.index_cast %scan3A_367 : i32 to index
        %get3A_1121 = arith.index_cast %get3A_1119 : i32 to index
        %get3A_1122 = arith.constant 112 : index
        %get3A_1123 = tpu.vector_load %arg4[%get3A_1120, %get3A_1121, %get3A_1122] {strides = array<i32>} : memref<24x8x128xf32, #tpu.memory_space<vmem>>, vector<16xf32>,
        %gt3A_1124 = arith.cmpf ogt, %get3A_1123, %max3A_1026 : vector<16xf32>
        %gt3A_1125 = arith.cmpf ogt, %get3A_1123, %select_n3A_1024 : vector<16xf32>
        %select_n3A_1126 = arith.select %gt3A_1125, %add3A_1027, %select_n3A_1022 : vector<16xi1>, vector<16xi32>
        %select_n3A_1127 = arith.select %gt3A_1124, %select_n3A_1025, %select_n3A_1126 : vector<16xi1>, vector<16xi32>
        %max3A_1128 = arith.maximumf %select_n3A_1024, %get3A_1123 : vector<16xf32>
        %select_n3A_1129 = arith.select %gt3A_1124, %max3A_1026, %max3A_1128 : vector<16xi1>, vector<16xf32>
        %select_n3A_1130 = arith.select %gt3A_1124, %add3A_1027, %select_n3A_1025 : vector<16xi1>, vector<16xi32>
        %max3A_1131 = arith.maximumf %max3A_1026, %get3A_1123 : vector<16xf32>
        %add3A_1132 = arith.addi %add3A_1027, %broadcast_in_dim3A_37 : vector<16xi32>
        %get3A_1133 = arith.constant 7 : i32
        %get3A_1134 = arith.index_cast %scan3A_367 : i32 to index
        %get3A_1135 = arith.index_cast %get3A_1133 : i32 to index
        %get3A_1136 = arith.constant 0 : index
        %get3A_1137 = tpu.vector_load %arg4[%get3A_1134, %get3A_1135, %get3A_1136] {strides = array<i32>} : memref<24x8x128xf32, #tpu.memory_space<vmem>>, vector<16xf32>,
        %gt3A_1138 = arith.cmpf ogt, %get3A_1137, %max3A_1040 : vector<16xf32>
        %gt3A_1139 = arith.cmpf ogt, %get3A_1137, %select_n3A_1038 : vector<16xf32>
        %select_n3A_1140 = arith.select %gt3A_1139, %add3A_1132, %select_n3A_1036 : vector<16xi1>, vector<16xi32>
        %select_n3A_1141 = arith.select %gt3A_1138, %select_n3A_1039, %select_n3A_1140 : vector<16xi1>, vector<16xi32>
        %max3A_1142 = arith.maximumf %select_n3A_1038, %get3A_1137 : vector<16xf32>
        %select_n3A_1143 = arith.select %gt3A_1138, %max3A_1040, %max3A_1142 : vector<16xi1>, vector<16xf32>
        %select_n3A_1144 = arith.select %gt3A_1138, %add3A_1132, %select_n3A_1039 : vector<16xi1>, vector<16xi32>
        %max3A_1145 = arith.maximumf %max3A_1040, %get3A_1137 : vector<16xf32>
        %get3A_1146 = arith.constant 7 : i32
        %get3A_1147 = arith.index_cast %scan3A_367 : i32 to index
        %get3A_1148 = arith.index_cast %get3A_1146 : i32 to index
        %get3A_1149 = arith.constant 16 : index
        %get3A_1150 = tpu.vector_load %arg4[%get3A_1147, %get3A_1148, %get3A_1149] {strides = array<i32>} : memref<24x8x128xf32, #tpu.memory_space<vmem>>, vector<16xf32>,
        %gt3A_1151 = arith.cmpf ogt, %get3A_1150, %max3A_1053 : vector<16xf32>
        %gt3A_1152 = arith.cmpf ogt, %get3A_1150, %select_n3A_1051 : vector<16xf32>
        %select_n3A_1153 = arith.select %gt3A_1152, %add3A_1132, %select_n3A_1049 : vector<16xi1>, vector<16xi32>
        %select_n3A_1154 = arith.select %gt3A_1151, %select_n3A_1052, %select_n3A_1153 : vector<16xi1>, vector<16xi32>
        %max3A_1155 = arith.maximumf %select_n3A_1051, %get3A_1150 : vector<16xf32>
        %select_n3A_1156 = arith.select %gt3A_1151, %max3A_1053, %max3A_1155 : vector<16xi1>, vector<16xf32>
        %select_n3A_1157 = arith.select %gt3A_1151, %add3A_1132, %select_n3A_1052 : vector<16xi1>, vector<16xi32>
        %max3A_1158 = arith.maximumf %max3A_1053, %get3A_1150 : vector<16xf32>
        %get3A_1159 = arith.constant 7 : i32
        %get3A_1160 = arith.index_cast %scan3A_367 : i32 to index
        %get3A_1161 = arith.index_cast %get3A_1159 : i32 to index
        %get3A_1162 = arith.constant 32 : index
        %get3A_1163 = tpu.vector_load %arg4[%get3A_1160, %get3A_1161, %get3A_1162] {strides = array<i32>} : memref<24x8x128xf32, #tpu.memory_space<vmem>>, vector<16xf32>,
        %gt3A_1164 = arith.cmpf ogt, %get3A_1163, %max3A_1066 : vector<16xf32>
        %gt3A_1165 = arith.cmpf ogt, %get3A_1163, %select_n3A_1064 : vector<16xf32>
        %select_n3A_1166 = arith.select %gt3A_1165, %add3A_1132, %select_n3A_1062 : vector<16xi1>, vector<16xi32>
        %select_n3A_1167 = arith.select %gt3A_1164, %select_n3A_1065, %select_n3A_1166 : vector<16xi1>, vector<16xi32>
        %max3A_1168 = arith.maximumf %select_n3A_1064, %get3A_1163 : vector<16xf32>
        %select_n3A_1169 = arith.select %gt3A_1164, %max3A_1066, %max3A_1168 : vector<16xi1>, vector<16xf32>
        %select_n3A_1170 = arith.select %gt3A_1164, %add3A_1132, %select_n3A_1065 : vector<16xi1>, vector<16xi32>
        %max3A_1171 = arith.maximumf %max3A_1066, %get3A_1163 : vector<16xf32>
        %get3A_1172 = arith.constant 7 : i32
        %get3A_1173 = arith.index_cast %scan3A_367 : i32 to index
        %get3A_1174 = arith.index_cast %get3A_1172 : i32 to index
        %get3A_1175 = arith.constant 48 : index
        %get3A_1176 = tpu.vector_load %arg4[%get3A_1173, %get3A_1174, %get3A_1175] {strides = array<i32>} : memref<24x8x128xf32, #tpu.memory_space<vmem>>, vector<16xf32>,
        %gt3A_1177 = arith.cmpf ogt, %get3A_1176, %max3A_1079 : vector<16xf32>
        %gt3A_1178 = arith.cmpf ogt, %get3A_1176, %select_n3A_1077 : vector<16xf32>
        %select_n3A_1179 = arith.select %gt3A_1178, %add3A_1132, %select_n3A_1075 : vector<16xi1>, vector<16xi32>
        %select_n3A_1180 = arith.select %gt3A_1177, %select_n3A_1078, %select_n3A_1179 : vector<16xi1>, vector<16xi32>
        %max3A_1181 = arith.maximumf %select_n3A_1077, %get3A_1176 : vector<16xf32>
        %select_n3A_1182 = arith.select %gt3A_1177, %max3A_1079, %max3A_1181 : vector<16xi1>, vector<16xf32>
        %select_n3A_1183 = arith.select %gt3A_1177, %add3A_1132, %select_n3A_1078 : vector<16xi1>, vector<16xi32>
        %max3A_1184 = arith.maximumf %max3A_1079, %get3A_1176 : vector<16xf32>
        %get3A_1185 = arith.constant 7 : i32
        %get3A_1186 = arith.index_cast %scan3A_367 : i32 to index
        %get3A_1187 = arith.index_cast %get3A_1185 : i32 to index
        %get3A_1188 = arith.constant 64 : index
        %get3A_1189 = tpu.vector_load %arg4[%get3A_1186, %get3A_1187, %get3A_1188] {strides = array<i32>} : memref<24x8x128xf32, #tpu.memory_space<vmem>>, vector<16xf32>,
        %gt3A_1190 = arith.cmpf ogt, %get3A_1189, %max3A_1092 : vector<16xf32>
        %gt3A_1191 = arith.cmpf ogt, %get3A_1189, %select_n3A_1090 : vector<16xf32>
        %select_n3A_1192 = arith.select %gt3A_1191, %add3A_1132, %select_n3A_1088 : vector<16xi1>, vector<16xi32>
        %select_n3A_1193 = arith.select %gt3A_1190, %select_n3A_1091, %select_n3A_1192 : vector<16xi1>, vector<16xi32>
        %max3A_1194 = arith.maximumf %select_n3A_1090, %get3A_1189 : vector<16xf32>
        %select_n3A_1195 = arith.select %gt3A_1190, %max3A_1092, %max3A_1194 : vector<16xi1>, vector<16xf32>
        %select_n3A_1196 = arith.select %gt3A_1190, %add3A_1132, %select_n3A_1091 : vector<16xi1>, vector<16xi32>
        %max3A_1197 = arith.maximumf %max3A_1092, %get3A_1189 : vector<16xf32>
        %get3A_1198 = arith.constant 7 : i32
        %get3A_1199 = arith.index_cast %scan3A_367 : i32 to index
        %get3A_1200 = arith.index_cast %get3A_1198 : i32 to index
        %get3A_1201 = arith.constant 80 : index
        %get3A_1202 = tpu.vector_load %arg4[%get3A_1199, %get3A_1200, %get3A_1201] {strides = array<i32>} : memref<24x8x128xf32, #tpu.memory_space<vmem>>, vector<16xf32>,
        %gt3A_1203 = arith.cmpf ogt, %get3A_1202, %max3A_1105 : vector<16xf32>
        %gt3A_1204 = arith.cmpf ogt, %get3A_1202, %select_n3A_1103 : vector<16xf32>
        %select_n3A_1205 = arith.select %gt3A_1204, %add3A_1132, %select_n3A_1101 : vector<16xi1>, vector<16xi32>
        %select_n3A_1206 = arith.select %gt3A_1203, %select_n3A_1104, %select_n3A_1205 : vector<16xi1>, vector<16xi32>
        %max3A_1207 = arith.maximumf %select_n3A_1103, %get3A_1202 : vector<16xf32>
        %select_n3A_1208 = arith.select %gt3A_1203, %max3A_1105, %max3A_1207 : vector<16xi1>, vector<16xf32>
        %select_n3A_1209 = arith.select %gt3A_1203, %add3A_1132, %select_n3A_1104 : vector<16xi1>, vector<16xi32>
        %max3A_1210 = arith.maximumf %max3A_1105, %get3A_1202 : vector<16xf32>
        %get3A_1211 = arith.constant 7 : i32
        %get3A_1212 = arith.index_cast %scan3A_367 : i32 to index
        %get3A_1213 = arith.index_cast %get3A_1211 : i32 to index
        %get3A_1214 = arith.constant 96 : index
        %get3A_1215 = tpu.vector_load %arg4[%get3A_1212, %get3A_1213, %get3A_1214] {strides = array<i32>} : memref<24x8x128xf32, #tpu.memory_space<vmem>>, vector<16xf32>,
        %gt3A_1216 = arith.cmpf ogt, %get3A_1215, %max3A_1118 : vector<16xf32>
        %gt3A_1217 = arith.cmpf ogt, %get3A_1215, %select_n3A_1116 : vector<16xf32>
        %select_n3A_1218 = arith.select %gt3A_1217, %add3A_1132, %select_n3A_1114 : vector<16xi1>, vector<16xi32>
        %select_n3A_1219 = arith.select %gt3A_1216, %select_n3A_1117, %select_n3A_1218 : vector<16xi1>, vector<16xi32>
        %max3A_1220 = arith.maximumf %select_n3A_1116, %get3A_1215 : vector<16xf32>
        %select_n3A_1221 = arith.select %gt3A_1216, %max3A_1118, %max3A_1220 : vector<16xi1>, vector<16xf32>
        %select_n3A_1222 = arith.select %gt3A_1216, %add3A_1132, %select_n3A_1117 : vector<16xi1>, vector<16xi32>
        %max3A_1223 = arith.maximumf %max3A_1118, %get3A_1215 : vector<16xf32>
        %get3A_1224 = arith.constant 7 : i32
        %get3A_1225 = arith.index_cast %scan3A_367 : i32 to index
        %get3A_1226 = arith.index_cast %get3A_1224 : i32 to index
        %get3A_1227 = arith.constant 112 : index
        %get3A_1228 = tpu.vector_load %arg4[%get3A_1225, %get3A_1226, %get3A_1227] {strides = array<i32>} : memref<24x8x128xf32, #tpu.memory_space<vmem>>, vector<16xf32>,
        %gt3A_1229 = arith.cmpf ogt, %get3A_1228, %max3A_1131 : vector<16xf32>
        %gt3A_1230 = arith.cmpf ogt, %get3A_1228, %select_n3A_1129 : vector<16xf32>
        %select_n3A_1231 = arith.select %gt3A_1230, %add3A_1132, %select_n3A_1127 : vector<16xi1>, vector<16xi32>
        %select_n3A_1232 = arith.select %gt3A_1229, %select_n3A_1130, %select_n3A_1231 : vector<16xi1>, vector<16xi32>
        %max3A_1233 = arith.maximumf %select_n3A_1129, %get3A_1228 : vector<16xf32>
        %select_n3A_1234 = arith.select %gt3A_1229, %max3A_1131, %max3A_1233 : vector<16xi1>, vector<16xf32>
        %select_n3A_1235 = arith.select %gt3A_1229, %add3A_1132, %select_n3A_1130 : vector<16xi1>, vector<16xi32>
        %max3A_1236 = arith.maximumf %max3A_1131, %get3A_1228 : vector<16xf32>
        %add3A_1237 = arith.addi %add3A_1132, %broadcast_in_dim3A_37 : vector<16xi32>
        scf.yield %add3A_1237, %max3A_1145, %select_n3A_1143, %select_n3A_1144, %select_n3A_1141, %max3A_1158, %select_n3A_1156, %select_n3A_1157, %select_n3A_1154, %max3A_1171, %select_n3A_1169, %select_n3A_1170, %select_n3A_1167, %max3A_1184, %select_n3A_1182, %select_n3A_1183, %select_n3A_1180, %max3A_1197, %select_n3A_1195, %select_n3A_1196, %select_n3A_1193, %max3A_1210, %select_n3A_1208, %select_n3A_1209, %select_n3A_1206, %max3A_1223, %select_n3A_1221, %select_n3A_1222, %select_n3A_1219, %max3A_1236, %select_n3A_1234, %select_n3A_1235, %select_n3A_1232 : vector<16xi32>, vector<16xf32>, vector<16xf32>, vector<16xi32>, vector<16xi32>, vector<16xf32>, vector<16xf32>, vector<16xi32>, vector<16xi32>, vector<16xf32>, vector<16xf32>, vector<16xi32>, vector<16xi32>, vector<16xf32>, vector<16xf32>, vector<16xi32>, vector<16xi32>, vector<16xf32>, vector<16xf32>, vector<16xi32>, vector<16xi32>, vector<16xf32>, vector<16xf32>, vector<16xi32>, vector<16xi32>, vector<16xf32>, vector<16xf32>, vector<16xi32>, vector<16xi32>, vector<16xf32>, vector<16xf32>, vector<16xi32>, vector<16xi32>
      }
      %scan3A_89 = arith.constant 24 : i32
      %sub3A_90 = arith.subf %scan3A_88#2, %scan3A_88#1 : vector<16xf32>
      %exp3A = math.exp %sub3A_90 : vector<16xf32>
      %convert_element_type3A = arith.sitofp %scan3A_88#3 : vector<16xi32> to vector<16xf32>
      %convert_element_type3A_91 = arith.sitofp %scan3A_88#4 : vector<16xi32> to vector<16xf32>
      %mul3A_92 = arith.mulf %convert_element_type3A_91, %exp3A : vector<16xf32>
      %add3A_93 = arith.addf %convert_element_type3A, %mul3A_92 : vector<16xf32>
      %add3A_94 = arith.constant 1.000000e+00 : f32
      %add3A_95 = vector.broadcast %add3A_94 : f32 to vector<16xf32>
      %add3A_96 = arith.addf %add3A_95, %exp3A : vector<16xf32>
      %div3A_97 = arith.divf %add3A_93, %add3A_96 : vector<16xf32>
      %mul3A_98 = arith.constant 128 : i32
      %mul3A_99 = arith.muli %mul3A_60, %mul3A_98 : i32
      %add3A_100 = arith.constant 0 : i32
      %add3A_101 = arith.addi %mul3A_99, %add3A_100 : i32
      %swap3A = arith.index_cast %add3A_101 : i32 to index
      %swap3A_102 = tpu.vector_load %arg6[%swap3A] {strides = array<i32>} : memref<3072xf32, #tpu.memory_space<vmem>>, vector<16xf32>,
      tpu.vector_store %arg6[%swap3A], %div3A_97 {strides = array<i32>} : memref<3072xf32, #tpu.memory_space<vmem>>, vector<16xf32>,
      %sub3A_103 = arith.subf %scan3A_88#6, %scan3A_88#5 : vector<16xf32>
      %exp3A_104 = math.exp %sub3A_103 : vector<16xf32>
      %convert_element_type3A_105 = arith.sitofp %scan3A_88#7 : vector<16xi32> to vector<16xf32>
      %convert_element_type3A_106 = arith.sitofp %scan3A_88#8 : vector<16xi32> to vector<16xf32>
      %mul3A_107 = arith.mulf %convert_element_type3A_106, %exp3A_104 : vector<16xf32>
      %add3A_108 = arith.addf %convert_element_type3A_105, %mul3A_107 : vector<16xf32>
      %add3A_109 = arith.constant 1.000000e+00 : f32
      %add3A_110 = vector.broadcast %add3A_109 : f32 to vector<16xf32>
      %add3A_111 = arith.addf %add3A_110, %exp3A_104 : vector<16xf32>
      %div3A_112 = arith.divf %add3A_108, %add3A_111 : vector<16xf32>
      %mul3A_113 = arith.constant 128 : i32
      %mul3A_114 = arith.muli %mul3A_60, %mul3A_113 : i32
      %add3A_115 = arith.constant 16 : i32
      %add3A_116 = arith.addi %mul3A_114, %add3A_115 : i32
      %swap3A_117 = arith.index_cast %add3A_116 : i32 to index
      %swap3A_118 = tpu.vector_load %arg6[%swap3A_117] {strides = array<i32>} : memref<3072xf32, #tpu.memory_space<vmem>>, vector<16xf32>,
      tpu.vector_store %arg6[%swap3A_117], %div3A_112 {strides = array<i32>} : memref<3072xf32, #tpu.memory_space<vmem>>, vector<16xf32>,
      %sub3A_119 = arith.subf %scan3A_88#10, %scan3A_88#9 : vector<16xf32>
      %exp3A_120 = math.exp %sub3A_119 : vector<16xf32>
      %convert_element_type3A_121 = arith.sitofp %scan3A_88#11 : vector<16xi32> to vector<16xf32>
      %convert_element_type3A_122 = arith.sitofp %scan3A_88#12 : vector<16xi32> to vector<16xf32>
      %mul3A_123 = arith.mulf %convert_element_type3A_122, %exp3A_120 : vector<16xf32>
      %add3A_124 = arith.addf %convert_element_type3A_121, %mul3A_123 : vector<16xf32>
      %add3A_125 = arith.constant 1.000000e+00 : f32
      %add3A_126 = vector.broadcast %add3A_125 : f32 to vector<16xf32>
      %add3A_127 = arith.addf %add3A_126, %exp3A_120 : vector<16xf32>
      %div3A_128 = arith.divf %add3A_124, %add3A_127 : vector<16xf32>
      %mul3A_129 = arith.constant 128 : i32
      %mul3A_130 = arith.muli %mul3A_60, %mul3A_129 : i32
      %add3A_131 = arith.constant 32 : i32
      %add3A_132 = arith.addi %mul3A_130, %add3A_131 : i32
      %swap3A_133 = arith.index_cast %add3A_132 : i32 to index
      %swap3A_134 = tpu.vector_load %arg6[%swap3A_133] {strides = array<i32>} : memref<3072xf32, #tpu.memory_space<vmem>>, vector<16xf32>,
      tpu.vector_store %arg6[%swap3A_133], %div3A_128 {strides = array<i32>} : memref<3072xf32, #tpu.memory_space<vmem>>, vector<16xf32>,
      %sub3A_135 = arith.subf %scan3A_88#14, %scan3A_88#13 : vector<16xf32>
      %exp3A_136 = math.exp %sub3A_135 : vector<16xf32>
      %convert_element_type3A_137 = arith.sitofp %scan3A_88#15 : vector<16xi32> to vector<16xf32>
      %convert_element_type3A_138 = arith.sitofp %scan3A_88#16 : vector<16xi32> to vector<16xf32>
      %mul3A_139 = arith.mulf %convert_element_type3A_138, %exp3A_136 : vector<16xf32>
      %add3A_140 = arith.addf %convert_element_type3A_137, %mul3A_139 : vector<16xf32>
      %add3A_141 = arith.constant 1.000000e+00 : f32
      %add3A_142 = vector.broadcast %add3A_141 : f32 to vector<16xf32>
      %add3A_143 = arith.addf %add3A_142, %exp3A_136 : vector<16xf32>
      %div3A_144 = arith.divf %add3A_140, %add3A_143 : vector<16xf32>
      %mul3A_145 = arith.constant 128 : i32
      %mul3A_146 = arith.muli %mul3A_60, %mul3A_145 : i32
      %add3A_147 = arith.constant 48 : i32
      %add3A_148 = arith.addi %mul3A_146, %add3A_147 : i32
      %swap3A_149 = arith.index_cast %add3A_148 : i32 to index
      %swap3A_150 = tpu.vector_load %arg6[%swap3A_149] {strides = array<i32>} : memref<3072xf32, #tpu.memory_space<vmem>>, vector<16xf32>,
      tpu.vector_store %arg6[%swap3A_149], %div3A_144 {strides = array<i32>} : memref<3072xf32, #tpu.memory_space<vmem>>, vector<16xf32>,
      %sub3A_151 = arith.subf %scan3A_88#18, %scan3A_88#17 : vector<16xf32>
      %exp3A_152 = math.exp %sub3A_151 : vector<16xf32>
      %convert_element_type3A_153 = arith.sitofp %scan3A_88#19 : vector<16xi32> to vector<16xf32>
      %convert_element_type3A_154 = arith.sitofp %scan3A_88#20 : vector<16xi32> to vector<16xf32>
      %mul3A_155 = arith.mulf %convert_element_type3A_154, %exp3A_152 : vector<16xf32>
      %add3A_156 = arith.addf %convert_element_type3A_153, %mul3A_155 : vector<16xf32>
      %add3A_157 = arith.constant 1.000000e+00 : f32
      %add3A_158 = vector.broadcast %add3A_157 : f32 to vector<16xf32>
      %add3A_159 = arith.addf %add3A_158, %exp3A_152 : vector<16xf32>
      %div3A_160 = arith.divf %add3A_156, %add3A_159 : vector<16xf32>
      %mul3A_161 = arith.constant 128 : i32
      %mul3A_162 = arith.muli %mul3A_60, %mul3A_161 : i32
      %add3A_163 = arith.constant 64 : i32
      %add3A_164 = arith.addi %mul3A_162, %add3A_163 : i32
      %swap3A_165 = arith.index_cast %add3A_164 : i32 to index
      %swap3A_166 = tpu.vector_load %arg6[%swap3A_165] {strides = array<i32>} : memref<3072xf32, #tpu.memory_space<vmem>>, vector<16xf32>,
      tpu.vector_store %arg6[%swap3A_165], %div3A_160 {strides = array<i32>} : memref<3072xf32, #tpu.memory_space<vmem>>, vector<16xf32>,
      %sub3A_167 = arith.subf %scan3A_88#22, %scan3A_88#21 : vector<16xf32>
      %exp3A_168 = math.exp %sub3A_167 : vector<16xf32>
      %convert_element_type3A_169 = arith.sitofp %scan3A_88#23 : vector<16xi32> to vector<16xf32>
      %convert_element_type3A_170 = arith.sitofp %scan3A_88#24 : vector<16xi32> to vector<16xf32>
      %mul3A_171 = arith.mulf %convert_element_type3A_170, %exp3A_168 : vector<16xf32>
      %add3A_172 = arith.addf %convert_element_type3A_169, %mul3A_171 : vector<16xf32>
      %add3A_173 = arith.constant 1.000000e+00 : f32
      %add3A_174 = vector.broadcast %add3A_173 : f32 to vector<16xf32>
      %add3A_175 = arith.addf %add3A_174, %exp3A_168 : vector<16xf32>
      %div3A_176 = arith.divf %add3A_172, %add3A_175 : vector<16xf32>
      %mul3A_177 = arith.constant 128 : i32
      %mul3A_178 = arith.muli %mul3A_60, %mul3A_177 : i32
      %add3A_179 = arith.constant 80 : i32
      %add3A_180 = arith.addi %mul3A_178, %add3A_179 : i32
      %swap3A_181 = arith.index_cast %add3A_180 : i32 to index
      %swap3A_182 = tpu.vector_load %arg6[%swap3A_181] {strides = array<i32>} : memref<3072xf32, #tpu.memory_space<vmem>>, vector<16xf32>,
      tpu.vector_store %arg6[%swap3A_181], %div3A_176 {strides = array<i32>} : memref<3072xf32, #tpu.memory_space<vmem>>, vector<16xf32>,
      %sub3A_183 = arith.subf %scan3A_88#26, %scan3A_88#25 : vector<16xf32>
      %exp3A_184 = math.exp %sub3A_183 : vector<16xf32>
      %convert_element_type3A_185 = arith.sitofp %scan3A_88#27 : vector<16xi32> to vector<16xf32>
      %convert_element_type3A_186 = arith.sitofp %scan3A_88#28 : vector<16xi32> to vector<16xf32>
      %mul3A_187 = arith.mulf %convert_element_type3A_186, %exp3A_184 : vector<16xf32>
      %add3A_188 = arith.addf %convert_element_type3A_185, %mul3A_187 : vector<16xf32>
      %add3A_189 = arith.constant 1.000000e+00 : f32
      %add3A_190 = vector.broadcast %add3A_189 : f32 to vector<16xf32>
      %add3A_191 = arith.addf %add3A_190, %exp3A_184 : vector<16xf32>
      %div3A_192 = arith.divf %add3A_188, %add3A_191 : vector<16xf32>
      %mul3A_193 = arith.constant 128 : i32
      %mul3A_194 = arith.muli %mul3A_60, %mul3A_193 : i32
      %add3A_195 = arith.constant 96 : i32
      %add3A_196 = arith.addi %mul3A_194, %add3A_195 : i32
      %swap3A_197 = arith.index_cast %add3A_196 : i32 to index
      %swap3A_198 = tpu.vector_load %arg6[%swap3A_197] {strides = array<i32>} : memref<3072xf32, #tpu.memory_space<vmem>>, vector<16xf32>,
      tpu.vector_store %arg6[%swap3A_197], %div3A_192 {strides = array<i32>} : memref<3072xf32, #tpu.memory_space<vmem>>, vector<16xf32>,
      %sub3A_199 = arith.subf %scan3A_88#30, %scan3A_88#29 : vector<16xf32>
      %exp3A_200 = math.exp %sub3A_199 : vector<16xf32>
      %convert_element_type3A_201 = arith.sitofp %scan3A_88#31 : vector<16xi32> to vector<16xf32>
      %convert_element_type3A_202 = arith.sitofp %scan3A_88#32 : vector<16xi32> to vector<16xf32>
      %mul3A_203 = arith.mulf %convert_element_type3A_202, %exp3A_200 : vector<16xf32>
      %add3A_204 = arith.addf %convert_element_type3A_201, %mul3A_203 : vector<16xf32>
      %add3A_205 = arith.constant 1.000000e+00 : f32
      %add3A_206 = vector.broadcast %add3A_205 : f32 to vector<16xf32>
      %add3A_207 = arith.addf %add3A_206, %exp3A_200 : vector<16xf32>
      %div3A_208 = arith.divf %add3A_204, %add3A_207 : vector<16xf32>
      %mul3A_209 = arith.constant 128 : i32
      %mul3A_210 = arith.muli %mul3A_60, %mul3A_209 : i32
      %add3A_211 = arith.constant 112 : i32
      %add3A_212 = arith.addi %mul3A_210, %add3A_211 : i32
      %swap3A_213 = arith.index_cast %add3A_212 : i32 to index
      %swap3A_214 = tpu.vector_load %arg6[%swap3A_213] {strides = array<i32>} : memref<3072xf32, #tpu.memory_space<vmem>>, vector<16xf32>,
      tpu.vector_store %arg6[%swap3A_213], %div3A_208 {strides = array<i32>} : memref<3072xf32, #tpu.memory_space<vmem>>, vector<16xf32>,
      %lt3A_215 = arith.constant 11 : i32
      %lt3A_216 = arith.cmpi slt, %scan3A_57, %lt3A_215 : i32
      %convert_element_type3A_217 = arith.extui %lt3A_216 : i1 to i32
      %cond3A = arith.constant 0 : i32
      %cond3A_218 = arith.cmpi ne, %convert_element_type3A_217, %cond3A : i32
      scf.if %cond3A_218 {
        %add3A_367 = arith.constant 2 : i32
        %add3A_368 = arith.addi %mul3A_60, %add3A_367 : i32
        %add3A_369 = arith.addi %mul3A_32, %add3A_368 : i32
        %mul3A_370 = arith.constant 128 : i32
        %mul3A_371 = arith.muli %add3A_369, %mul3A_370 : i32
        %dma_start3A_372 = arith.constant 0 : i32
        %dma_start3A_373 = arith.constant 0 : i32
        %dma_start3A_374 = tpu.memref_slice %arg2[%select_n3A, %dma_start3A_372, %dma_start3A_373, %mul3A_371] : memref<4x24x8x65536xf32, #tpu.memory_space<hbm>> -> memref<1x24x8x128xf32, #tpu.memory_space<hbm>>
        %dma_start3A_375 = tpu.memref_squeeze %dma_start3A_374 : memref<1x24x8x128xf32, #tpu.memory_space<hbm>> -> memref<24x8x128xf32, #tpu.memory_space<hbm>>
        %dma_start3A_376 = arith.constant 0 : i32
        %dma_start3A_377 = arith.constant 0 : i32
        %dma_start3A_378 = tpu.memref_slice %arg2[%select_n3A, %dma_start3A_376, %dma_start3A_377, %mul3A_371] : memref<4x24x8x65536xf32, #tpu.memory_space<hbm>> -> memref<1x24x8x128xf32, #tpu.memory_space<hbm>>
        %dma_start3A_379 = tpu.memref_squeeze %dma_start3A_378 : memref<1x24x8x128xf32, #tpu.memory_space<hbm>> -> memref<24x8x128xf32, #tpu.memory_space<hbm>>
        tpu.enqueue_dma source(%dma_start3A_379 : memref<24x8x128xf32, #tpu.memory_space<hbm>>) target(%arg4 : memref<24x8x128xf32, #tpu.memory_space<vmem>>) target_semaphore(%arg7 : memref<!tpu.dma_semaphore, #tpu.memory_space<semaphore_mem>>)
      } else {
      }
      %dma_wait3A_219 = arith.constant 0 : i32
      %dma_wait3A_220 = arith.constant 0 : i32
      %dma_wait3A_221 = arith.constant 0 : i32
      %dma_wait3A_222 = arith.constant 0 : i32
      %dma_wait3A_223 = tpu.memref_slice %arg2[%dma_wait3A_219, %dma_wait3A_220, %dma_wait3A_221, %dma_wait3A_222] : memref<4x24x8x65536xf32, #tpu.memory_space<hbm>> -> memref<1x24x8x128xf32, #tpu.memory_space<hbm>>
      %dma_wait3A_224 = tpu.memref_squeeze %dma_wait3A_223 : memref<1x24x8x128xf32, #tpu.memory_space<hbm>> -> memref<24x8x128xf32, #tpu.memory_space<hbm>>
      %dma_wait3A_225 = arith.constant 0 : i32
      %dma_wait3A_226 = arith.constant 0 : i32
      %dma_wait3A_227 = arith.constant 0 : i32
      %dma_wait3A_228 = tpu.memref_slice %arg2[%dma_wait3A_219, %dma_wait3A_225, %dma_wait3A_226, %dma_wait3A_227] : memref<4x24x8x65536xf32, #tpu.memory_space<hbm>> -> memref<1x24x8x128xf32, #tpu.memory_space<hbm>>
      %dma_wait3A_229 = tpu.memref_squeeze %dma_wait3A_228 : memref<1x24x8x128xf32, #tpu.memory_space<hbm>> -> memref<24x8x128xf32, #tpu.memory_space<hbm>>
      tpu.wait_dma2 semaphore(%arg8 : memref<!tpu.dma_semaphore, #tpu.memory_space<semaphore_mem>>) src(%dma_wait3A_229 : memref<24x8x128xf32, #tpu.memory_space<hbm>>) dst(%arg5 : memref<24x8x128xf32, #tpu.memory_space<vmem>>)
      %add3A_230 = arith.constant 1 : i32
      %add3A_231 = arith.addi %mul3A_60, %add3A_230 : i32
      %scan3A_232 = arith.constant 0 : i32
      %scan3A_233 = arith.constant 24 : i32
      %scan3A_234 = arith.addi %scan3A_232, %scan3A_233 : i32
      %scan3A_235 = arith.constant 1 : i32
      %scan3A_236:33 = scf.for %scan3A_367 = %scan3A_232 to %scan3A_234 step %scan3A_235 iter_args(%scan3A_368 = %broadcast_in_dim3A_35, %scan3A_369 = %broadcast_in_dim3A_33, %scan3A_370 = %broadcast_in_dim3A_33, %scan3A_371 = %broadcast_in_dim3A_35, %scan3A_372 = %broadcast_in_dim3A_35, %scan3A_373 = %broadcast_in_dim3A_33, %scan3A_374 = %broadcast_in_dim3A_33, %scan3A_375 = %broadcast_in_dim3A_35, %scan3A_376 = %broadcast_in_dim3A_35, %scan3A_377 = %broadcast_in_dim3A_33, %scan3A_378 = %broadcast_in_dim3A_33, %scan3A_379 = %broadcast_in_dim3A_35, %scan3A_380 = %broadcast_in_dim3A_35, %scan3A_381 = %broadcast_in_dim3A_33, %scan3A_382 = %broadcast_in_dim3A_33, %scan3A_383 = %broadcast_in_dim3A_35, %scan3A_384 = %broadcast_in_dim3A_35, %scan3A_385 = %broadcast_in_dim3A_33, %scan3A_386 = %broadcast_in_dim3A_33, %scan3A_387 = %broadcast_in_dim3A_35, %scan3A_388 = %broadcast_in_dim3A_35, %scan3A_389 = %broadcast_in_dim3A_33, %scan3A_390 = %broadcast_in_dim3A_33, %scan3A_391 = %broadcast_in_dim3A_35, %scan3A_392 = %broadcast_in_dim3A_35, %scan3A_393 = %broadcast_in_dim3A_33, %scan3A_394 = %broadcast_in_dim3A_33, %scan3A_395 = %broadcast_in_dim3A_35, %scan3A_396 = %broadcast_in_dim3A_35, %scan3A_397 = %broadcast_in_dim3A_33, %scan3A_398 = %broadcast_in_dim3A_33, %scan3A_399 = %broadcast_in_dim3A_35, %scan3A_400 = %broadcast_in_dim3A_35) -> (vector<16xi32>, vector<16xf32>, vector<16xf32>, vector<16xi32>, vector<16xi32>, vector<16xf32>, vector<16xf32>, vector<16xi32>, vector<16xi32>, vector<16xf32>, vector<16xf32>, vector<16xi32>, vector<16xi32>, vector<16xf32>, vector<16xf32>, vector<16xi32>, vector<16xi32>, vector<16xf32>, vector<16xf32>, vector<16xi32>, vector<16xi32>, vector<16xf32>, vector<16xf32>, vector<16xi32>, vector<16xi32>, vector<16xf32>, vector<16xf32>, vector<16xi32>, vector<16xi32>, vector<16xf32>, vector<16xf32>, vector<16xi32>, vector<16xi32>)  : i32 {
        %get3A = arith.constant 0 : i32
        %get3A_401 = arith.index_cast %scan3A_367 : i32 to index
        %get3A_402 = arith.index_cast %get3A : i32 to index
        %get3A_403 = arith.constant 0 : index
        %get3A_404 = tpu.vector_load %arg5[%get3A_401, %get3A_402, %get3A_403] {strides = array<i32>} : memref<24x8x128xf32, #tpu.memory_space<vmem>>, vector<16xf32>,
        %gt3A = arith.cmpf ogt, %get3A_404, %scan3A_369 : vector<16xf32>
        %gt3A_405 = arith.cmpf ogt, %get3A_404, %scan3A_370 : vector<16xf32>
        %select_n3A_406 = arith.select %gt3A_405, %scan3A_368, %scan3A_372 : vector<16xi1>, vector<16xi32>
        %select_n3A_407 = arith.select %gt3A, %scan3A_371, %select_n3A_406 : vector<16xi1>, vector<16xi32>
        %max3A = arith.maximumf %scan3A_370, %get3A_404 : vector<16xf32>
        %select_n3A_408 = arith.select %gt3A, %scan3A_369, %max3A : vector<16xi1>, vector<16xf32>
        %select_n3A_409 = arith.select %gt3A, %scan3A_368, %scan3A_371 : vector<16xi1>, vector<16xi32>
        %max3A_410 = arith.maximumf %scan3A_369, %get3A_404 : vector<16xf32>
        %get3A_411 = arith.constant 0 : i32
        %get3A_412 = arith.index_cast %scan3A_367 : i32 to index
        %get3A_413 = arith.index_cast %get3A_411 : i32 to index
        %get3A_414 = arith.constant 16 : index
        %get3A_415 = tpu.vector_load %arg5[%get3A_412, %get3A_413, %get3A_414] {strides = array<i32>} : memref<24x8x128xf32, #tpu.memory_space<vmem>>, vector<16xf32>,
        %gt3A_416 = arith.cmpf ogt, %get3A_415, %scan3A_373 : vector<16xf32>
        %gt3A_417 = arith.cmpf ogt, %get3A_415, %scan3A_374 : vector<16xf32>
        %select_n3A_418 = arith.select %gt3A_417, %scan3A_368, %scan3A_376 : vector<16xi1>, vector<16xi32>
        %select_n3A_419 = arith.select %gt3A_416, %scan3A_375, %select_n3A_418 : vector<16xi1>, vector<16xi32>
        %max3A_420 = arith.maximumf %scan3A_374, %get3A_415 : vector<16xf32>
        %select_n3A_421 = arith.select %gt3A_416, %scan3A_373, %max3A_420 : vector<16xi1>, vector<16xf32>
        %select_n3A_422 = arith.select %gt3A_416, %scan3A_368, %scan3A_375 : vector<16xi1>, vector<16xi32>
        %max3A_423 = arith.maximumf %scan3A_373, %get3A_415 : vector<16xf32>
        %get3A_424 = arith.constant 0 : i32
        %get3A_425 = arith.index_cast %scan3A_367 : i32 to index
        %get3A_426 = arith.index_cast %get3A_424 : i32 to index
        %get3A_427 = arith.constant 32 : index
        %get3A_428 = tpu.vector_load %arg5[%get3A_425, %get3A_426, %get3A_427] {strides = array<i32>} : memref<24x8x128xf32, #tpu.memory_space<vmem>>, vector<16xf32>,
        %gt3A_429 = arith.cmpf ogt, %get3A_428, %scan3A_377 : vector<16xf32>
        %gt3A_430 = arith.cmpf ogt, %get3A_428, %scan3A_378 : vector<16xf32>
        %select_n3A_431 = arith.select %gt3A_430, %scan3A_368, %scan3A_380 : vector<16xi1>, vector<16xi32>
        %select_n3A_432 = arith.select %gt3A_429, %scan3A_379, %select_n3A_431 : vector<16xi1>, vector<16xi32>
        %max3A_433 = arith.maximumf %scan3A_378, %get3A_428 : vector<16xf32>
        %select_n3A_434 = arith.select %gt3A_429, %scan3A_377, %max3A_433 : vector<16xi1>, vector<16xf32>
        %select_n3A_435 = arith.select %gt3A_429, %scan3A_368, %scan3A_379 : vector<16xi1>, vector<16xi32>
        %max3A_436 = arith.maximumf %scan3A_377, %get3A_428 : vector<16xf32>
        %get3A_437 = arith.constant 0 : i32
        %get3A_438 = arith.index_cast %scan3A_367 : i32 to index
        %get3A_439 = arith.index_cast %get3A_437 : i32 to index
        %get3A_440 = arith.constant 48 : index
        %get3A_441 = tpu.vector_load %arg5[%get3A_438, %get3A_439, %get3A_440] {strides = array<i32>} : memref<24x8x128xf32, #tpu.memory_space<vmem>>, vector<16xf32>,
        %gt3A_442 = arith.cmpf ogt, %get3A_441, %scan3A_381 : vector<16xf32>
        %gt3A_443 = arith.cmpf ogt, %get3A_441, %scan3A_382 : vector<16xf32>
        %select_n3A_444 = arith.select %gt3A_443, %scan3A_368, %scan3A_384 : vector<16xi1>, vector<16xi32>
        %select_n3A_445 = arith.select %gt3A_442, %scan3A_383, %select_n3A_444 : vector<16xi1>, vector<16xi32>
        %max3A_446 = arith.maximumf %scan3A_382, %get3A_441 : vector<16xf32>
        %select_n3A_447 = arith.select %gt3A_442, %scan3A_381, %max3A_446 : vector<16xi1>, vector<16xf32>
        %select_n3A_448 = arith.select %gt3A_442, %scan3A_368, %scan3A_383 : vector<16xi1>, vector<16xi32>
        %max3A_449 = arith.maximumf %scan3A_381, %get3A_441 : vector<16xf32>
        %get3A_450 = arith.constant 0 : i32
        %get3A_451 = arith.index_cast %scan3A_367 : i32 to index
        %get3A_452 = arith.index_cast %get3A_450 : i32 to index
        %get3A_453 = arith.constant 64 : index
        %get3A_454 = tpu.vector_load %arg5[%get3A_451, %get3A_452, %get3A_453] {strides = array<i32>} : memref<24x8x128xf32, #tpu.memory_space<vmem>>, vector<16xf32>,
        %gt3A_455 = arith.cmpf ogt, %get3A_454, %scan3A_385 : vector<16xf32>
        %gt3A_456 = arith.cmpf ogt, %get3A_454, %scan3A_386 : vector<16xf32>
        %select_n3A_457 = arith.select %gt3A_456, %scan3A_368, %scan3A_388 : vector<16xi1>, vector<16xi32>
        %select_n3A_458 = arith.select %gt3A_455, %scan3A_387, %select_n3A_457 : vector<16xi1>, vector<16xi32>
        %max3A_459 = arith.maximumf %scan3A_386, %get3A_454 : vector<16xf32>
        %select_n3A_460 = arith.select %gt3A_455, %scan3A_385, %max3A_459 : vector<16xi1>, vector<16xf32>
        %select_n3A_461 = arith.select %gt3A_455, %scan3A_368, %scan3A_387 : vector<16xi1>, vector<16xi32>
        %max3A_462 = arith.maximumf %scan3A_385, %get3A_454 : vector<16xf32>
        %get3A_463 = arith.constant 0 : i32
        %get3A_464 = arith.index_cast %scan3A_367 : i32 to index
        %get3A_465 = arith.index_cast %get3A_463 : i32 to index
        %get3A_466 = arith.constant 80 : index
        %get3A_467 = tpu.vector_load %arg5[%get3A_464, %get3A_465, %get3A_466] {strides = array<i32>} : memref<24x8x128xf32, #tpu.memory_space<vmem>>, vector<16xf32>,
        %gt3A_468 = arith.cmpf ogt, %get3A_467, %scan3A_389 : vector<16xf32>
        %gt3A_469 = arith.cmpf ogt, %get3A_467, %scan3A_390 : vector<16xf32>
        %select_n3A_470 = arith.select %gt3A_469, %scan3A_368, %scan3A_392 : vector<16xi1>, vector<16xi32>
        %select_n3A_471 = arith.select %gt3A_468, %scan3A_391, %select_n3A_470 : vector<16xi1>, vector<16xi32>
        %max3A_472 = arith.maximumf %scan3A_390, %get3A_467 : vector<16xf32>
        %select_n3A_473 = arith.select %gt3A_468, %scan3A_389, %max3A_472 : vector<16xi1>, vector<16xf32>
        %select_n3A_474 = arith.select %gt3A_468, %scan3A_368, %scan3A_391 : vector<16xi1>, vector<16xi32>
        %max3A_475 = arith.maximumf %scan3A_389, %get3A_467 : vector<16xf32>
        %get3A_476 = arith.constant 0 : i32
        %get3A_477 = arith.index_cast %scan3A_367 : i32 to index
        %get3A_478 = arith.index_cast %get3A_476 : i32 to index
        %get3A_479 = arith.constant 96 : index
        %get3A_480 = tpu.vector_load %arg5[%get3A_477, %get3A_478, %get3A_479] {strides = array<i32>} : memref<24x8x128xf32, #tpu.memory_space<vmem>>, vector<16xf32>,
        %gt3A_481 = arith.cmpf ogt, %get3A_480, %scan3A_393 : vector<16xf32>
        %gt3A_482 = arith.cmpf ogt, %get3A_480, %scan3A_394 : vector<16xf32>
        %select_n3A_483 = arith.select %gt3A_482, %scan3A_368, %scan3A_396 : vector<16xi1>, vector<16xi32>
        %select_n3A_484 = arith.select %gt3A_481, %scan3A_395, %select_n3A_483 : vector<16xi1>, vector<16xi32>
        %max3A_485 = arith.maximumf %scan3A_394, %get3A_480 : vector<16xf32>
        %select_n3A_486 = arith.select %gt3A_481, %scan3A_393, %max3A_485 : vector<16xi1>, vector<16xf32>
        %select_n3A_487 = arith.select %gt3A_481, %scan3A_368, %scan3A_395 : vector<16xi1>, vector<16xi32>
        %max3A_488 = arith.maximumf %scan3A_393, %get3A_480 : vector<16xf32>
        %get3A_489 = arith.constant 0 : i32
        %get3A_490 = arith.index_cast %scan3A_367 : i32 to index
        %get3A_491 = arith.index_cast %get3A_489 : i32 to index
        %get3A_492 = arith.constant 112 : index
        %get3A_493 = tpu.vector_load %arg5[%get3A_490, %get3A_491, %get3A_492] {strides = array<i32>} : memref<24x8x128xf32, #tpu.memory_space<vmem>>, vector<16xf32>,
        %gt3A_494 = arith.cmpf ogt, %get3A_493, %scan3A_397 : vector<16xf32>
        %gt3A_495 = arith.cmpf ogt, %get3A_493, %scan3A_398 : vector<16xf32>
        %select_n3A_496 = arith.select %gt3A_495, %scan3A_368, %scan3A_400 : vector<16xi1>, vector<16xi32>
        %select_n3A_497 = arith.select %gt3A_494, %scan3A_399, %select_n3A_496 : vector<16xi1>, vector<16xi32>
        %max3A_498 = arith.maximumf %scan3A_398, %get3A_493 : vector<16xf32>
        %select_n3A_499 = arith.select %gt3A_494, %scan3A_397, %max3A_498 : vector<16xi1>, vector<16xf32>
        %select_n3A_500 = arith.select %gt3A_494, %scan3A_368, %scan3A_399 : vector<16xi1>, vector<16xi32>
        %max3A_501 = arith.maximumf %scan3A_397, %get3A_493 : vector<16xf32>
        %add3A_502 = arith.addi %scan3A_368, %broadcast_in_dim3A_37 : vector<16xi32>
        %get3A_503 = arith.constant 1 : i32
        %get3A_504 = arith.index_cast %scan3A_367 : i32 to index
        %get3A_505 = arith.index_cast %get3A_503 : i32 to index
        %get3A_506 = arith.constant 0 : index
        %get3A_507 = tpu.vector_load %arg5[%get3A_504, %get3A_505, %get3A_506] {strides = array<i32>} : memref<24x8x128xf32, #tpu.memory_space<vmem>>, vector<16xf32>,
        %gt3A_508 = arith.cmpf ogt, %get3A_507, %max3A_410 : vector<16xf32>
        %gt3A_509 = arith.cmpf ogt, %get3A_507, %select_n3A_408 : vector<16xf32>
        %select_n3A_510 = arith.select %gt3A_509, %add3A_502, %select_n3A_407 : vector<16xi1>, vector<16xi32>
        %select_n3A_511 = arith.select %gt3A_508, %select_n3A_409, %select_n3A_510 : vector<16xi1>, vector<16xi32>
        %max3A_512 = arith.maximumf %select_n3A_408, %get3A_507 : vector<16xf32>
        %select_n3A_513 = arith.select %gt3A_508, %max3A_410, %max3A_512 : vector<16xi1>, vector<16xf32>
        %select_n3A_514 = arith.select %gt3A_508, %add3A_502, %select_n3A_409 : vector<16xi1>, vector<16xi32>
        %max3A_515 = arith.maximumf %max3A_410, %get3A_507 : vector<16xf32>
        %get3A_516 = arith.constant 1 : i32
        %get3A_517 = arith.index_cast %scan3A_367 : i32 to index
        %get3A_518 = arith.index_cast %get3A_516 : i32 to index
        %get3A_519 = arith.constant 16 : index
        %get3A_520 = tpu.vector_load %arg5[%get3A_517, %get3A_518, %get3A_519] {strides = array<i32>} : memref<24x8x128xf32, #tpu.memory_space<vmem>>, vector<16xf32>,
        %gt3A_521 = arith.cmpf ogt, %get3A_520, %max3A_423 : vector<16xf32>
        %gt3A_522 = arith.cmpf ogt, %get3A_520, %select_n3A_421 : vector<16xf32>
        %select_n3A_523 = arith.select %gt3A_522, %add3A_502, %select_n3A_419 : vector<16xi1>, vector<16xi32>
        %select_n3A_524 = arith.select %gt3A_521, %select_n3A_422, %select_n3A_523 : vector<16xi1>, vector<16xi32>
        %max3A_525 = arith.maximumf %select_n3A_421, %get3A_520 : vector<16xf32>
        %select_n3A_526 = arith.select %gt3A_521, %max3A_423, %max3A_525 : vector<16xi1>, vector<16xf32>
        %select_n3A_527 = arith.select %gt3A_521, %add3A_502, %select_n3A_422 : vector<16xi1>, vector<16xi32>
        %max3A_528 = arith.maximumf %max3A_423, %get3A_520 : vector<16xf32>
        %get3A_529 = arith.constant 1 : i32
        %get3A_530 = arith.index_cast %scan3A_367 : i32 to index
        %get3A_531 = arith.index_cast %get3A_529 : i32 to index
        %get3A_532 = arith.constant 32 : index
        %get3A_533 = tpu.vector_load %arg5[%get3A_530, %get3A_531, %get3A_532] {strides = array<i32>} : memref<24x8x128xf32, #tpu.memory_space<vmem>>, vector<16xf32>,
        %gt3A_534 = arith.cmpf ogt, %get3A_533, %max3A_436 : vector<16xf32>
        %gt3A_535 = arith.cmpf ogt, %get3A_533, %select_n3A_434 : vector<16xf32>
        %select_n3A_536 = arith.select %gt3A_535, %add3A_502, %select_n3A_432 : vector<16xi1>, vector<16xi32>
        %select_n3A_537 = arith.select %gt3A_534, %select_n3A_435, %select_n3A_536 : vector<16xi1>, vector<16xi32>
        %max3A_538 = arith.maximumf %select_n3A_434, %get3A_533 : vector<16xf32>
        %select_n3A_539 = arith.select %gt3A_534, %max3A_436, %max3A_538 : vector<16xi1>, vector<16xf32>
        %select_n3A_540 = arith.select %gt3A_534, %add3A_502, %select_n3A_435 : vector<16xi1>, vector<16xi32>
        %max3A_541 = arith.maximumf %max3A_436, %get3A_533 : vector<16xf32>
        %get3A_542 = arith.constant 1 : i32
        %get3A_543 = arith.index_cast %scan3A_367 : i32 to index
        %get3A_544 = arith.index_cast %get3A_542 : i32 to index
        %get3A_545 = arith.constant 48 : index
        %get3A_546 = tpu.vector_load %arg5[%get3A_543, %get3A_544, %get3A_545] {strides = array<i32>} : memref<24x8x128xf32, #tpu.memory_space<vmem>>, vector<16xf32>,
        %gt3A_547 = arith.cmpf ogt, %get3A_546, %max3A_449 : vector<16xf32>
        %gt3A_548 = arith.cmpf ogt, %get3A_546, %select_n3A_447 : vector<16xf32>
        %select_n3A_549 = arith.select %gt3A_548, %add3A_502, %select_n3A_445 : vector<16xi1>, vector<16xi32>
        %select_n3A_550 = arith.select %gt3A_547, %select_n3A_448, %select_n3A_549 : vector<16xi1>, vector<16xi32>
        %max3A_551 = arith.maximumf %select_n3A_447, %get3A_546 : vector<16xf32>
        %select_n3A_552 = arith.select %gt3A_547, %max3A_449, %max3A_551 : vector<16xi1>, vector<16xf32>
        %select_n3A_553 = arith.select %gt3A_547, %add3A_502, %select_n3A_448 : vector<16xi1>, vector<16xi32>
        %max3A_554 = arith.maximumf %max3A_449, %get3A_546 : vector<16xf32>
        %get3A_555 = arith.constant 1 : i32
        %get3A_556 = arith.index_cast %scan3A_367 : i32 to index
        %get3A_557 = arith.index_cast %get3A_555 : i32 to index
        %get3A_558 = arith.constant 64 : index
        %get3A_559 = tpu.vector_load %arg5[%get3A_556, %get3A_557, %get3A_558] {strides = array<i32>} : memref<24x8x128xf32, #tpu.memory_space<vmem>>, vector<16xf32>,
        %gt3A_560 = arith.cmpf ogt, %get3A_559, %max3A_462 : vector<16xf32>
        %gt3A_561 = arith.cmpf ogt, %get3A_559, %select_n3A_460 : vector<16xf32>
        %select_n3A_562 = arith.select %gt3A_561, %add3A_502, %select_n3A_458 : vector<16xi1>, vector<16xi32>
        %select_n3A_563 = arith.select %gt3A_560, %select_n3A_461, %select_n3A_562 : vector<16xi1>, vector<16xi32>
        %max3A_564 = arith.maximumf %select_n3A_460, %get3A_559 : vector<16xf32>
        %select_n3A_565 = arith.select %gt3A_560, %max3A_462, %max3A_564 : vector<16xi1>, vector<16xf32>
        %select_n3A_566 = arith.select %gt3A_560, %add3A_502, %select_n3A_461 : vector<16xi1>, vector<16xi32>
        %max3A_567 = arith.maximumf %max3A_462, %get3A_559 : vector<16xf32>
        %get3A_568 = arith.constant 1 : i32
        %get3A_569 = arith.index_cast %scan3A_367 : i32 to index
        %get3A_570 = arith.index_cast %get3A_568 : i32 to index
        %get3A_571 = arith.constant 80 : index
        %get3A_572 = tpu.vector_load %arg5[%get3A_569, %get3A_570, %get3A_571] {strides = array<i32>} : memref<24x8x128xf32, #tpu.memory_space<vmem>>, vector<16xf32>,
        %gt3A_573 = arith.cmpf ogt, %get3A_572, %max3A_475 : vector<16xf32>
        %gt3A_574 = arith.cmpf ogt, %get3A_572, %select_n3A_473 : vector<16xf32>
        %select_n3A_575 = arith.select %gt3A_574, %add3A_502, %select_n3A_471 : vector<16xi1>, vector<16xi32>
        %select_n3A_576 = arith.select %gt3A_573, %select_n3A_474, %select_n3A_575 : vector<16xi1>, vector<16xi32>
        %max3A_577 = arith.maximumf %select_n3A_473, %get3A_572 : vector<16xf32>
        %select_n3A_578 = arith.select %gt3A_573, %max3A_475, %max3A_577 : vector<16xi1>, vector<16xf32>
        %select_n3A_579 = arith.select %gt3A_573, %add3A_502, %select_n3A_474 : vector<16xi1>, vector<16xi32>
        %max3A_580 = arith.maximumf %max3A_475, %get3A_572 : vector<16xf32>
        %get3A_581 = arith.constant 1 : i32
        %get3A_582 = arith.index_cast %scan3A_367 : i32 to index
        %get3A_583 = arith.index_cast %get3A_581 : i32 to index
        %get3A_584 = arith.constant 96 : index
        %get3A_585 = tpu.vector_load %arg5[%get3A_582, %get3A_583, %get3A_584] {strides = array<i32>} : memref<24x8x128xf32, #tpu.memory_space<vmem>>, vector<16xf32>,
        %gt3A_586 = arith.cmpf ogt, %get3A_585, %max3A_488 : vector<16xf32>
        %gt3A_587 = arith.cmpf ogt, %get3A_585, %select_n3A_486 : vector<16xf32>
        %select_n3A_588 = arith.select %gt3A_587, %add3A_502, %select_n3A_484 : vector<16xi1>, vector<16xi32>
        %select_n3A_589 = arith.select %gt3A_586, %select_n3A_487, %select_n3A_588 : vector<16xi1>, vector<16xi32>
        %max3A_590 = arith.maximumf %select_n3A_486, %get3A_585 : vector<16xf32>
        %select_n3A_591 = arith.select %gt3A_586, %max3A_488, %max3A_590 : vector<16xi1>, vector<16xf32>
        %select_n3A_592 = arith.select %gt3A_586, %add3A_502, %select_n3A_487 : vector<16xi1>, vector<16xi32>
        %max3A_593 = arith.maximumf %max3A_488, %get3A_585 : vector<16xf32>
        %get3A_594 = arith.constant 1 : i32
        %get3A_595 = arith.index_cast %scan3A_367 : i32 to index
        %get3A_596 = arith.index_cast %get3A_594 : i32 to index
        %get3A_597 = arith.constant 112 : index
        %get3A_598 = tpu.vector_load %arg5[%get3A_595, %get3A_596, %get3A_597] {strides = array<i32>} : memref<24x8x128xf32, #tpu.memory_space<vmem>>, vector<16xf32>,
        %gt3A_599 = arith.cmpf ogt, %get3A_598, %max3A_501 : vector<16xf32>
        %gt3A_600 = arith.cmpf ogt, %get3A_598, %select_n3A_499 : vector<16xf32>
        %select_n3A_601 = arith.select %gt3A_600, %add3A_502, %select_n3A_497 : vector<16xi1>, vector<16xi32>
        %select_n3A_602 = arith.select %gt3A_599, %select_n3A_500, %select_n3A_601 : vector<16xi1>, vector<16xi32>
        %max3A_603 = arith.maximumf %select_n3A_499, %get3A_598 : vector<16xf32>
        %select_n3A_604 = arith.select %gt3A_599, %max3A_501, %max3A_603 : vector<16xi1>, vector<16xf32>
        %select_n3A_605 = arith.select %gt3A_599, %add3A_502, %select_n3A_500 : vector<16xi1>, vector<16xi32>
        %max3A_606 = arith.maximumf %max3A_501, %get3A_598 : vector<16xf32>
        %add3A_607 = arith.addi %add3A_502, %broadcast_in_dim3A_37 : vector<16xi32>
        %get3A_608 = arith.constant 2 : i32
        %get3A_609 = arith.index_cast %scan3A_367 : i32 to index
        %get3A_610 = arith.index_cast %get3A_608 : i32 to index
        %get3A_611 = arith.constant 0 : index
        %get3A_612 = tpu.vector_load %arg5[%get3A_609, %get3A_610, %get3A_611] {strides = array<i32>} : memref<24x8x128xf32, #tpu.memory_space<vmem>>, vector<16xf32>,
        %gt3A_613 = arith.cmpf ogt, %get3A_612, %max3A_515 : vector<16xf32>
        %gt3A_614 = arith.cmpf ogt, %get3A_612, %select_n3A_513 : vector<16xf32>
        %select_n3A_615 = arith.select %gt3A_614, %add3A_607, %select_n3A_511 : vector<16xi1>, vector<16xi32>
        %select_n3A_616 = arith.select %gt3A_613, %select_n3A_514, %select_n3A_615 : vector<16xi1>, vector<16xi32>
        %max3A_617 = arith.maximumf %select_n3A_513, %get3A_612 : vector<16xf32>
        %select_n3A_618 = arith.select %gt3A_613, %max3A_515, %max3A_617 : vector<16xi1>, vector<16xf32>
        %select_n3A_619 = arith.select %gt3A_613, %add3A_607, %select_n3A_514 : vector<16xi1>, vector<16xi32>
        %max3A_620 = arith.maximumf %max3A_515, %get3A_612 : vector<16xf32>
        %get3A_621 = arith.constant 2 : i32
        %get3A_622 = arith.index_cast %scan3A_367 : i32 to index
        %get3A_623 = arith.index_cast %get3A_621 : i32 to index
        %get3A_624 = arith.constant 16 : index
        %get3A_625 = tpu.vector_load %arg5[%get3A_622, %get3A_623, %get3A_624] {strides = array<i32>} : memref<24x8x128xf32, #tpu.memory_space<vmem>>, vector<16xf32>,
        %gt3A_626 = arith.cmpf ogt, %get3A_625, %max3A_528 : vector<16xf32>
        %gt3A_627 = arith.cmpf ogt, %get3A_625, %select_n3A_526 : vector<16xf32>
        %select_n3A_628 = arith.select %gt3A_627, %add3A_607, %select_n3A_524 : vector<16xi1>, vector<16xi32>
        %select_n3A_629 = arith.select %gt3A_626, %select_n3A_527, %select_n3A_628 : vector<16xi1>, vector<16xi32>
        %max3A_630 = arith.maximumf %select_n3A_526, %get3A_625 : vector<16xf32>
        %select_n3A_631 = arith.select %gt3A_626, %max3A_528, %max3A_630 : vector<16xi1>, vector<16xf32>
        %select_n3A_632 = arith.select %gt3A_626, %add3A_607, %select_n3A_527 : vector<16xi1>, vector<16xi32>
        %max3A_633 = arith.maximumf %max3A_528, %get3A_625 : vector<16xf32>
        %get3A_634 = arith.constant 2 : i32
        %get3A_635 = arith.index_cast %scan3A_367 : i32 to index
        %get3A_636 = arith.index_cast %get3A_634 : i32 to index
        %get3A_637 = arith.constant 32 : index
        %get3A_638 = tpu.vector_load %arg5[%get3A_635, %get3A_636, %get3A_637] {strides = array<i32>} : memref<24x8x128xf32, #tpu.memory_space<vmem>>, vector<16xf32>,
        %gt3A_639 = arith.cmpf ogt, %get3A_638, %max3A_541 : vector<16xf32>
        %gt3A_640 = arith.cmpf ogt, %get3A_638, %select_n3A_539 : vector<16xf32>
        %select_n3A_641 = arith.select %gt3A_640, %add3A_607, %select_n3A_537 : vector<16xi1>, vector<16xi32>
        %select_n3A_642 = arith.select %gt3A_639, %select_n3A_540, %select_n3A_641 : vector<16xi1>, vector<16xi32>
        %max3A_643 = arith.maximumf %select_n3A_539, %get3A_638 : vector<16xf32>
        %select_n3A_644 = arith.select %gt3A_639, %max3A_541, %max3A_643 : vector<16xi1>, vector<16xf32>
        %select_n3A_645 = arith.select %gt3A_639, %add3A_607, %select_n3A_540 : vector<16xi1>, vector<16xi32>
        %max3A_646 = arith.maximumf %max3A_541, %get3A_638 : vector<16xf32>
        %get3A_647 = arith.constant 2 : i32
        %get3A_648 = arith.index_cast %scan3A_367 : i32 to index
        %get3A_649 = arith.index_cast %get3A_647 : i32 to index
        %get3A_650 = arith.constant 48 : index
        %get3A_651 = tpu.vector_load %arg5[%get3A_648, %get3A_649, %get3A_650] {strides = array<i32>} : memref<24x8x128xf32, #tpu.memory_space<vmem>>, vector<16xf32>,
        %gt3A_652 = arith.cmpf ogt, %get3A_651, %max3A_554 : vector<16xf32>
        %gt3A_653 = arith.cmpf ogt, %get3A_651, %select_n3A_552 : vector<16xf32>
        %select_n3A_654 = arith.select %gt3A_653, %add3A_607, %select_n3A_550 : vector<16xi1>, vector<16xi32>
        %select_n3A_655 = arith.select %gt3A_652, %select_n3A_553, %select_n3A_654 : vector<16xi1>, vector<16xi32>
        %max3A_656 = arith.maximumf %select_n3A_552, %get3A_651 : vector<16xf32>
        %select_n3A_657 = arith.select %gt3A_652, %max3A_554, %max3A_656 : vector<16xi1>, vector<16xf32>
        %select_n3A_658 = arith.select %gt3A_652, %add3A_607, %select_n3A_553 : vector<16xi1>, vector<16xi32>
        %max3A_659 = arith.maximumf %max3A_554, %get3A_651 : vector<16xf32>
        %get3A_660 = arith.constant 2 : i32
        %get3A_661 = arith.index_cast %scan3A_367 : i32 to index
        %get3A_662 = arith.index_cast %get3A_660 : i32 to index
        %get3A_663 = arith.constant 64 : index
        %get3A_664 = tpu.vector_load %arg5[%get3A_661, %get3A_662, %get3A_663] {strides = array<i32>} : memref<24x8x128xf32, #tpu.memory_space<vmem>>, vector<16xf32>,
        %gt3A_665 = arith.cmpf ogt, %get3A_664, %max3A_567 : vector<16xf32>
        %gt3A_666 = arith.cmpf ogt, %get3A_664, %select_n3A_565 : vector<16xf32>
        %select_n3A_667 = arith.select %gt3A_666, %add3A_607, %select_n3A_563 : vector<16xi1>, vector<16xi32>
        %select_n3A_668 = arith.select %gt3A_665, %select_n3A_566, %select_n3A_667 : vector<16xi1>, vector<16xi32>
        %max3A_669 = arith.maximumf %select_n3A_565, %get3A_664 : vector<16xf32>
        %select_n3A_670 = arith.select %gt3A_665, %max3A_567, %max3A_669 : vector<16xi1>, vector<16xf32>
        %select_n3A_671 = arith.select %gt3A_665, %add3A_607, %select_n3A_566 : vector<16xi1>, vector<16xi32>
        %max3A_672 = arith.maximumf %max3A_567, %get3A_664 : vector<16xf32>
        %get3A_673 = arith.constant 2 : i32
        %get3A_674 = arith.index_cast %scan3A_367 : i32 to index
        %get3A_675 = arith.index_cast %get3A_673 : i32 to index
        %get3A_676 = arith.constant 80 : index
        %get3A_677 = tpu.vector_load %arg5[%get3A_674, %get3A_675, %get3A_676] {strides = array<i32>} : memref<24x8x128xf32, #tpu.memory_space<vmem>>, vector<16xf32>,
        %gt3A_678 = arith.cmpf ogt, %get3A_677, %max3A_580 : vector<16xf32>
        %gt3A_679 = arith.cmpf ogt, %get3A_677, %select_n3A_578 : vector<16xf32>
        %select_n3A_680 = arith.select %gt3A_679, %add3A_607, %select_n3A_576 : vector<16xi1>, vector<16xi32>
        %select_n3A_681 = arith.select %gt3A_678, %select_n3A_579, %select_n3A_680 : vector<16xi1>, vector<16xi32>
        %max3A_682 = arith.maximumf %select_n3A_578, %get3A_677 : vector<16xf32>
        %select_n3A_683 = arith.select %gt3A_678, %max3A_580, %max3A_682 : vector<16xi1>, vector<16xf32>
        %select_n3A_684 = arith.select %gt3A_678, %add3A_607, %select_n3A_579 : vector<16xi1>, vector<16xi32>
        %max3A_685 = arith.maximumf %max3A_580, %get3A_677 : vector<16xf32>
        %get3A_686 = arith.constant 2 : i32
        %get3A_687 = arith.index_cast %scan3A_367 : i32 to index
        %get3A_688 = arith.index_cast %get3A_686 : i32 to index
        %get3A_689 = arith.constant 96 : index
        %get3A_690 = tpu.vector_load %arg5[%get3A_687, %get3A_688, %get3A_689] {strides = array<i32>} : memref<24x8x128xf32, #tpu.memory_space<vmem>>, vector<16xf32>,
        %gt3A_691 = arith.cmpf ogt, %get3A_690, %max3A_593 : vector<16xf32>
        %gt3A_692 = arith.cmpf ogt, %get3A_690, %select_n3A_591 : vector<16xf32>
        %select_n3A_693 = arith.select %gt3A_692, %add3A_607, %select_n3A_589 : vector<16xi1>, vector<16xi32>
        %select_n3A_694 = arith.select %gt3A_691, %select_n3A_592, %select_n3A_693 : vector<16xi1>, vector<16xi32>
        %max3A_695 = arith.maximumf %select_n3A_591, %get3A_690 : vector<16xf32>
        %select_n3A_696 = arith.select %gt3A_691, %max3A_593, %max3A_695 : vector<16xi1>, vector<16xf32>
        %select_n3A_697 = arith.select %gt3A_691, %add3A_607, %select_n3A_592 : vector<16xi1>, vector<16xi32>
        %max3A_698 = arith.maximumf %max3A_593, %get3A_690 : vector<16xf32>
        %get3A_699 = arith.constant 2 : i32
        %get3A_700 = arith.index_cast %scan3A_367 : i32 to index
        %get3A_701 = arith.index_cast %get3A_699 : i32 to index
        %get3A_702 = arith.constant 112 : index
        %get3A_703 = tpu.vector_load %arg5[%get3A_700, %get3A_701, %get3A_702] {strides = array<i32>} : memref<24x8x128xf32, #tpu.memory_space<vmem>>, vector<16xf32>,
        %gt3A_704 = arith.cmpf ogt, %get3A_703, %max3A_606 : vector<16xf32>
        %gt3A_705 = arith.cmpf ogt, %get3A_703, %select_n3A_604 : vector<16xf32>
        %select_n3A_706 = arith.select %gt3A_705, %add3A_607, %select_n3A_602 : vector<16xi1>, vector<16xi32>
        %select_n3A_707 = arith.select %gt3A_704, %select_n3A_605, %select_n3A_706 : vector<16xi1>, vector<16xi32>
        %max3A_708 = arith.maximumf %select_n3A_604, %get3A_703 : vector<16xf32>
        %select_n3A_709 = arith.select %gt3A_704, %max3A_606, %max3A_708 : vector<16xi1>, vector<16xf32>
        %select_n3A_710 = arith.select %gt3A_704, %add3A_607, %select_n3A_605 : vector<16xi1>, vector<16xi32>
        %max3A_711 = arith.maximumf %max3A_606, %get3A_703 : vector<16xf32>
        %add3A_712 = arith.addi %add3A_607, %broadcast_in_dim3A_37 : vector<16xi32>
        %get3A_713 = arith.constant 3 : i32
        %get3A_714 = arith.index_cast %scan3A_367 : i32 to index
        %get3A_715 = arith.index_cast %get3A_713 : i32 to index
        %get3A_716 = arith.constant 0 : index
        %get3A_717 = tpu.vector_load %arg5[%get3A_714, %get3A_715, %get3A_716] {strides = array<i32>} : memref<24x8x128xf32, #tpu.memory_space<vmem>>, vector<16xf32>,
        %gt3A_718 = arith.cmpf ogt, %get3A_717, %max3A_620 : vector<16xf32>
        %gt3A_719 = arith.cmpf ogt, %get3A_717, %select_n3A_618 : vector<16xf32>
        %select_n3A_720 = arith.select %gt3A_719, %add3A_712, %select_n3A_616 : vector<16xi1>, vector<16xi32>
        %select_n3A_721 = arith.select %gt3A_718, %select_n3A_619, %select_n3A_720 : vector<16xi1>, vector<16xi32>
        %max3A_722 = arith.maximumf %select_n3A_618, %get3A_717 : vector<16xf32>
        %select_n3A_723 = arith.select %gt3A_718, %max3A_620, %max3A_722 : vector<16xi1>, vector<16xf32>
        %select_n3A_724 = arith.select %gt3A_718, %add3A_712, %select_n3A_619 : vector<16xi1>, vector<16xi32>
        %max3A_725 = arith.maximumf %max3A_620, %get3A_717 : vector<16xf32>
        %get3A_726 = arith.constant 3 : i32
        %get3A_727 = arith.index_cast %scan3A_367 : i32 to index
        %get3A_728 = arith.index_cast %get3A_726 : i32 to index
        %get3A_729 = arith.constant 16 : index
        %get3A_730 = tpu.vector_load %arg5[%get3A_727, %get3A_728, %get3A_729] {strides = array<i32>} : memref<24x8x128xf32, #tpu.memory_space<vmem>>, vector<16xf32>,
        %gt3A_731 = arith.cmpf ogt, %get3A_730, %max3A_633 : vector<16xf32>
        %gt3A_732 = arith.cmpf ogt, %get3A_730, %select_n3A_631 : vector<16xf32>
        %select_n3A_733 = arith.select %gt3A_732, %add3A_712, %select_n3A_629 : vector<16xi1>, vector<16xi32>
        %select_n3A_734 = arith.select %gt3A_731, %select_n3A_632, %select_n3A_733 : vector<16xi1>, vector<16xi32>
        %max3A_735 = arith.maximumf %select_n3A_631, %get3A_730 : vector<16xf32>
        %select_n3A_736 = arith.select %gt3A_731, %max3A_633, %max3A_735 : vector<16xi1>, vector<16xf32>
        %select_n3A_737 = arith.select %gt3A_731, %add3A_712, %select_n3A_632 : vector<16xi1>, vector<16xi32>
        %max3A_738 = arith.maximumf %max3A_633, %get3A_730 : vector<16xf32>
        %get3A_739 = arith.constant 3 : i32
        %get3A_740 = arith.index_cast %scan3A_367 : i32 to index
        %get3A_741 = arith.index_cast %get3A_739 : i32 to index
        %get3A_742 = arith.constant 32 : index
        %get3A_743 = tpu.vector_load %arg5[%get3A_740, %get3A_741, %get3A_742] {strides = array<i32>} : memref<24x8x128xf32, #tpu.memory_space<vmem>>, vector<16xf32>,
        %gt3A_744 = arith.cmpf ogt, %get3A_743, %max3A_646 : vector<16xf32>
        %gt3A_745 = arith.cmpf ogt, %get3A_743, %select_n3A_644 : vector<16xf32>
        %select_n3A_746 = arith.select %gt3A_745, %add3A_712, %select_n3A_642 : vector<16xi1>, vector<16xi32>
        %select_n3A_747 = arith.select %gt3A_744, %select_n3A_645, %select_n3A_746 : vector<16xi1>, vector<16xi32>
        %max3A_748 = arith.maximumf %select_n3A_644, %get3A_743 : vector<16xf32>
        %select_n3A_749 = arith.select %gt3A_744, %max3A_646, %max3A_748 : vector<16xi1>, vector<16xf32>
        %select_n3A_750 = arith.select %gt3A_744, %add3A_712, %select_n3A_645 : vector<16xi1>, vector<16xi32>
        %max3A_751 = arith.maximumf %max3A_646, %get3A_743 : vector<16xf32>
        %get3A_752 = arith.constant 3 : i32
        %get3A_753 = arith.index_cast %scan3A_367 : i32 to index
        %get3A_754 = arith.index_cast %get3A_752 : i32 to index
        %get3A_755 = arith.constant 48 : index
        %get3A_756 = tpu.vector_load %arg5[%get3A_753, %get3A_754, %get3A_755] {strides = array<i32>} : memref<24x8x128xf32, #tpu.memory_space<vmem>>, vector<16xf32>,
        %gt3A_757 = arith.cmpf ogt, %get3A_756, %max3A_659 : vector<16xf32>
        %gt3A_758 = arith.cmpf ogt, %get3A_756, %select_n3A_657 : vector<16xf32>
        %select_n3A_759 = arith.select %gt3A_758, %add3A_712, %select_n3A_655 : vector<16xi1>, vector<16xi32>
        %select_n3A_760 = arith.select %gt3A_757, %select_n3A_658, %select_n3A_759 : vector<16xi1>, vector<16xi32>
        %max3A_761 = arith.maximumf %select_n3A_657, %get3A_756 : vector<16xf32>
        %select_n3A_762 = arith.select %gt3A_757, %max3A_659, %max3A_761 : vector<16xi1>, vector<16xf32>
        %select_n3A_763 = arith.select %gt3A_757, %add3A_712, %select_n3A_658 : vector<16xi1>, vector<16xi32>
        %max3A_764 = arith.maximumf %max3A_659, %get3A_756 : vector<16xf32>
        %get3A_765 = arith.constant 3 : i32
        %get3A_766 = arith.index_cast %scan3A_367 : i32 to index
        %get3A_767 = arith.index_cast %get3A_765 : i32 to index
        %get3A_768 = arith.constant 64 : index
        %get3A_769 = tpu.vector_load %arg5[%get3A_766, %get3A_767, %get3A_768] {strides = array<i32>} : memref<24x8x128xf32, #tpu.memory_space<vmem>>, vector<16xf32>,
        %gt3A_770 = arith.cmpf ogt, %get3A_769, %max3A_672 : vector<16xf32>
        %gt3A_771 = arith.cmpf ogt, %get3A_769, %select_n3A_670 : vector<16xf32>
        %select_n3A_772 = arith.select %gt3A_771, %add3A_712, %select_n3A_668 : vector<16xi1>, vector<16xi32>
        %select_n3A_773 = arith.select %gt3A_770, %select_n3A_671, %select_n3A_772 : vector<16xi1>, vector<16xi32>
        %max3A_774 = arith.maximumf %select_n3A_670, %get3A_769 : vector<16xf32>
        %select_n3A_775 = arith.select %gt3A_770, %max3A_672, %max3A_774 : vector<16xi1>, vector<16xf32>
        %select_n3A_776 = arith.select %gt3A_770, %add3A_712, %select_n3A_671 : vector<16xi1>, vector<16xi32>
        %max3A_777 = arith.maximumf %max3A_672, %get3A_769 : vector<16xf32>
        %get3A_778 = arith.constant 3 : i32
        %get3A_779 = arith.index_cast %scan3A_367 : i32 to index
        %get3A_780 = arith.index_cast %get3A_778 : i32 to index
        %get3A_781 = arith.constant 80 : index
        %get3A_782 = tpu.vector_load %arg5[%get3A_779, %get3A_780, %get3A_781] {strides = array<i32>} : memref<24x8x128xf32, #tpu.memory_space<vmem>>, vector<16xf32>,
        %gt3A_783 = arith.cmpf ogt, %get3A_782, %max3A_685 : vector<16xf32>
        %gt3A_784 = arith.cmpf ogt, %get3A_782, %select_n3A_683 : vector<16xf32>
        %select_n3A_785 = arith.select %gt3A_784, %add3A_712, %select_n3A_681 : vector<16xi1>, vector<16xi32>
        %select_n3A_786 = arith.select %gt3A_783, %select_n3A_684, %select_n3A_785 : vector<16xi1>, vector<16xi32>
        %max3A_787 = arith.maximumf %select_n3A_683, %get3A_782 : vector<16xf32>
        %select_n3A_788 = arith.select %gt3A_783, %max3A_685, %max3A_787 : vector<16xi1>, vector<16xf32>
        %select_n3A_789 = arith.select %gt3A_783, %add3A_712, %select_n3A_684 : vector<16xi1>, vector<16xi32>
        %max3A_790 = arith.maximumf %max3A_685, %get3A_782 : vector<16xf32>
        %get3A_791 = arith.constant 3 : i32
        %get3A_792 = arith.index_cast %scan3A_367 : i32 to index
        %get3A_793 = arith.index_cast %get3A_791 : i32 to index
        %get3A_794 = arith.constant 96 : index
        %get3A_795 = tpu.vector_load %arg5[%get3A_792, %get3A_793, %get3A_794] {strides = array<i32>} : memref<24x8x128xf32, #tpu.memory_space<vmem>>, vector<16xf32>,
        %gt3A_796 = arith.cmpf ogt, %get3A_795, %max3A_698 : vector<16xf32>
        %gt3A_797 = arith.cmpf ogt, %get3A_795, %select_n3A_696 : vector<16xf32>
        %select_n3A_798 = arith.select %gt3A_797, %add3A_712, %select_n3A_694 : vector<16xi1>, vector<16xi32>
        %select_n3A_799 = arith.select %gt3A_796, %select_n3A_697, %select_n3A_798 : vector<16xi1>, vector<16xi32>
        %max3A_800 = arith.maximumf %select_n3A_696, %get3A_795 : vector<16xf32>
        %select_n3A_801 = arith.select %gt3A_796, %max3A_698, %max3A_800 : vector<16xi1>, vector<16xf32>
        %select_n3A_802 = arith.select %gt3A_796, %add3A_712, %select_n3A_697 : vector<16xi1>, vector<16xi32>
        %max3A_803 = arith.maximumf %max3A_698, %get3A_795 : vector<16xf32>
        %get3A_804 = arith.constant 3 : i32
        %get3A_805 = arith.index_cast %scan3A_367 : i32 to index
        %get3A_806 = arith.index_cast %get3A_804 : i32 to index
        %get3A_807 = arith.constant 112 : index
        %get3A_808 = tpu.vector_load %arg5[%get3A_805, %get3A_806, %get3A_807] {strides = array<i32>} : memref<24x8x128xf32, #tpu.memory_space<vmem>>, vector<16xf32>,
        %gt3A_809 = arith.cmpf ogt, %get3A_808, %max3A_711 : vector<16xf32>
        %gt3A_810 = arith.cmpf ogt, %get3A_808, %select_n3A_709 : vector<16xf32>
        %select_n3A_811 = arith.select %gt3A_810, %add3A_712, %select_n3A_707 : vector<16xi1>, vector<16xi32>
        %select_n3A_812 = arith.select %gt3A_809, %select_n3A_710, %select_n3A_811 : vector<16xi1>, vector<16xi32>
        %max3A_813 = arith.maximumf %select_n3A_709, %get3A_808 : vector<16xf32>
        %select_n3A_814 = arith.select %gt3A_809, %max3A_711, %max3A_813 : vector<16xi1>, vector<16xf32>
        %select_n3A_815 = arith.select %gt3A_809, %add3A_712, %select_n3A_710 : vector<16xi1>, vector<16xi32>
        %max3A_816 = arith.maximumf %max3A_711, %get3A_808 : vector<16xf32>
        %add3A_817 = arith.addi %add3A_712, %broadcast_in_dim3A_37 : vector<16xi32>
        %get3A_818 = arith.constant 4 : i32
        %get3A_819 = arith.index_cast %scan3A_367 : i32 to index
        %get3A_820 = arith.index_cast %get3A_818 : i32 to index
        %get3A_821 = arith.constant 0 : index
        %get3A_822 = tpu.vector_load %arg5[%get3A_819, %get3A_820, %get3A_821] {strides = array<i32>} : memref<24x8x128xf32, #tpu.memory_space<vmem>>, vector<16xf32>,
        %gt3A_823 = arith.cmpf ogt, %get3A_822, %max3A_725 : vector<16xf32>
        %gt3A_824 = arith.cmpf ogt, %get3A_822, %select_n3A_723 : vector<16xf32>
        %select_n3A_825 = arith.select %gt3A_824, %add3A_817, %select_n3A_721 : vector<16xi1>, vector<16xi32>
        %select_n3A_826 = arith.select %gt3A_823, %select_n3A_724, %select_n3A_825 : vector<16xi1>, vector<16xi32>
        %max3A_827 = arith.maximumf %select_n3A_723, %get3A_822 : vector<16xf32>
        %select_n3A_828 = arith.select %gt3A_823, %max3A_725, %max3A_827 : vector<16xi1>, vector<16xf32>
        %select_n3A_829 = arith.select %gt3A_823, %add3A_817, %select_n3A_724 : vector<16xi1>, vector<16xi32>
        %max3A_830 = arith.maximumf %max3A_725, %get3A_822 : vector<16xf32>
        %get3A_831 = arith.constant 4 : i32
        %get3A_832 = arith.index_cast %scan3A_367 : i32 to index
        %get3A_833 = arith.index_cast %get3A_831 : i32 to index
        %get3A_834 = arith.constant 16 : index
        %get3A_835 = tpu.vector_load %arg5[%get3A_832, %get3A_833, %get3A_834] {strides = array<i32>} : memref<24x8x128xf32, #tpu.memory_space<vmem>>, vector<16xf32>,
        %gt3A_836 = arith.cmpf ogt, %get3A_835, %max3A_738 : vector<16xf32>
        %gt3A_837 = arith.cmpf ogt, %get3A_835, %select_n3A_736 : vector<16xf32>
        %select_n3A_838 = arith.select %gt3A_837, %add3A_817, %select_n3A_734 : vector<16xi1>, vector<16xi32>
        %select_n3A_839 = arith.select %gt3A_836, %select_n3A_737, %select_n3A_838 : vector<16xi1>, vector<16xi32>
        %max3A_840 = arith.maximumf %select_n3A_736, %get3A_835 : vector<16xf32>
        %select_n3A_841 = arith.select %gt3A_836, %max3A_738, %max3A_840 : vector<16xi1>, vector<16xf32>
        %select_n3A_842 = arith.select %gt3A_836, %add3A_817, %select_n3A_737 : vector<16xi1>, vector<16xi32>
        %max3A_843 = arith.maximumf %max3A_738, %get3A_835 : vector<16xf32>
        %get3A_844 = arith.constant 4 : i32
        %get3A_845 = arith.index_cast %scan3A_367 : i32 to index
        %get3A_846 = arith.index_cast %get3A_844 : i32 to index
        %get3A_847 = arith.constant 32 : index
        %get3A_848 = tpu.vector_load %arg5[%get3A_845, %get3A_846, %get3A_847] {strides = array<i32>} : memref<24x8x128xf32, #tpu.memory_space<vmem>>, vector<16xf32>,
        %gt3A_849 = arith.cmpf ogt, %get3A_848, %max3A_751 : vector<16xf32>
        %gt3A_850 = arith.cmpf ogt, %get3A_848, %select_n3A_749 : vector<16xf32>
        %select_n3A_851 = arith.select %gt3A_850, %add3A_817, %select_n3A_747 : vector<16xi1>, vector<16xi32>
        %select_n3A_852 = arith.select %gt3A_849, %select_n3A_750, %select_n3A_851 : vector<16xi1>, vector<16xi32>
        %max3A_853 = arith.maximumf %select_n3A_749, %get3A_848 : vector<16xf32>
        %select_n3A_854 = arith.select %gt3A_849, %max3A_751, %max3A_853 : vector<16xi1>, vector<16xf32>
        %select_n3A_855 = arith.select %gt3A_849, %add3A_817, %select_n3A_750 : vector<16xi1>, vector<16xi32>
        %max3A_856 = arith.maximumf %max3A_751, %get3A_848 : vector<16xf32>
        %get3A_857 = arith.constant 4 : i32
        %get3A_858 = arith.index_cast %scan3A_367 : i32 to index
        %get3A_859 = arith.index_cast %get3A_857 : i32 to index
        %get3A_860 = arith.constant 48 : index
        %get3A_861 = tpu.vector_load %arg5[%get3A_858, %get3A_859, %get3A_860] {strides = array<i32>} : memref<24x8x128xf32, #tpu.memory_space<vmem>>, vector<16xf32>,
        %gt3A_862 = arith.cmpf ogt, %get3A_861, %max3A_764 : vector<16xf32>
        %gt3A_863 = arith.cmpf ogt, %get3A_861, %select_n3A_762 : vector<16xf32>
        %select_n3A_864 = arith.select %gt3A_863, %add3A_817, %select_n3A_760 : vector<16xi1>, vector<16xi32>
        %select_n3A_865 = arith.select %gt3A_862, %select_n3A_763, %select_n3A_864 : vector<16xi1>, vector<16xi32>
        %max3A_866 = arith.maximumf %select_n3A_762, %get3A_861 : vector<16xf32>
        %select_n3A_867 = arith.select %gt3A_862, %max3A_764, %max3A_866 : vector<16xi1>, vector<16xf32>
        %select_n3A_868 = arith.select %gt3A_862, %add3A_817, %select_n3A_763 : vector<16xi1>, vector<16xi32>
        %max3A_869 = arith.maximumf %max3A_764, %get3A_861 : vector<16xf32>
        %get3A_870 = arith.constant 4 : i32
        %get3A_871 = arith.index_cast %scan3A_367 : i32 to index
        %get3A_872 = arith.index_cast %get3A_870 : i32 to index
        %get3A_873 = arith.constant 64 : index
        %get3A_874 = tpu.vector_load %arg5[%get3A_871, %get3A_872, %get3A_873] {strides = array<i32>} : memref<24x8x128xf32, #tpu.memory_space<vmem>>, vector<16xf32>,
        %gt3A_875 = arith.cmpf ogt, %get3A_874, %max3A_777 : vector<16xf32>
        %gt3A_876 = arith.cmpf ogt, %get3A_874, %select_n3A_775 : vector<16xf32>
        %select_n3A_877 = arith.select %gt3A_876, %add3A_817, %select_n3A_773 : vector<16xi1>, vector<16xi32>
        %select_n3A_878 = arith.select %gt3A_875, %select_n3A_776, %select_n3A_877 : vector<16xi1>, vector<16xi32>
        %max3A_879 = arith.maximumf %select_n3A_775, %get3A_874 : vector<16xf32>
        %select_n3A_880 = arith.select %gt3A_875, %max3A_777, %max3A_879 : vector<16xi1>, vector<16xf32>
        %select_n3A_881 = arith.select %gt3A_875, %add3A_817, %select_n3A_776 : vector<16xi1>, vector<16xi32>
        %max3A_882 = arith.maximumf %max3A_777, %get3A_874 : vector<16xf32>
        %get3A_883 = arith.constant 4 : i32
        %get3A_884 = arith.index_cast %scan3A_367 : i32 to index
        %get3A_885 = arith.index_cast %get3A_883 : i32 to index
        %get3A_886 = arith.constant 80 : index
        %get3A_887 = tpu.vector_load %arg5[%get3A_884, %get3A_885, %get3A_886] {strides = array<i32>} : memref<24x8x128xf32, #tpu.memory_space<vmem>>, vector<16xf32>,
        %gt3A_888 = arith.cmpf ogt, %get3A_887, %max3A_790 : vector<16xf32>
        %gt3A_889 = arith.cmpf ogt, %get3A_887, %select_n3A_788 : vector<16xf32>
        %select_n3A_890 = arith.select %gt3A_889, %add3A_817, %select_n3A_786 : vector<16xi1>, vector<16xi32>
        %select_n3A_891 = arith.select %gt3A_888, %select_n3A_789, %select_n3A_890 : vector<16xi1>, vector<16xi32>
        %max3A_892 = arith.maximumf %select_n3A_788, %get3A_887 : vector<16xf32>
        %select_n3A_893 = arith.select %gt3A_888, %max3A_790, %max3A_892 : vector<16xi1>, vector<16xf32>
        %select_n3A_894 = arith.select %gt3A_888, %add3A_817, %select_n3A_789 : vector<16xi1>, vector<16xi32>
        %max3A_895 = arith.maximumf %max3A_790, %get3A_887 : vector<16xf32>
        %get3A_896 = arith.constant 4 : i32
        %get3A_897 = arith.index_cast %scan3A_367 : i32 to index
        %get3A_898 = arith.index_cast %get3A_896 : i32 to index
        %get3A_899 = arith.constant 96 : index
        %get3A_900 = tpu.vector_load %arg5[%get3A_897, %get3A_898, %get3A_899] {strides = array<i32>} : memref<24x8x128xf32, #tpu.memory_space<vmem>>, vector<16xf32>,
        %gt3A_901 = arith.cmpf ogt, %get3A_900, %max3A_803 : vector<16xf32>
        %gt3A_902 = arith.cmpf ogt, %get3A_900, %select_n3A_801 : vector<16xf32>
        %select_n3A_903 = arith.select %gt3A_902, %add3A_817, %select_n3A_799 : vector<16xi1>, vector<16xi32>
        %select_n3A_904 = arith.select %gt3A_901, %select_n3A_802, %select_n3A_903 : vector<16xi1>, vector<16xi32>
        %max3A_905 = arith.maximumf %select_n3A_801, %get3A_900 : vector<16xf32>
        %select_n3A_906 = arith.select %gt3A_901, %max3A_803, %max3A_905 : vector<16xi1>, vector<16xf32>
        %select_n3A_907 = arith.select %gt3A_901, %add3A_817, %select_n3A_802 : vector<16xi1>, vector<16xi32>
        %max3A_908 = arith.maximumf %max3A_803, %get3A_900 : vector<16xf32>
        %get3A_909 = arith.constant 4 : i32
        %get3A_910 = arith.index_cast %scan3A_367 : i32 to index
        %get3A_911 = arith.index_cast %get3A_909 : i32 to index
        %get3A_912 = arith.constant 112 : index
        %get3A_913 = tpu.vector_load %arg5[%get3A_910, %get3A_911, %get3A_912] {strides = array<i32>} : memref<24x8x128xf32, #tpu.memory_space<vmem>>, vector<16xf32>,
        %gt3A_914 = arith.cmpf ogt, %get3A_913, %max3A_816 : vector<16xf32>
        %gt3A_915 = arith.cmpf ogt, %get3A_913, %select_n3A_814 : vector<16xf32>
        %select_n3A_916 = arith.select %gt3A_915, %add3A_817, %select_n3A_812 : vector<16xi1>, vector<16xi32>
        %select_n3A_917 = arith.select %gt3A_914, %select_n3A_815, %select_n3A_916 : vector<16xi1>, vector<16xi32>
        %max3A_918 = arith.maximumf %select_n3A_814, %get3A_913 : vector<16xf32>
        %select_n3A_919 = arith.select %gt3A_914, %max3A_816, %max3A_918 : vector<16xi1>, vector<16xf32>
        %select_n3A_920 = arith.select %gt3A_914, %add3A_817, %select_n3A_815 : vector<16xi1>, vector<16xi32>
        %max3A_921 = arith.maximumf %max3A_816, %get3A_913 : vector<16xf32>
        %add3A_922 = arith.addi %add3A_817, %broadcast_in_dim3A_37 : vector<16xi32>
        %get3A_923 = arith.constant 5 : i32
        %get3A_924 = arith.index_cast %scan3A_367 : i32 to index
        %get3A_925 = arith.index_cast %get3A_923 : i32 to index
        %get3A_926 = arith.constant 0 : index
        %get3A_927 = tpu.vector_load %arg5[%get3A_924, %get3A_925, %get3A_926] {strides = array<i32>} : memref<24x8x128xf32, #tpu.memory_space<vmem>>, vector<16xf32>,
        %gt3A_928 = arith.cmpf ogt, %get3A_927, %max3A_830 : vector<16xf32>
        %gt3A_929 = arith.cmpf ogt, %get3A_927, %select_n3A_828 : vector<16xf32>
        %select_n3A_930 = arith.select %gt3A_929, %add3A_922, %select_n3A_826 : vector<16xi1>, vector<16xi32>
        %select_n3A_931 = arith.select %gt3A_928, %select_n3A_829, %select_n3A_930 : vector<16xi1>, vector<16xi32>
        %max3A_932 = arith.maximumf %select_n3A_828, %get3A_927 : vector<16xf32>
        %select_n3A_933 = arith.select %gt3A_928, %max3A_830, %max3A_932 : vector<16xi1>, vector<16xf32>
        %select_n3A_934 = arith.select %gt3A_928, %add3A_922, %select_n3A_829 : vector<16xi1>, vector<16xi32>
        %max3A_935 = arith.maximumf %max3A_830, %get3A_927 : vector<16xf32>
        %get3A_936 = arith.constant 5 : i32
        %get3A_937 = arith.index_cast %scan3A_367 : i32 to index
        %get3A_938 = arith.index_cast %get3A_936 : i32 to index
        %get3A_939 = arith.constant 16 : index
        %get3A_940 = tpu.vector_load %arg5[%get3A_937, %get3A_938, %get3A_939] {strides = array<i32>} : memref<24x8x128xf32, #tpu.memory_space<vmem>>, vector<16xf32>,
        %gt3A_941 = arith.cmpf ogt, %get3A_940, %max3A_843 : vector<16xf32>
        %gt3A_942 = arith.cmpf ogt, %get3A_940, %select_n3A_841 : vector<16xf32>
        %select_n3A_943 = arith.select %gt3A_942, %add3A_922, %select_n3A_839 : vector<16xi1>, vector<16xi32>
        %select_n3A_944 = arith.select %gt3A_941, %select_n3A_842, %select_n3A_943 : vector<16xi1>, vector<16xi32>
        %max3A_945 = arith.maximumf %select_n3A_841, %get3A_940 : vector<16xf32>
        %select_n3A_946 = arith.select %gt3A_941, %max3A_843, %max3A_945 : vector<16xi1>, vector<16xf32>
        %select_n3A_947 = arith.select %gt3A_941, %add3A_922, %select_n3A_842 : vector<16xi1>, vector<16xi32>
        %max3A_948 = arith.maximumf %max3A_843, %get3A_940 : vector<16xf32>
        %get3A_949 = arith.constant 5 : i32
        %get3A_950 = arith.index_cast %scan3A_367 : i32 to index
        %get3A_951 = arith.index_cast %get3A_949 : i32 to index
        %get3A_952 = arith.constant 32 : index
        %get3A_953 = tpu.vector_load %arg5[%get3A_950, %get3A_951, %get3A_952] {strides = array<i32>} : memref<24x8x128xf32, #tpu.memory_space<vmem>>, vector<16xf32>,
        %gt3A_954 = arith.cmpf ogt, %get3A_953, %max3A_856 : vector<16xf32>
        %gt3A_955 = arith.cmpf ogt, %get3A_953, %select_n3A_854 : vector<16xf32>
        %select_n3A_956 = arith.select %gt3A_955, %add3A_922, %select_n3A_852 : vector<16xi1>, vector<16xi32>
        %select_n3A_957 = arith.select %gt3A_954, %select_n3A_855, %select_n3A_956 : vector<16xi1>, vector<16xi32>
        %max3A_958 = arith.maximumf %select_n3A_854, %get3A_953 : vector<16xf32>
        %select_n3A_959 = arith.select %gt3A_954, %max3A_856, %max3A_958 : vector<16xi1>, vector<16xf32>
        %select_n3A_960 = arith.select %gt3A_954, %add3A_922, %select_n3A_855 : vector<16xi1>, vector<16xi32>
        %max3A_961 = arith.maximumf %max3A_856, %get3A_953 : vector<16xf32>
        %get3A_962 = arith.constant 5 : i32
        %get3A_963 = arith.index_cast %scan3A_367 : i32 to index
        %get3A_964 = arith.index_cast %get3A_962 : i32 to index
        %get3A_965 = arith.constant 48 : index
        %get3A_966 = tpu.vector_load %arg5[%get3A_963, %get3A_964, %get3A_965] {strides = array<i32>} : memref<24x8x128xf32, #tpu.memory_space<vmem>>, vector<16xf32>,
        %gt3A_967 = arith.cmpf ogt, %get3A_966, %max3A_869 : vector<16xf32>
        %gt3A_968 = arith.cmpf ogt, %get3A_966, %select_n3A_867 : vector<16xf32>
        %select_n3A_969 = arith.select %gt3A_968, %add3A_922, %select_n3A_865 : vector<16xi1>, vector<16xi32>
        %select_n3A_970 = arith.select %gt3A_967, %select_n3A_868, %select_n3A_969 : vector<16xi1>, vector<16xi32>
        %max3A_971 = arith.maximumf %select_n3A_867, %get3A_966 : vector<16xf32>
        %select_n3A_972 = arith.select %gt3A_967, %max3A_869, %max3A_971 : vector<16xi1>, vector<16xf32>
        %select_n3A_973 = arith.select %gt3A_967, %add3A_922, %select_n3A_868 : vector<16xi1>, vector<16xi32>
        %max3A_974 = arith.maximumf %max3A_869, %get3A_966 : vector<16xf32>
        %get3A_975 = arith.constant 5 : i32
        %get3A_976 = arith.index_cast %scan3A_367 : i32 to index
        %get3A_977 = arith.index_cast %get3A_975 : i32 to index
        %get3A_978 = arith.constant 64 : index
        %get3A_979 = tpu.vector_load %arg5[%get3A_976, %get3A_977, %get3A_978] {strides = array<i32>} : memref<24x8x128xf32, #tpu.memory_space<vmem>>, vector<16xf32>,
        %gt3A_980 = arith.cmpf ogt, %get3A_979, %max3A_882 : vector<16xf32>
        %gt3A_981 = arith.cmpf ogt, %get3A_979, %select_n3A_880 : vector<16xf32>
        %select_n3A_982 = arith.select %gt3A_981, %add3A_922, %select_n3A_878 : vector<16xi1>, vector<16xi32>
        %select_n3A_983 = arith.select %gt3A_980, %select_n3A_881, %select_n3A_982 : vector<16xi1>, vector<16xi32>
        %max3A_984 = arith.maximumf %select_n3A_880, %get3A_979 : vector<16xf32>
        %select_n3A_985 = arith.select %gt3A_980, %max3A_882, %max3A_984 : vector<16xi1>, vector<16xf32>
        %select_n3A_986 = arith.select %gt3A_980, %add3A_922, %select_n3A_881 : vector<16xi1>, vector<16xi32>
        %max3A_987 = arith.maximumf %max3A_882, %get3A_979 : vector<16xf32>
        %get3A_988 = arith.constant 5 : i32
        %get3A_989 = arith.index_cast %scan3A_367 : i32 to index
        %get3A_990 = arith.index_cast %get3A_988 : i32 to index
        %get3A_991 = arith.constant 80 : index
        %get3A_992 = tpu.vector_load %arg5[%get3A_989, %get3A_990, %get3A_991] {strides = array<i32>} : memref<24x8x128xf32, #tpu.memory_space<vmem>>, vector<16xf32>,
        %gt3A_993 = arith.cmpf ogt, %get3A_992, %max3A_895 : vector<16xf32>
        %gt3A_994 = arith.cmpf ogt, %get3A_992, %select_n3A_893 : vector<16xf32>
        %select_n3A_995 = arith.select %gt3A_994, %add3A_922, %select_n3A_891 : vector<16xi1>, vector<16xi32>
        %select_n3A_996 = arith.select %gt3A_993, %select_n3A_894, %select_n3A_995 : vector<16xi1>, vector<16xi32>
        %max3A_997 = arith.maximumf %select_n3A_893, %get3A_992 : vector<16xf32>
        %select_n3A_998 = arith.select %gt3A_993, %max3A_895, %max3A_997 : vector<16xi1>, vector<16xf32>
        %select_n3A_999 = arith.select %gt3A_993, %add3A_922, %select_n3A_894 : vector<16xi1>, vector<16xi32>
        %max3A_1000 = arith.maximumf %max3A_895, %get3A_992 : vector<16xf32>
        %get3A_1001 = arith.constant 5 : i32
        %get3A_1002 = arith.index_cast %scan3A_367 : i32 to index
        %get3A_1003 = arith.index_cast %get3A_1001 : i32 to index
        %get3A_1004 = arith.constant 96 : index
        %get3A_1005 = tpu.vector_load %arg5[%get3A_1002, %get3A_1003, %get3A_1004] {strides = array<i32>} : memref<24x8x128xf32, #tpu.memory_space<vmem>>, vector<16xf32>,
        %gt3A_1006 = arith.cmpf ogt, %get3A_1005, %max3A_908 : vector<16xf32>
        %gt3A_1007 = arith.cmpf ogt, %get3A_1005, %select_n3A_906 : vector<16xf32>
        %select_n3A_1008 = arith.select %gt3A_1007, %add3A_922, %select_n3A_904 : vector<16xi1>, vector<16xi32>
        %select_n3A_1009 = arith.select %gt3A_1006, %select_n3A_907, %select_n3A_1008 : vector<16xi1>, vector<16xi32>
        %max3A_1010 = arith.maximumf %select_n3A_906, %get3A_1005 : vector<16xf32>
        %select_n3A_1011 = arith.select %gt3A_1006, %max3A_908, %max3A_1010 : vector<16xi1>, vector<16xf32>
        %select_n3A_1012 = arith.select %gt3A_1006, %add3A_922, %select_n3A_907 : vector<16xi1>, vector<16xi32>
        %max3A_1013 = arith.maximumf %max3A_908, %get3A_1005 : vector<16xf32>
        %get3A_1014 = arith.constant 5 : i32
        %get3A_1015 = arith.index_cast %scan3A_367 : i32 to index
        %get3A_1016 = arith.index_cast %get3A_1014 : i32 to index
        %get3A_1017 = arith.constant 112 : index
        %get3A_1018 = tpu.vector_load %arg5[%get3A_1015, %get3A_1016, %get3A_1017] {strides = array<i32>} : memref<24x8x128xf32, #tpu.memory_space<vmem>>, vector<16xf32>,
        %gt3A_1019 = arith.cmpf ogt, %get3A_1018, %max3A_921 : vector<16xf32>
        %gt3A_1020 = arith.cmpf ogt, %get3A_1018, %select_n3A_919 : vector<16xf32>
        %select_n3A_1021 = arith.select %gt3A_1020, %add3A_922, %select_n3A_917 : vector<16xi1>, vector<16xi32>
        %select_n3A_1022 = arith.select %gt3A_1019, %select_n3A_920, %select_n3A_1021 : vector<16xi1>, vector<16xi32>
        %max3A_1023 = arith.maximumf %select_n3A_919, %get3A_1018 : vector<16xf32>
        %select_n3A_1024 = arith.select %gt3A_1019, %max3A_921, %max3A_1023 : vector<16xi1>, vector<16xf32>
        %select_n3A_1025 = arith.select %gt3A_1019, %add3A_922, %select_n3A_920 : vector<16xi1>, vector<16xi32>
        %max3A_1026 = arith.maximumf %max3A_921, %get3A_1018 : vector<16xf32>
        %add3A_1027 = arith.addi %add3A_922, %broadcast_in_dim3A_37 : vector<16xi32>
        %get3A_1028 = arith.constant 6 : i32
        %get3A_1029 = arith.index_cast %scan3A_367 : i32 to index
        %get3A_1030 = arith.index_cast %get3A_1028 : i32 to index
        %get3A_1031 = arith.constant 0 : index
        %get3A_1032 = tpu.vector_load %arg5[%get3A_1029, %get3A_1030, %get3A_1031] {strides = array<i32>} : memref<24x8x128xf32, #tpu.memory_space<vmem>>, vector<16xf32>,
        %gt3A_1033 = arith.cmpf ogt, %get3A_1032, %max3A_935 : vector<16xf32>
        %gt3A_1034 = arith.cmpf ogt, %get3A_1032, %select_n3A_933 : vector<16xf32>
        %select_n3A_1035 = arith.select %gt3A_1034, %add3A_1027, %select_n3A_931 : vector<16xi1>, vector<16xi32>
        %select_n3A_1036 = arith.select %gt3A_1033, %select_n3A_934, %select_n3A_1035 : vector<16xi1>, vector<16xi32>
        %max3A_1037 = arith.maximumf %select_n3A_933, %get3A_1032 : vector<16xf32>
        %select_n3A_1038 = arith.select %gt3A_1033, %max3A_935, %max3A_1037 : vector<16xi1>, vector<16xf32>
        %select_n3A_1039 = arith.select %gt3A_1033, %add3A_1027, %select_n3A_934 : vector<16xi1>, vector<16xi32>
        %max3A_1040 = arith.maximumf %max3A_935, %get3A_1032 : vector<16xf32>
        %get3A_1041 = arith.constant 6 : i32
        %get3A_1042 = arith.index_cast %scan3A_367 : i32 to index
        %get3A_1043 = arith.index_cast %get3A_1041 : i32 to index
        %get3A_1044 = arith.constant 16 : index
        %get3A_1045 = tpu.vector_load %arg5[%get3A_1042, %get3A_1043, %get3A_1044] {strides = array<i32>} : memref<24x8x128xf32, #tpu.memory_space<vmem>>, vector<16xf32>,
        %gt3A_1046 = arith.cmpf ogt, %get3A_1045, %max3A_948 : vector<16xf32>
        %gt3A_1047 = arith.cmpf ogt, %get3A_1045, %select_n3A_946 : vector<16xf32>
        %select_n3A_1048 = arith.select %gt3A_1047, %add3A_1027, %select_n3A_944 : vector<16xi1>, vector<16xi32>
        %select_n3A_1049 = arith.select %gt3A_1046, %select_n3A_947, %select_n3A_1048 : vector<16xi1>, vector<16xi32>
        %max3A_1050 = arith.maximumf %select_n3A_946, %get3A_1045 : vector<16xf32>
        %select_n3A_1051 = arith.select %gt3A_1046, %max3A_948, %max3A_1050 : vector<16xi1>, vector<16xf32>
        %select_n3A_1052 = arith.select %gt3A_1046, %add3A_1027, %select_n3A_947 : vector<16xi1>, vector<16xi32>
        %max3A_1053 = arith.maximumf %max3A_948, %get3A_1045 : vector<16xf32>
        %get3A_1054 = arith.constant 6 : i32
        %get3A_1055 = arith.index_cast %scan3A_367 : i32 to index
        %get3A_1056 = arith.index_cast %get3A_1054 : i32 to index
        %get3A_1057 = arith.constant 32 : index
        %get3A_1058 = tpu.vector_load %arg5[%get3A_1055, %get3A_1056, %get3A_1057] {strides = array<i32>} : memref<24x8x128xf32, #tpu.memory_space<vmem>>, vector<16xf32>,
        %gt3A_1059 = arith.cmpf ogt, %get3A_1058, %max3A_961 : vector<16xf32>
        %gt3A_1060 = arith.cmpf ogt, %get3A_1058, %select_n3A_959 : vector<16xf32>
        %select_n3A_1061 = arith.select %gt3A_1060, %add3A_1027, %select_n3A_957 : vector<16xi1>, vector<16xi32>
        %select_n3A_1062 = arith.select %gt3A_1059, %select_n3A_960, %select_n3A_1061 : vector<16xi1>, vector<16xi32>
        %max3A_1063 = arith.maximumf %select_n3A_959, %get3A_1058 : vector<16xf32>
        %select_n3A_1064 = arith.select %gt3A_1059, %max3A_961, %max3A_1063 : vector<16xi1>, vector<16xf32>
        %select_n3A_1065 = arith.select %gt3A_1059, %add3A_1027, %select_n3A_960 : vector<16xi1>, vector<16xi32>
        %max3A_1066 = arith.maximumf %max3A_961, %get3A_1058 : vector<16xf32>
        %get3A_1067 = arith.constant 6 : i32
        %get3A_1068 = arith.index_cast %scan3A_367 : i32 to index
        %get3A_1069 = arith.index_cast %get3A_1067 : i32 to index
        %get3A_1070 = arith.constant 48 : index
        %get3A_1071 = tpu.vector_load %arg5[%get3A_1068, %get3A_1069, %get3A_1070] {strides = array<i32>} : memref<24x8x128xf32, #tpu.memory_space<vmem>>, vector<16xf32>,
        %gt3A_1072 = arith.cmpf ogt, %get3A_1071, %max3A_974 : vector<16xf32>
        %gt3A_1073 = arith.cmpf ogt, %get3A_1071, %select_n3A_972 : vector<16xf32>
        %select_n3A_1074 = arith.select %gt3A_1073, %add3A_1027, %select_n3A_970 : vector<16xi1>, vector<16xi32>
        %select_n3A_1075 = arith.select %gt3A_1072, %select_n3A_973, %select_n3A_1074 : vector<16xi1>, vector<16xi32>
        %max3A_1076 = arith.maximumf %select_n3A_972, %get3A_1071 : vector<16xf32>
        %select_n3A_1077 = arith.select %gt3A_1072, %max3A_974, %max3A_1076 : vector<16xi1>, vector<16xf32>
        %select_n3A_1078 = arith.select %gt3A_1072, %add3A_1027, %select_n3A_973 : vector<16xi1>, vector<16xi32>
        %max3A_1079 = arith.maximumf %max3A_974, %get3A_1071 : vector<16xf32>
        %get3A_1080 = arith.constant 6 : i32
        %get3A_1081 = arith.index_cast %scan3A_367 : i32 to index
        %get3A_1082 = arith.index_cast %get3A_1080 : i32 to index
        %get3A_1083 = arith.constant 64 : index
        %get3A_1084 = tpu.vector_load %arg5[%get3A_1081, %get3A_1082, %get3A_1083] {strides = array<i32>} : memref<24x8x128xf32, #tpu.memory_space<vmem>>, vector<16xf32>,
        %gt3A_1085 = arith.cmpf ogt, %get3A_1084, %max3A_987 : vector<16xf32>
        %gt3A_1086 = arith.cmpf ogt, %get3A_1084, %select_n3A_985 : vector<16xf32>
        %select_n3A_1087 = arith.select %gt3A_1086, %add3A_1027, %select_n3A_983 : vector<16xi1>, vector<16xi32>
        %select_n3A_1088 = arith.select %gt3A_1085, %select_n3A_986, %select_n3A_1087 : vector<16xi1>, vector<16xi32>
        %max3A_1089 = arith.maximumf %select_n3A_985, %get3A_1084 : vector<16xf32>
        %select_n3A_1090 = arith.select %gt3A_1085, %max3A_987, %max3A_1089 : vector<16xi1>, vector<16xf32>
        %select_n3A_1091 = arith.select %gt3A_1085, %add3A_1027, %select_n3A_986 : vector<16xi1>, vector<16xi32>
        %max3A_1092 = arith.maximumf %max3A_987, %get3A_1084 : vector<16xf32>
        %get3A_1093 = arith.constant 6 : i32
        %get3A_1094 = arith.index_cast %scan3A_367 : i32 to index
        %get3A_1095 = arith.index_cast %get3A_1093 : i32 to index
        %get3A_1096 = arith.constant 80 : index
        %get3A_1097 = tpu.vector_load %arg5[%get3A_1094, %get3A_1095, %get3A_1096] {strides = array<i32>} : memref<24x8x128xf32, #tpu.memory_space<vmem>>, vector<16xf32>,
        %gt3A_1098 = arith.cmpf ogt, %get3A_1097, %max3A_1000 : vector<16xf32>
        %gt3A_1099 = arith.cmpf ogt, %get3A_1097, %select_n3A_998 : vector<16xf32>
        %select_n3A_1100 = arith.select %gt3A_1099, %add3A_1027, %select_n3A_996 : vector<16xi1>, vector<16xi32>
        %select_n3A_1101 = arith.select %gt3A_1098, %select_n3A_999, %select_n3A_1100 : vector<16xi1>, vector<16xi32>
        %max3A_1102 = arith.maximumf %select_n3A_998, %get3A_1097 : vector<16xf32>
        %select_n3A_1103 = arith.select %gt3A_1098, %max3A_1000, %max3A_1102 : vector<16xi1>, vector<16xf32>
        %select_n3A_1104 = arith.select %gt3A_1098, %add3A_1027, %select_n3A_999 : vector<16xi1>, vector<16xi32>
        %max3A_1105 = arith.maximumf %max3A_1000, %get3A_1097 : vector<16xf32>
        %get3A_1106 = arith.constant 6 : i32
        %get3A_1107 = arith.index_cast %scan3A_367 : i32 to index
        %get3A_1108 = arith.index_cast %get3A_1106 : i32 to index
        %get3A_1109 = arith.constant 96 : index
        %get3A_1110 = tpu.vector_load %arg5[%get3A_1107, %get3A_1108, %get3A_1109] {strides = array<i32>} : memref<24x8x128xf32, #tpu.memory_space<vmem>>, vector<16xf32>,
        %gt3A_1111 = arith.cmpf ogt, %get3A_1110, %max3A_1013 : vector<16xf32>
        %gt3A_1112 = arith.cmpf ogt, %get3A_1110, %select_n3A_1011 : vector<16xf32>
        %select_n3A_1113 = arith.select %gt3A_1112, %add3A_1027, %select_n3A_1009 : vector<16xi1>, vector<16xi32>
        %select_n3A_1114 = arith.select %gt3A_1111, %select_n3A_1012, %select_n3A_1113 : vector<16xi1>, vector<16xi32>
        %max3A_1115 = arith.maximumf %select_n3A_1011, %get3A_1110 : vector<16xf32>
        %select_n3A_1116 = arith.select %gt3A_1111, %max3A_1013, %max3A_1115 : vector<16xi1>, vector<16xf32>
        %select_n3A_1117 = arith.select %gt3A_1111, %add3A_1027, %select_n3A_1012 : vector<16xi1>, vector<16xi32>
        %max3A_1118 = arith.maximumf %max3A_1013, %get3A_1110 : vector<16xf32>
        %get3A_1119 = arith.constant 6 : i32
        %get3A_1120 = arith.index_cast %scan3A_367 : i32 to index
        %get3A_1121 = arith.index_cast %get3A_1119 : i32 to index
        %get3A_1122 = arith.constant 112 : index
        %get3A_1123 = tpu.vector_load %arg5[%get3A_1120, %get3A_1121, %get3A_1122] {strides = array<i32>} : memref<24x8x128xf32, #tpu.memory_space<vmem>>, vector<16xf32>,
        %gt3A_1124 = arith.cmpf ogt, %get3A_1123, %max3A_1026 : vector<16xf32>
        %gt3A_1125 = arith.cmpf ogt, %get3A_1123, %select_n3A_1024 : vector<16xf32>
        %select_n3A_1126 = arith.select %gt3A_1125, %add3A_1027, %select_n3A_1022 : vector<16xi1>, vector<16xi32>
        %select_n3A_1127 = arith.select %gt3A_1124, %select_n3A_1025, %select_n3A_1126 : vector<16xi1>, vector<16xi32>
        %max3A_1128 = arith.maximumf %select_n3A_1024, %get3A_1123 : vector<16xf32>
        %select_n3A_1129 = arith.select %gt3A_1124, %max3A_1026, %max3A_1128 : vector<16xi1>, vector<16xf32>
        %select_n3A_1130 = arith.select %gt3A_1124, %add3A_1027, %select_n3A_1025 : vector<16xi1>, vector<16xi32>
        %max3A_1131 = arith.maximumf %max3A_1026, %get3A_1123 : vector<16xf32>
        %add3A_1132 = arith.addi %add3A_1027, %broadcast_in_dim3A_37 : vector<16xi32>
        %get3A_1133 = arith.constant 7 : i32
        %get3A_1134 = arith.index_cast %scan3A_367 : i32 to index
        %get3A_1135 = arith.index_cast %get3A_1133 : i32 to index
        %get3A_1136 = arith.constant 0 : index
        %get3A_1137 = tpu.vector_load %arg5[%get3A_1134, %get3A_1135, %get3A_1136] {strides = array<i32>} : memref<24x8x128xf32, #tpu.memory_space<vmem>>, vector<16xf32>,
        %gt3A_1138 = arith.cmpf ogt, %get3A_1137, %max3A_1040 : vector<16xf32>
        %gt3A_1139 = arith.cmpf ogt, %get3A_1137, %select_n3A_1038 : vector<16xf32>
        %select_n3A_1140 = arith.select %gt3A_1139, %add3A_1132, %select_n3A_1036 : vector<16xi1>, vector<16xi32>
        %select_n3A_1141 = arith.select %gt3A_1138, %select_n3A_1039, %select_n3A_1140 : vector<16xi1>, vector<16xi32>
        %max3A_1142 = arith.maximumf %select_n3A_1038, %get3A_1137 : vector<16xf32>
        %select_n3A_1143 = arith.select %gt3A_1138, %max3A_1040, %max3A_1142 : vector<16xi1>, vector<16xf32>
        %select_n3A_1144 = arith.select %gt3A_1138, %add3A_1132, %select_n3A_1039 : vector<16xi1>, vector<16xi32>
        %max3A_1145 = arith.maximumf %max3A_1040, %get3A_1137 : vector<16xf32>
        %get3A_1146 = arith.constant 7 : i32
        %get3A_1147 = arith.index_cast %scan3A_367 : i32 to index
        %get3A_1148 = arith.index_cast %get3A_1146 : i32 to index
        %get3A_1149 = arith.constant 16 : index
        %get3A_1150 = tpu.vector_load %arg5[%get3A_1147, %get3A_1148, %get3A_1149] {strides = array<i32>} : memref<24x8x128xf32, #tpu.memory_space<vmem>>, vector<16xf32>,
        %gt3A_1151 = arith.cmpf ogt, %get3A_1150, %max3A_1053 : vector<16xf32>
        %gt3A_1152 = arith.cmpf ogt, %get3A_1150, %select_n3A_1051 : vector<16xf32>
        %select_n3A_1153 = arith.select %gt3A_1152, %add3A_1132, %select_n3A_1049 : vector<16xi1>, vector<16xi32>
        %select_n3A_1154 = arith.select %gt3A_1151, %select_n3A_1052, %select_n3A_1153 : vector<16xi1>, vector<16xi32>
        %max3A_1155 = arith.maximumf %select_n3A_1051, %get3A_1150 : vector<16xf32>
        %select_n3A_1156 = arith.select %gt3A_1151, %max3A_1053, %max3A_1155 : vector<16xi1>, vector<16xf32>
        %select_n3A_1157 = arith.select %gt3A_1151, %add3A_1132, %select_n3A_1052 : vector<16xi1>, vector<16xi32>
        %max3A_1158 = arith.maximumf %max3A_1053, %get3A_1150 : vector<16xf32>
        %get3A_1159 = arith.constant 7 : i32
        %get3A_1160 = arith.index_cast %scan3A_367 : i32 to index
        %get3A_1161 = arith.index_cast %get3A_1159 : i32 to index
        %get3A_1162 = arith.constant 32 : index
        %get3A_1163 = tpu.vector_load %arg5[%get3A_1160, %get3A_1161, %get3A_1162] {strides = array<i32>} : memref<24x8x128xf32, #tpu.memory_space<vmem>>, vector<16xf32>,
        %gt3A_1164 = arith.cmpf ogt, %get3A_1163, %max3A_1066 : vector<16xf32>
        %gt3A_1165 = arith.cmpf ogt, %get3A_1163, %select_n3A_1064 : vector<16xf32>
        %select_n3A_1166 = arith.select %gt3A_1165, %add3A_1132, %select_n3A_1062 : vector<16xi1>, vector<16xi32>
        %select_n3A_1167 = arith.select %gt3A_1164, %select_n3A_1065, %select_n3A_1166 : vector<16xi1>, vector<16xi32>
        %max3A_1168 = arith.maximumf %select_n3A_1064, %get3A_1163 : vector<16xf32>
        %select_n3A_1169 = arith.select %gt3A_1164, %max3A_1066, %max3A_1168 : vector<16xi1>, vector<16xf32>
        %select_n3A_1170 = arith.select %gt3A_1164, %add3A_1132, %select_n3A_1065 : vector<16xi1>, vector<16xi32>
        %max3A_1171 = arith.maximumf %max3A_1066, %get3A_1163 : vector<16xf32>
        %get3A_1172 = arith.constant 7 : i32
        %get3A_1173 = arith.index_cast %scan3A_367 : i32 to index
        %get3A_1174 = arith.index_cast %get3A_1172 : i32 to index
        %get3A_1175 = arith.constant 48 : index
        %get3A_1176 = tpu.vector_load %arg5[%get3A_1173, %get3A_1174, %get3A_1175] {strides = array<i32>} : memref<24x8x128xf32, #tpu.memory_space<vmem>>, vector<16xf32>,
        %gt3A_1177 = arith.cmpf ogt, %get3A_1176, %max3A_1079 : vector<16xf32>
        %gt3A_1178 = arith.cmpf ogt, %get3A_1176, %select_n3A_1077 : vector<16xf32>
        %select_n3A_1179 = arith.select %gt3A_1178, %add3A_1132, %select_n3A_1075 : vector<16xi1>, vector<16xi32>
        %select_n3A_1180 = arith.select %gt3A_1177, %select_n3A_1078, %select_n3A_1179 : vector<16xi1>, vector<16xi32>
        %max3A_1181 = arith.maximumf %select_n3A_1077, %get3A_1176 : vector<16xf32>
        %select_n3A_1182 = arith.select %gt3A_1177, %max3A_1079, %max3A_1181 : vector<16xi1>, vector<16xf32>
        %select_n3A_1183 = arith.select %gt3A_1177, %add3A_1132, %select_n3A_1078 : vector<16xi1>, vector<16xi32>
        %max3A_1184 = arith.maximumf %max3A_1079, %get3A_1176 : vector<16xf32>
        %get3A_1185 = arith.constant 7 : i32
        %get3A_1186 = arith.index_cast %scan3A_367 : i32 to index
        %get3A_1187 = arith.index_cast %get3A_1185 : i32 to index
        %get3A_1188 = arith.constant 64 : index
        %get3A_1189 = tpu.vector_load %arg5[%get3A_1186, %get3A_1187, %get3A_1188] {strides = array<i32>} : memref<24x8x128xf32, #tpu.memory_space<vmem>>, vector<16xf32>,
        %gt3A_1190 = arith.cmpf ogt, %get3A_1189, %max3A_1092 : vector<16xf32>
        %gt3A_1191 = arith.cmpf ogt, %get3A_1189, %select_n3A_1090 : vector<16xf32>
        %select_n3A_1192 = arith.select %gt3A_1191, %add3A_1132, %select_n3A_1088 : vector<16xi1>, vector<16xi32>
        %select_n3A_1193 = arith.select %gt3A_1190, %select_n3A_1091, %select_n3A_1192 : vector<16xi1>, vector<16xi32>
        %max3A_1194 = arith.maximumf %select_n3A_1090, %get3A_1189 : vector<16xf32>
        %select_n3A_1195 = arith.select %gt3A_1190, %max3A_1092, %max3A_1194 : vector<16xi1>, vector<16xf32>
        %select_n3A_1196 = arith.select %gt3A_1190, %add3A_1132, %select_n3A_1091 : vector<16xi1>, vector<16xi32>
        %max3A_1197 = arith.maximumf %max3A_1092, %get3A_1189 : vector<16xf32>
        %get3A_1198 = arith.constant 7 : i32
        %get3A_1199 = arith.index_cast %scan3A_367 : i32 to index
        %get3A_1200 = arith.index_cast %get3A_1198 : i32 to index
        %get3A_1201 = arith.constant 80 : index
        %get3A_1202 = tpu.vector_load %arg5[%get3A_1199, %get3A_1200, %get3A_1201] {strides = array<i32>} : memref<24x8x128xf32, #tpu.memory_space<vmem>>, vector<16xf32>,
        %gt3A_1203 = arith.cmpf ogt, %get3A_1202, %max3A_1105 : vector<16xf32>
        %gt3A_1204 = arith.cmpf ogt, %get3A_1202, %select_n3A_1103 : vector<16xf32>
        %select_n3A_1205 = arith.select %gt3A_1204, %add3A_1132, %select_n3A_1101 : vector<16xi1>, vector<16xi32>
        %select_n3A_1206 = arith.select %gt3A_1203, %select_n3A_1104, %select_n3A_1205 : vector<16xi1>, vector<16xi32>
        %max3A_1207 = arith.maximumf %select_n3A_1103, %get3A_1202 : vector<16xf32>
        %select_n3A_1208 = arith.select %gt3A_1203, %max3A_1105, %max3A_1207 : vector<16xi1>, vector<16xf32>
        %select_n3A_1209 = arith.select %gt3A_1203, %add3A_1132, %select_n3A_1104 : vector<16xi1>, vector<16xi32>
        %max3A_1210 = arith.maximumf %max3A_1105, %get3A_1202 : vector<16xf32>
        %get3A_1211 = arith.constant 7 : i32
        %get3A_1212 = arith.index_cast %scan3A_367 : i32 to index
        %get3A_1213 = arith.index_cast %get3A_1211 : i32 to index
        %get3A_1214 = arith.constant 96 : index
        %get3A_1215 = tpu.vector_load %arg5[%get3A_1212, %get3A_1213, %get3A_1214] {strides = array<i32>} : memref<24x8x128xf32, #tpu.memory_space<vmem>>, vector<16xf32>,
        %gt3A_1216 = arith.cmpf ogt, %get3A_1215, %max3A_1118 : vector<16xf32>
        %gt3A_1217 = arith.cmpf ogt, %get3A_1215, %select_n3A_1116 : vector<16xf32>
        %select_n3A_1218 = arith.select %gt3A_1217, %add3A_1132, %select_n3A_1114 : vector<16xi1>, vector<16xi32>
        %select_n3A_1219 = arith.select %gt3A_1216, %select_n3A_1117, %select_n3A_1218 : vector<16xi1>, vector<16xi32>
        %max3A_1220 = arith.maximumf %select_n3A_1116, %get3A_1215 : vector<16xf32>
        %select_n3A_1221 = arith.select %gt3A_1216, %max3A_1118, %max3A_1220 : vector<16xi1>, vector<16xf32>
        %select_n3A_1222 = arith.select %gt3A_1216, %add3A_1132, %select_n3A_1117 : vector<16xi1>, vector<16xi32>
        %max3A_1223 = arith.maximumf %max3A_1118, %get3A_1215 : vector<16xf32>
        %get3A_1224 = arith.constant 7 : i32
        %get3A_1225 = arith.index_cast %scan3A_367 : i32 to index
        %get3A_1226 = arith.index_cast %get3A_1224 : i32 to index
        %get3A_1227 = arith.constant 112 : index
        %get3A_1228 = tpu.vector_load %arg5[%get3A_1225, %get3A_1226, %get3A_1227] {strides = array<i32>} : memref<24x8x128xf32, #tpu.memory_space<vmem>>, vector<16xf32>,
        %gt3A_1229 = arith.cmpf ogt, %get3A_1228, %max3A_1131 : vector<16xf32>
        %gt3A_1230 = arith.cmpf ogt, %get3A_1228, %select_n3A_1129 : vector<16xf32>
        %select_n3A_1231 = arith.select %gt3A_1230, %add3A_1132, %select_n3A_1127 : vector<16xi1>, vector<16xi32>
        %select_n3A_1232 = arith.select %gt3A_1229, %select_n3A_1130, %select_n3A_1231 : vector<16xi1>, vector<16xi32>
        %max3A_1233 = arith.maximumf %select_n3A_1129, %get3A_1228 : vector<16xf32>
        %select_n3A_1234 = arith.select %gt3A_1229, %max3A_1131, %max3A_1233 : vector<16xi1>, vector<16xf32>
        %select_n3A_1235 = arith.select %gt3A_1229, %add3A_1132, %select_n3A_1130 : vector<16xi1>, vector<16xi32>
        %max3A_1236 = arith.maximumf %max3A_1131, %get3A_1228 : vector<16xf32>
        %add3A_1237 = arith.addi %add3A_1132, %broadcast_in_dim3A_37 : vector<16xi32>
        scf.yield %add3A_1237, %max3A_1145, %select_n3A_1143, %select_n3A_1144, %select_n3A_1141, %max3A_1158, %select_n3A_1156, %select_n3A_1157, %select_n3A_1154, %max3A_1171, %select_n3A_1169, %select_n3A_1170, %select_n3A_1167, %max3A_1184, %select_n3A_1182, %select_n3A_1183, %select_n3A_1180, %max3A_1197, %select_n3A_1195, %select_n3A_1196, %select_n3A_1193, %max3A_1210, %select_n3A_1208, %select_n3A_1209, %select_n3A_1206, %max3A_1223, %select_n3A_1221, %select_n3A_1222, %select_n3A_1219, %max3A_1236, %select_n3A_1234, %select_n3A_1235, %select_n3A_1232 : vector<16xi32>, vector<16xf32>, vector<16xf32>, vector<16xi32>, vector<16xi32>, vector<16xf32>, vector<16xf32>, vector<16xi32>, vector<16xi32>, vector<16xf32>, vector<16xf32>, vector<16xi32>, vector<16xi32>, vector<16xf32>, vector<16xf32>, vector<16xi32>, vector<16xi32>, vector<16xf32>, vector<16xf32>, vector<16xi32>, vector<16xi32>, vector<16xf32>, vector<16xf32>, vector<16xi32>, vector<16xi32>, vector<16xf32>, vector<16xf32>, vector<16xi32>, vector<16xi32>, vector<16xf32>, vector<16xf32>, vector<16xi32>, vector<16xi32>
      }
      %scan3A_237 = arith.constant 24 : i32
      %sub3A_238 = arith.subf %scan3A_236#2, %scan3A_236#1 : vector<16xf32>
      %exp3A_239 = math.exp %sub3A_238 : vector<16xf32>
      %convert_element_type3A_240 = arith.sitofp %scan3A_236#3 : vector<16xi32> to vector<16xf32>
      %convert_element_type3A_241 = arith.sitofp %scan3A_236#4 : vector<16xi32> to vector<16xf32>
      %mul3A_242 = arith.mulf %convert_element_type3A_241, %exp3A_239 : vector<16xf32>
      %add3A_243 = arith.addf %convert_element_type3A_240, %mul3A_242 : vector<16xf32>
      %add3A_244 = arith.constant 1.000000e+00 : f32
      %add3A_245 = vector.broadcast %add3A_244 : f32 to vector<16xf32>
      %add3A_246 = arith.addf %add3A_245, %exp3A_239 : vector<16xf32>
      %div3A_247 = arith.divf %add3A_243, %add3A_246 : vector<16xf32>
      %mul3A_248 = arith.constant 128 : i32
      %mul3A_249 = arith.muli %add3A_231, %mul3A_248 : i32
      %add3A_250 = arith.constant 0 : i32
      %add3A_251 = arith.addi %mul3A_249, %add3A_250 : i32
      %swap3A_252 = arith.index_cast %add3A_251 : i32 to index
      %swap3A_253 = tpu.vector_load %arg6[%swap3A_252] {strides = array<i32>} : memref<3072xf32, #tpu.memory_space<vmem>>, vector<16xf32>,
      tpu.vector_store %arg6[%swap3A_252], %div3A_247 {strides = array<i32>} : memref<3072xf32, #tpu.memory_space<vmem>>, vector<16xf32>,
      %sub3A_254 = arith.subf %scan3A_236#6, %scan3A_236#5 : vector<16xf32>
      %exp3A_255 = math.exp %sub3A_254 : vector<16xf32>
      %convert_element_type3A_256 = arith.sitofp %scan3A_236#7 : vector<16xi32> to vector<16xf32>
      %convert_element_type3A_257 = arith.sitofp %scan3A_236#8 : vector<16xi32> to vector<16xf32>
      %mul3A_258 = arith.mulf %convert_element_type3A_257, %exp3A_255 : vector<16xf32>
      %add3A_259 = arith.addf %convert_element_type3A_256, %mul3A_258 : vector<16xf32>
      %add3A_260 = arith.constant 1.000000e+00 : f32
      %add3A_261 = vector.broadcast %add3A_260 : f32 to vector<16xf32>
      %add3A_262 = arith.addf %add3A_261, %exp3A_255 : vector<16xf32>
      %div3A_263 = arith.divf %add3A_259, %add3A_262 : vector<16xf32>
      %mul3A_264 = arith.constant 128 : i32
      %mul3A_265 = arith.muli %add3A_231, %mul3A_264 : i32
      %add3A_266 = arith.constant 16 : i32
      %add3A_267 = arith.addi %mul3A_265, %add3A_266 : i32
      %swap3A_268 = arith.index_cast %add3A_267 : i32 to index
      %swap3A_269 = tpu.vector_load %arg6[%swap3A_268] {strides = array<i32>} : memref<3072xf32, #tpu.memory_space<vmem>>, vector<16xf32>,
      tpu.vector_store %arg6[%swap3A_268], %div3A_263 {strides = array<i32>} : memref<3072xf32, #tpu.memory_space<vmem>>, vector<16xf32>,
      %sub3A_270 = arith.subf %scan3A_236#10, %scan3A_236#9 : vector<16xf32>
      %exp3A_271 = math.exp %sub3A_270 : vector<16xf32>
      %convert_element_type3A_272 = arith.sitofp %scan3A_236#11 : vector<16xi32> to vector<16xf32>
      %convert_element_type3A_273 = arith.sitofp %scan3A_236#12 : vector<16xi32> to vector<16xf32>
      %mul3A_274 = arith.mulf %convert_element_type3A_273, %exp3A_271 : vector<16xf32>
      %add3A_275 = arith.addf %convert_element_type3A_272, %mul3A_274 : vector<16xf32>
      %add3A_276 = arith.constant 1.000000e+00 : f32
      %add3A_277 = vector.broadcast %add3A_276 : f32 to vector<16xf32>
      %add3A_278 = arith.addf %add3A_277, %exp3A_271 : vector<16xf32>
      %div3A_279 = arith.divf %add3A_275, %add3A_278 : vector<16xf32>
      %mul3A_280 = arith.constant 128 : i32
      %mul3A_281 = arith.muli %add3A_231, %mul3A_280 : i32
      %add3A_282 = arith.constant 32 : i32
      %add3A_283 = arith.addi %mul3A_281, %add3A_282 : i32
      %swap3A_284 = arith.index_cast %add3A_283 : i32 to index
      %swap3A_285 = tpu.vector_load %arg6[%swap3A_284] {strides = array<i32>} : memref<3072xf32, #tpu.memory_space<vmem>>, vector<16xf32>,
      tpu.vector_store %arg6[%swap3A_284], %div3A_279 {strides = array<i32>} : memref<3072xf32, #tpu.memory_space<vmem>>, vector<16xf32>,
      %sub3A_286 = arith.subf %scan3A_236#14, %scan3A_236#13 : vector<16xf32>
      %exp3A_287 = math.exp %sub3A_286 : vector<16xf32>
      %convert_element_type3A_288 = arith.sitofp %scan3A_236#15 : vector<16xi32> to vector<16xf32>
      %convert_element_type3A_289 = arith.sitofp %scan3A_236#16 : vector<16xi32> to vector<16xf32>
      %mul3A_290 = arith.mulf %convert_element_type3A_289, %exp3A_287 : vector<16xf32>
      %add3A_291 = arith.addf %convert_element_type3A_288, %mul3A_290 : vector<16xf32>
      %add3A_292 = arith.constant 1.000000e+00 : f32
      %add3A_293 = vector.broadcast %add3A_292 : f32 to vector<16xf32>
      %add3A_294 = arith.addf %add3A_293, %exp3A_287 : vector<16xf32>
      %div3A_295 = arith.divf %add3A_291, %add3A_294 : vector<16xf32>
      %mul3A_296 = arith.constant 128 : i32
      %mul3A_297 = arith.muli %add3A_231, %mul3A_296 : i32
      %add3A_298 = arith.constant 48 : i32
      %add3A_299 = arith.addi %mul3A_297, %add3A_298 : i32
      %swap3A_300 = arith.index_cast %add3A_299 : i32 to index
      %swap3A_301 = tpu.vector_load %arg6[%swap3A_300] {strides = array<i32>} : memref<3072xf32, #tpu.memory_space<vmem>>, vector<16xf32>,
      tpu.vector_store %arg6[%swap3A_300], %div3A_295 {strides = array<i32>} : memref<3072xf32, #tpu.memory_space<vmem>>, vector<16xf32>,
      %sub3A_302 = arith.subf %scan3A_236#18, %scan3A_236#17 : vector<16xf32>
      %exp3A_303 = math.exp %sub3A_302 : vector<16xf32>
      %convert_element_type3A_304 = arith.sitofp %scan3A_236#19 : vector<16xi32> to vector<16xf32>
      %convert_element_type3A_305 = arith.sitofp %scan3A_236#20 : vector<16xi32> to vector<16xf32>
      %mul3A_306 = arith.mulf %convert_element_type3A_305, %exp3A_303 : vector<16xf32>
      %add3A_307 = arith.addf %convert_element_type3A_304, %mul3A_306 : vector<16xf32>
      %add3A_308 = arith.constant 1.000000e+00 : f32
      %add3A_309 = vector.broadcast %add3A_308 : f32 to vector<16xf32>
      %add3A_310 = arith.addf %add3A_309, %exp3A_303 : vector<16xf32>
      %div3A_311 = arith.divf %add3A_307, %add3A_310 : vector<16xf32>
      %mul3A_312 = arith.constant 128 : i32
      %mul3A_313 = arith.muli %add3A_231, %mul3A_312 : i32
      %add3A_314 = arith.constant 64 : i32
      %add3A_315 = arith.addi %mul3A_313, %add3A_314 : i32
      %swap3A_316 = arith.index_cast %add3A_315 : i32 to index
      %swap3A_317 = tpu.vector_load %arg6[%swap3A_316] {strides = array<i32>} : memref<3072xf32, #tpu.memory_space<vmem>>, vector<16xf32>,
      tpu.vector_store %arg6[%swap3A_316], %div3A_311 {strides = array<i32>} : memref<3072xf32, #tpu.memory_space<vmem>>, vector<16xf32>,
      %sub3A_318 = arith.subf %scan3A_236#22, %scan3A_236#21 : vector<16xf32>
      %exp3A_319 = math.exp %sub3A_318 : vector<16xf32>
      %convert_element_type3A_320 = arith.sitofp %scan3A_236#23 : vector<16xi32> to vector<16xf32>
      %convert_element_type3A_321 = arith.sitofp %scan3A_236#24 : vector<16xi32> to vector<16xf32>
      %mul3A_322 = arith.mulf %convert_element_type3A_321, %exp3A_319 : vector<16xf32>
      %add3A_323 = arith.addf %convert_element_type3A_320, %mul3A_322 : vector<16xf32>
      %add3A_324 = arith.constant 1.000000e+00 : f32
      %add3A_325 = vector.broadcast %add3A_324 : f32 to vector<16xf32>
      %add3A_326 = arith.addf %add3A_325, %exp3A_319 : vector<16xf32>
      %div3A_327 = arith.divf %add3A_323, %add3A_326 : vector<16xf32>
      %mul3A_328 = arith.constant 128 : i32
      %mul3A_329 = arith.muli %add3A_231, %mul3A_328 : i32
      %add3A_330 = arith.constant 80 : i32
      %add3A_331 = arith.addi %mul3A_329, %add3A_330 : i32
      %swap3A_332 = arith.index_cast %add3A_331 : i32 to index
      %swap3A_333 = tpu.vector_load %arg6[%swap3A_332] {strides = array<i32>} : memref<3072xf32, #tpu.memory_space<vmem>>, vector<16xf32>,
      tpu.vector_store %arg6[%swap3A_332], %div3A_327 {strides = array<i32>} : memref<3072xf32, #tpu.memory_space<vmem>>, vector<16xf32>,
      %sub3A_334 = arith.subf %scan3A_236#26, %scan3A_236#25 : vector<16xf32>
      %exp3A_335 = math.exp %sub3A_334 : vector<16xf32>
      %convert_element_type3A_336 = arith.sitofp %scan3A_236#27 : vector<16xi32> to vector<16xf32>
      %convert_element_type3A_337 = arith.sitofp %scan3A_236#28 : vector<16xi32> to vector<16xf32>
      %mul3A_338 = arith.mulf %convert_element_type3A_337, %exp3A_335 : vector<16xf32>
      %add3A_339 = arith.addf %convert_element_type3A_336, %mul3A_338 : vector<16xf32>
      %add3A_340 = arith.constant 1.000000e+00 : f32
      %add3A_341 = vector.broadcast %add3A_340 : f32 to vector<16xf32>
      %add3A_342 = arith.addf %add3A_341, %exp3A_335 : vector<16xf32>
      %div3A_343 = arith.divf %add3A_339, %add3A_342 : vector<16xf32>
      %mul3A_344 = arith.constant 128 : i32
      %mul3A_345 = arith.muli %add3A_231, %mul3A_344 : i32
      %add3A_346 = arith.constant 96 : i32
      %add3A_347 = arith.addi %mul3A_345, %add3A_346 : i32
      %swap3A_348 = arith.index_cast %add3A_347 : i32 to index
      %swap3A_349 = tpu.vector_load %arg6[%swap3A_348] {strides = array<i32>} : memref<3072xf32, #tpu.memory_space<vmem>>, vector<16xf32>,
      tpu.vector_store %arg6[%swap3A_348], %div3A_343 {strides = array<i32>} : memref<3072xf32, #tpu.memory_space<vmem>>, vector<16xf32>,
      %sub3A_350 = arith.subf %scan3A_236#30, %scan3A_236#29 : vector<16xf32>
      %exp3A_351 = math.exp %sub3A_350 : vector<16xf32>
      %convert_element_type3A_352 = arith.sitofp %scan3A_236#31 : vector<16xi32> to vector<16xf32>
      %convert_element_type3A_353 = arith.sitofp %scan3A_236#32 : vector<16xi32> to vector<16xf32>
      %mul3A_354 = arith.mulf %convert_element_type3A_353, %exp3A_351 : vector<16xf32>
      %add3A_355 = arith.addf %convert_element_type3A_352, %mul3A_354 : vector<16xf32>
      %add3A_356 = arith.constant 1.000000e+00 : f32
      %add3A_357 = vector.broadcast %add3A_356 : f32 to vector<16xf32>
      %add3A_358 = arith.addf %add3A_357, %exp3A_351 : vector<16xf32>
      %div3A_359 = arith.divf %add3A_355, %add3A_358 : vector<16xf32>
      %mul3A_360 = arith.constant 128 : i32
      %mul3A_361 = arith.muli %add3A_231, %mul3A_360 : i32
      %add3A_362 = arith.constant 112 : i32
      %add3A_363 = arith.addi %mul3A_361, %add3A_362 : i32
      %swap3A_364 = arith.index_cast %add3A_363 : i32 to index
      %swap3A_365 = tpu.vector_load %arg6[%swap3A_364] {strides = array<i32>} : memref<3072xf32, #tpu.memory_space<vmem>>, vector<16xf32>,
      tpu.vector_store %arg6[%swap3A_364], %div3A_359 {strides = array<i32>} : memref<3072xf32, #tpu.memory_space<vmem>>, vector<16xf32>,
      %scan3A_366 = arith.constant 0 : i32
      scf.yield %scan3A_366 : i32
    }
    %scan3A_54 = arith.constant 12 : i32
    %mul3A_55 = arith.constant 3072 : i32
    %mul3A_56 = arith.muli %add3A, %mul3A_55 : i32
    "tpu.region"() ({
      %run_scoped3A = tpu.sem_alloc : memref<!tpu.dma_semaphore, #tpu.memory_space<semaphore_mem>>
      %dma_start3A_57 = tpu.memref_slice %arg3[%mul3A_56] : memref<98304xf32, #tpu.memory_space<hbm>> -> memref<3072xf32, #tpu.memory_space<hbm>>
      %dma_start3A_58 = tpu.memref_slice %arg3[%mul3A_56] : memref<98304xf32, #tpu.memory_space<hbm>> -> memref<3072xf32, #tpu.memory_space<hbm>>
      tpu.enqueue_dma source(%arg6 : memref<3072xf32, #tpu.memory_space<vmem>>) target(%dma_start3A_58 : memref<3072xf32, #tpu.memory_space<hbm>>) target_semaphore(%run_scoped3A : memref<!tpu.dma_semaphore, #tpu.memory_space<semaphore_mem>>)
      %dma_wait3A = tpu.memref_slice %arg3[%mul3A_56] : memref<98304xf32, #tpu.memory_space<hbm>> -> memref<3072xf32, #tpu.memory_space<hbm>>
      %dma_wait3A_59 = tpu.memref_slice %arg3[%mul3A_56] : memref<98304xf32, #tpu.memory_space<hbm>> -> memref<3072xf32, #tpu.memory_space<hbm>>
      tpu.wait_dma2 semaphore(%run_scoped3A : memref<!tpu.dma_semaphore, #tpu.memory_space<semaphore_mem>>) src(%arg6 : memref<3072xf32, #tpu.memory_space<vmem>>) dst(%dma_wait3A_59 : memref<3072xf32, #tpu.memory_space<hbm>>)
      tpu.yield
    }) : () -> ()
    return
  }
}

module attributes {stable_mosaic.version = 14 : i64} {
  func.func @_tc_block(%arg0: i32, %arg1: i32, %arg2: memref<1x24x8x8192xf32, #tpu.memory_space<vmem>>, %arg3: memref<8192xf32, #tpu.memory_space<vmem>>) attributes {dimension_semantics = [#tpu.dimension_semantics<arbitrary>, #tpu.dimension_semantics<arbitrary>], iteration_bounds = array<i64: 4, 5>, scalar_prefetch = 0 : i64, scratch_operands = 0 : i64, tpu.core_type = #tpu.core_type<tc>, window_params = [{transform_indices = @transform_0, window_bounds = array<i64: 1, 24, 8, 8192>}, {transform_indices = @transform_1, window_bounds = array<i64: 8192>}]} {
    %get3A = arith.constant 0 : index
    %get3A_0 = arith.constant 0 : index
    %get3A_1 = arith.constant 0 : index
    %get3A_2 = arith.constant 0 : index
    %get3A_3 = vector.load %arg2[%get3A, %get3A_0, %get3A_1, %get3A_2] : memref<1x24x8x8192xf32, #tpu.memory_space<vmem>>, vector<1x24x8x8192xf32>
    %get3A_4 = vector.shape_cast %get3A_3 : vector<1x24x8x8192xf32> to vector<24x8x8192xf32>
    %reshape3A = vector.shape_cast %get3A_4 : vector<24x8x8192xf32> to vector<192x8192xf32>
    %iota3A = tpu.iota {dimensions = array<i32: 0>} : vector<192x8192xi32>
    %convert_element_type3A = arith.sitofp %iota3A : vector<192x8192xi32> to vector<192x8192xf32>
    %reduce_max3A = arith.constant dense<0xFF800000> : vector<8192xf32>
    %reduce_max3A_5 = vector.multi_reduction <maximumf>, %reshape3A, %reduce_max3A [0] : vector<192x8192xf32> to vector<8192xf32>
    %broadcast_in_dim3A = vector.shape_cast %reduce_max3A_5 : vector<8192xf32> to vector<1x8192xf32>
    %eq3A = vector.broadcast %broadcast_in_dim3A : vector<1x8192xf32> to vector<192x8192xf32>
    %eq3A_6 = arith.cmpf oeq, %reshape3A, %eq3A : vector<192x8192xf32>
    %jit3A = arith.constant 1.920000e+02 : f32
    %broadcast_in_dim3A_7 = vector.broadcast %jit3A : f32 to vector<192x8192xf32>
    %select_n3A = arith.select %eq3A_6, %convert_element_type3A, %broadcast_in_dim3A_7 : vector<192x8192xi1>, vector<192x8192xf32>
    %reduce_min3A = arith.constant dense<0x7F800000> : vector<8192xf32>
    %reduce_min3A_8 = vector.multi_reduction <minimumf>, %select_n3A, %reduce_min3A [0] : vector<192x8192xf32> to vector<8192xf32>
    %broadcast_in_dim3A_9 = vector.shape_cast %reduce_min3A_8 : vector<8192xf32> to vector<1x8192xf32>
    %eq3A_10 = vector.broadcast %broadcast_in_dim3A_9 : vector<1x8192xf32> to vector<192x8192xf32>
    %eq3A_11 = arith.cmpf oeq, %convert_element_type3A, %eq3A_10 : vector<192x8192xf32>
    %jit3A_12 = arith.constant 0xFF800000 : f32
    %broadcast_in_dim3A_13 = vector.broadcast %jit3A_12 : f32 to vector<192x8192xf32>
    %select_n3A_14 = arith.select %eq3A_11, %broadcast_in_dim3A_13, %reshape3A : vector<192x8192xi1>, vector<192x8192xf32>
    %reduce_max3A_15 = arith.constant dense<0xFF800000> : vector<8192xf32>
    %reduce_max3A_16 = vector.multi_reduction <maximumf>, %select_n3A_14, %reduce_max3A_15 [0] : vector<192x8192xf32> to vector<8192xf32>
    %broadcast_in_dim3A_17 = vector.shape_cast %reduce_max3A_16 : vector<8192xf32> to vector<1x8192xf32>
    %eq3A_18 = vector.broadcast %broadcast_in_dim3A_17 : vector<1x8192xf32> to vector<192x8192xf32>
    %eq3A_19 = arith.cmpf oeq, %select_n3A_14, %eq3A_18 : vector<192x8192xf32>
    %jit3A_20 = arith.constant 1.920000e+02 : f32
    %broadcast_in_dim3A_21 = vector.broadcast %jit3A_20 : f32 to vector<192x8192xf32>
    %select_n3A_22 = arith.select %eq3A_19, %convert_element_type3A, %broadcast_in_dim3A_21 : vector<192x8192xi1>, vector<192x8192xf32>
    %reduce_min3A_23 = arith.constant dense<0x7F800000> : vector<8192xf32>
    %reduce_min3A_24 = vector.multi_reduction <minimumf>, %select_n3A_22, %reduce_min3A_23 [0] : vector<192x8192xf32> to vector<8192xf32>
    %sub3A = arith.subf %reduce_max3A_16, %reduce_max3A_5 : vector<8192xf32>
    %exp3A = math.exp %sub3A : vector<8192xf32>
    %mul3A = arith.mulf %reduce_min3A_24, %exp3A : vector<8192xf32>
    %add3A = arith.addf %reduce_min3A_8, %mul3A : vector<8192xf32>
    %add3A_25 = arith.constant 1.000000e+00 : f32
    %add3A_26 = vector.broadcast %add3A_25 : f32 to vector<8192xf32>
    %add3A_27 = arith.addf %add3A_26, %exp3A : vector<8192xf32>
    %div3A = arith.divf %add3A, %add3A_27 : vector<8192xf32>
    %swap3A = arith.constant 0 : index
    %swap3A_28 = vector.load %arg3[%swap3A] : memref<8192xf32, #tpu.memory_space<vmem>>, vector<8192xf32>
    tpu.vector_store %arg3[%swap3A], %div3A {strides = array<i32>} : memref<8192xf32, #tpu.memory_space<vmem>>, vector<8192xf32>,
    return
  }
  func.func @transform_0(%arg0: i32, %arg1: i32) -> (i32, i32, i32, i32) {
    %add3A = arith.constant 3 : i32
    %add3A_0 = arith.addi %add3A, %arg1 : i32
    %c0_i32 = arith.constant 0 : i32
    %c0_i32_1 = arith.constant 0 : i32
    %c0_i32_2 = arith.constant 0 : i32
    return %arg0, %c0_i32, %c0_i32_1, %add3A_0 : i32, i32, i32, i32
  }
  func.func @transform_1(%arg0: i32, %arg1: i32) -> i32 {
    %mul3A = arith.constant 5 : i32
    %mul3A_0 = arith.muli %arg0, %mul3A : i32
    %add3A = arith.addi %mul3A_0, %arg1 : i32
    %c0_i32 = arith.constant 0 : i32
    return %add3A : i32
  }
}

</mosaic_0001>

<sc_bundles>
// kernel: kernel.4.cloned.1.call-start
scs
__scs_entry_jumppad:
0x0: {  	(pc) =	sbr.rel $0x88, $3  }
0x1: {  	(tag) =	ssettag $0x0;
	lr =	simm.s32 $0x1  }
0x2: {  	[smem:$0x3FA0] =	sst lr;
	_ =	strace $0xD0000000  }
0x3: {  	_ = 	snop  }
0x4: {  	_ = 	snop  }
0x5: {  	_ = 	snop  }
0x6: {  	_ = 	snop  }
0x7: {  	_ = 	snop  }
__scs_overlays_trampoline_lowered:
0x8: {  	[smem:$0x3FAF] =	sst s0  }
0x9: {  	[smem:$0x3FB0] =	sst s1  }
0xa: {  	[smem:$0x3FB1] =	sst s2  }
0xb: {  	[smem:$0x3FB2] =	sst s3  }
0xc: {  	[smem:$0x3FB3] =	sst s4  }
0xd: {  	[smem:$0x3FB4] =	sst s5  }
0xe: {  	[smem:$0x3FB5] =	sst s6  }
0xf: {  	[smem:$0x3FB6] =	sst s7  }
0x10: {  	[smem:$0x3FB7] =	sst s8  }
0x11: {  	[smem:$0x3FB8] =	sst s9;
	s0 =	simm.s32 @!p0 $0x0  }
0x12: {  	s1 =	sld [smem:$0x3F9E];
	s0 =	simm.s32 @p0 $0x1  }
0x13: {  	[smem:$0x3FB9] =	sst s0;
	s0 =	simm.s32 @!p1 $0x0  }
0x14: {  	s2 =	sld [smem:$0x3F9D];
	s0 =	simm.s32 @p1 $0x1  }
0x15: {  	[smem:$0x3FBA] =	sst s0;
	s0 =	simm.s32 @!p2 $0x0  }
0x16: {  	s3 =	sld [smem:$0x3FDB];
	s0 =	simm.s32 @p2 $0x1  }
0x17: {  	s4 =	simm.s32 $0x1BF5;
	[smem:$0x3FBC] =	sst s0  }
0x18: {  	s0 =	sld [smem:$0x3F9F];
	_ =	swait.ge [sflag:s4], $0x0  }
0x19: {  	s7 =	sld [smem:$0x3FA0]  }
0x1a: {  	s8 =	sadd.s32 $0xFFFFE003, lr  }
0x1b: {  	s9 =	sadd.s32 $0xFFFFFEF7, lr;
	s5 =	simm.s32 $0xFFFFFFFF;
	p2 =	slt.u32 s8, $0xFFFFF086  }
0x1c: {  	p1 =	slt.u32 s9, $0xF7A;
	s5 =	simm.s32 @!p2 $0x0  }
0x1d: {  	s5 =	simm.s32 @p1 $0x1;
	p0 =	seq.s32 s7, s2  }
0x1e: {  	s7 =	smul.u32 @!p0 $0xF7A, s2;
	p2 =	seq.s32 @!p0 s5, $0x0  }
0x1f: {  	s9 =	smul.u32 $0xF7A, s1;
	s8 =	simm.s32 @!p0 $0x1BF5;
	p2 =	por !p2, p0  }
0x20: {  	[sflag:s8] =	ssyncset.s32 @!p0 $0xFFFFF086;
	s6 =	sadd.s32 @!p0 s3, s7;
	s7 =	simm.s32 @!p0 $0x108  }
0x21: {  	s3 =	sadd.s32 s3, s9;
	s6 =	sadd.s32 @!p0 $0x88, s6;
	s7 =	simm.s32 @p2 $0x1082  }
0x22: {  	[simem:s7], [sflag:s8] =	dma.local @!p0 [hbm:s6], $0xF7A  }
0x23: {  	s9 =	sor.u32 $0xD0000000, s2;
	s6 =	simm.s32 $0x108;
	_ =	swait.ge @!p0 [sflag:s8], $0x0  }
0x24: {  	s3 =	sadd.s32 $0x88, s3;
	s6 =	simm.s32 @!p1 $0x1082;
	[sflag:s4] =	ssyncset.s32 $0xFFFFF086  }
0x25: {  	[simem:s6], [sflag:s4] =	dma.local [hbm:s3], $0xF7A  }
0x26: {  	[smem:$0x3FA0] =	sst s1;
	(tag) =	ssettag s2;
	_ =	strace s9  }
0x27: {  	s1 =	sld [smem:$0x3FB0]  }
0x28: {  	s2 =	sld [smem:$0x3FB1]  }
0x29: {  	s4 =	sld [smem:$0x3FB3]  }
0x2a: {  	p0 =	seq.s32 s5, $0x0;
	s5 =	sld [smem:$0x3FB4]  }
0x2b: {  	s6 =	sld [smem:$0x3FB5]  }
0x2c: {  	s7 =	sld [smem:$0x3FB6]  }
0x2d: {  	s3 =	simm.s32 $0x108;
	s8 =	sld [smem:$0x3FB7]  }
0x2e: {  	s3 =	simm.s32 @!p0 $0x1082;
	s9 =	sld [smem:$0x3FB8]  }
0x2f: {  	lr =	sadd.s32 s0, s3;
	s0 =	sld [smem:$0x3FAF]  }
0x30: {  	s3 =	sld [smem:$0x3FB2]  }
0x31: {  	[smem:$0x3FBB] =	sst s10  }
0x32: {  	s10 =	sld [smem:$0x3FB9];
	_ =	sdelay $0x3  }
0x33: {  	p0 =	seq.s32 s10, $0x1;
	s10 =	sld [smem:$0x3FBB];
	_ =	sdelay $0x3  }
0x34: {  	[smem:$0x3FBB] =	sst s10  }
0x35: {  	s10 =	sld [smem:$0x3FBA];
	_ =	sdelay $0x3  }
0x36: {  	p1 =	seq.s32 s10, $0x1;
	s10 =	sld [smem:$0x3FBB];
	_ =	sdelay $0x3  }
0x37: {  	[smem:$0x3FBB] =	sst s10  }
0x38: {  	s10 =	sld [smem:$0x3FBC]  }
0x39: {  	_ = 	snop;
	(pc) =	sbr.ind lr, $3  }
0x3a: {  	_ = 	snop  }
0x3b: {  	_ = 	snop  }
0x3c: {  	p2 =	seq.s32 s10, $0x1;
	s10 =	sld [smem:$0x3FBB]  }
0x3d: {  	_ =	shalt  }
0x3e: {  	_ =	shalt  }
0x3f: {  	_ =	shalt  }
0x40: {  	_ =	shalt  }
0x41: {  	_ =	shalt  }
0x42: {  	_ =	shalt  }
0x43: {  	_ =	shalt  }
0x44: {  	_ =	shalt  }
0x45: {  	_ =	shalt  }
0x46: {  	_ =	shalt  }
0x47: {  	_ =	shalt  }
0x48: {  	_ =	shalt  }
0x49: {  	_ =	shalt  }
0x4a: {  	_ =	shalt  }
0x4b: {  	_ =	shalt  }
0x4c: {  	_ =	shalt  }
0x4d: {  	_ =	shalt  }
0x4e: {  	_ =	shalt  }
0x4f: {  	_ =	shalt  }
0x50: {  	_ =	shalt  }
0x51: {  	_ =	shalt  }
0x52: {  	_ =	shalt  }
0x53: {  	_ =	shalt  }
0x54: {  	_ =	shalt  }
0x55: {  	_ =	shalt  }
0x56: {  	_ =	shalt  }
0x57: {  	_ =	shalt  }
0x58: {  	_ =	shalt  }
0x59: {  	_ =	shalt  }
0x5a: {  	_ =	shalt  }
0x5b: {  	_ =	shalt  }
0x5c: {  	_ =	shalt  }
0x5d: {  	_ =	shalt  }
0x5e: {  	_ =	shalt  }
0x5f: {  	_ =	shalt  }
0x60: {  	_ =	shalt  }
0x61: {  	_ =	shalt  }
0x62: {  	_ =	shalt  }
0x63: {  	_ =	shalt  }
0x64: {  	_ =	shalt  }
0x65: {  	_ =	shalt  }
0x66: {  	_ =	shalt  }
0x67: {  	_ =	shalt  }
0x68: {  	_ =	shalt  }
0x69: {  	_ =	shalt  }
0x6a: {  	_ =	shalt  }
0x6b: {  	_ =	shalt  }
0x6c: {  	_ =	shalt  }
0x6d: {  	_ =	shalt  }
0x6e: {  	_ =	shalt  }
0x6f: {  	_ =	shalt  }
0x70: {  	_ =	shalt  }
0x71: {  	_ =	shalt  }
0x72: {  	_ =	shalt  }
0x73: {  	_ =	shalt  }
0x74: {  	_ =	shalt  }
0x75: {  	_ =	shalt  }
0x76: {  	_ =	shalt  }
0x77: {  	_ =	shalt  }
0x78: {  	_ =	shalt  }
0x79: {  	_ =	shalt  }
0x7a: {  	_ =	shalt  }
0x7b: {  	_ =	shalt  }
0x7c: {  	_ =	shalt  }
0x7d: {  	_ =	shalt  }
0x7e: {  	_ =	shalt  }
0x7f: {  	_ =	shalt  }
0x80: {  	_ =	shalt  }
0x81: {  	_ =	shalt  }
0x82: {  	_ =	shalt  }
0x83: {  	_ =	shalt  }
0x84: {  	_ =	shalt  }
0x85: {  	_ =	shalt  }
0x86: {  	_ =	shalt  }
0x87: {  	_ =	shalt  }
.Lfunc_end0:
.L_simem_size_0:
called_computation_lowered:
.L_overlay_start_0:
0x88: {  	s2 =	sld [smem:$0x3FD9]  }
0x89: {  	s3 =	sld [smem:$0x3FFE];
	_ =	sdelay $0x1  }
0x8a: {  	s1 =	srdreg.scid  }
0x8b: {  	s0 =	sand.u32 $0x1, s1  }
0x8c: {  	s18 =	sshll.u32 s0, $0xA;
	s2 =	sadd.s32 s3, s2  }
0x8d: {  	s2 =	sadd.s32 s2, s18  }
0x8e: {  	[smem:$0x3FC7] =	sst s2  }
0x8f: {  	_ = 	snop  }
0x90: {  	s2 =	sld [smem:$0x3FC9]  }
0x91: {  	s19 =	sld [smem:$0x3FD0];
	(tm) =	ssettm $0x1  }
0x92: {  	s4 =	sld [smem:$0x3FFB];
	_ =	sdelay $0x3  }
0x93: {  	_ =	strace s4  }
0x94: {  	s4 =	sld [smem:$0x3FFC];
	_ =	sdelay $0x3  }
0x95: {  	_ =	strace s4  }
0x96: {  	s4 =	sld [smem:$0x3FFD];
	_ =	sdelay $0x3  }
0x97: {  	_ =	strace s4  }
0x98: {  	_ =	strace $0x8FFFFFFF  }
0x99: {  	s20 =	sld [smem:$0x3FDB];
	_ =	sdelay $0x1  }
0x9a: {  	s5 =	simm.s32 $_scs_section_size  }
0x9b: {  	s6 =	simm.s32 $_size__tile_overlayer_lowered;
	s7 =	simm.s32 $_tile_overlayer_lowered  }
0x9c: {  	s23 =	simm.s32 $0x1BFF;
	s22 =	sshll.u32 s7, $0x1;
	s4 =	sadd.s32 s5, s20  }
0x9d: {  	s8 =	simm.s32 $0x0;
	s21 =	sshll.u32 s6, $0x1;
	s6 =	sadd.s32 s22, s4  }
0x9e: {  	[timem:s8], [sflag:s23] =	dma.local [hbm:s6], s21  }
0x9f: {  	_ =	swait.ge [sflag:s23], s21  }
0xa0: {  	s5 =	ssub.s32 $0x0, s21;
	[sflag:s23] =	ssyncset.done $0x0  }
0xa1: {  	[sflag:s23] =	ssyncadd.s32 s5;
	_ =	sdelay $0x1  }
0xa2: {  	s24 =	simm.s32 $0x1B8B  }
0xa3: {  	_ =	swait.ge [sflag:s24], $0x1  }
0xa4: {  	[sflag:s24] =	ssyncset.done $0x0  }
0xa5: {  	s25 =	simm.s32 $0x1B8E;
	[sflag:s24] =	ssyncadd.s32 $0xFFFFFFFF  }
0xa6: {  	s26 =	simm.s32 $execute0_lowered;
	[smem:$0x3FD2] =	sst s25  }
0xa7: {  	s5 =	sshll.u32 s26, $0x1;
	_ =	strace $0x80000046;
	[dreg:$0x1] =	wrdreg $0xFFFFFFFF  }
0xa8: {  	s28 =	simm.s32 $_size_execute0_lowered;
	s4 =	sadd.s32 s4, s5;
	[dreg:$0x0] =	wrdreg $0x0  }
0xa9: {  	s5 =	sshll.u32 s28, $0x1;
	[dreg:$0x2] =	wrdreg s4  }
0xaa: {  	[dreg:$0x3] =	wrdreg s5  }
0xab: {  	[dreg:$0x4] =	wrdreg $0xC0  }
0xac: {  	_ =	task [dreg:s8], $0x5FFFF  }
0xad: {  	[dreg:$0x1] =	wrdreg $0xFFFFFFFF  }
0xae: {  	[dreg:$0x0] =	wrdreg $0x60  }
0xaf: {  	[dreg:$0x2] =	wrdreg s2  }
0xb0: {  	[dreg:$0x3] =	wrdreg s19  }
0xb1: {  	[dreg:$0x4] =	wrdreg $0x9  }
0xb2: {  	_ =	task.clear_ibuf [dreg:s8], $0x5FFFF;
	_ =	strace $0x90000046  }
0xb3: {  	s29 =	simm.s32 $0x9;
	_ =	strace $0x80000048  }
0xb4: {  	_ =	swait.ge [sflag:s29], $0x1  }
0xb5: {  	[sflag:s29] =	ssyncadd.s32 $0xFFFFFFFF  }
0xb6: {  	_ =	strace $0x90000048  }
0xb7: {  	_ =	sfence  }
0xb8: {  	s30 =	sld [smem:$0x0];
	_ =	sdelay $0x2  }
0xb9: {  	s31 =	sshll.u32 s1, $0xD;
	s1 =	sshrl.u32 s1, $0x2  }
0xba: {  	s3 =	sand.u32 $0x4000, s31;
	s1 =	sadd.s32 s1, s30  }
0xbb: {  	s0 =	sor.u32 s3, s0;
	s1 =	sshll.u32 s1, $0x11  }
0xbc: {  	s0 =	sor.u32 s1, s0  }
0xbd: {  	s0 =	sadd.s32 $0x8F2B, s0  }
0xbe: {  	[sflag:s0] =	ssyncadd.remote.s32 $0x1  }
0xbf: {  	_ =	sfence.sel $0xFFFF  }
0xc0: {  	[dreg:$0x0] =	wrdreg $0xFFFFFFFF;
	(pc) =	sbr.abs _section_cstart, $3  }
0xc1: {  	[dreg:$0x1] =	wrdreg $0xFFFFFFFF  }
0xc2: {  	_ =	task.clear_ibuf [dreg:s8], $0x2FFFF;
	_ =	strace $0x9FFFFFFF  }
0xc3: {  	(tm) =	ssettm $0x7FFFFFFF  }
tec
execute0_lowered:
.L_overlay_start_1:
0x0: {  	(tag) =	ssettag $0x1  }
0x1: {  	s1 =	srdreg.scid;
	s2 =	rddreg [dreg:$0x0]  }
0x2: {  	s0 =	stileid.u32;
	s8 =	rddreg [dreg:$0x1]  }
0x3: {  	s4 =	simm.s32 $0x0;
	s12 =	simm.s32 $0x6000;
	s13 =	simm.s32 $0x1  }
0x4: {  	s14 =	simm.s32 $0x2;
	s15 =	simm.s32 $0xC000;
	s16 =	simm.s32 $0x3  }
0x5: {  	s5 =	sand.u32 $0x1, s1;
	s28 =	sshll.u32 s0, $0x1;
	s29 =	sshrl.u32 s0, $0x2  }
0x6: {  	s17 =	simm.s32 $0x0;
	s6 =	sor.u32 s5, s28;
	s3 =	smul.u32 $0xC00000, s29  }
0x7: {  	s1 =	rddreg [dreg:$0x2];
	s7 =	sand.u32 $0x7, s6;
	s11 =	smul.u32 $0x180, s6  }
0x8: {  	[smem:$0x7FF] =	sst s4;
	s10 =	ssub.s32 $0x2, s5;
	s9 =	smul.u32 $0x6000, s7  }
0x9: {  	_ =	strace $0x80000047;
	s30 =	sshrl.u32 s10, $0x1;
	s5 =	smul.u32 $0x18, s7  }
0xa: {  	s10 =	ssub.s32 s10, s30;
	s8 =	sadd.s32 s8, s11;
	s9 =	sor.u32 s3, s9  }
0xb: {  	s11 =	simm.s32 $0x80000;
	s7 =	sor.u32 $0x2, s5;
	s31 =	sshrl.u32 s9, $0x3  }
0xc: {  	s9 =	smax.u32 s10, $0x1;
	s10 =	simm.s32 $0x400;
	s6 =	sadd.s32 s2, s31  }
.LBB2_1:
0xd: {  	[tilespmem:s4], [sflag:$0x1] =	stream.strided.gather [hbm4b:s6+s10], $0x6000, s11, s10, $0x38;
	[tilespmem:$0xCC00] =	vst v63  }
0xe: {  	s18 =	simm.s32 $0x0  }
.LBB2_2:
0xf: {  	v10 =	vimm.f32 $-Inf;
	v2 =	vimm.s32 $0x0;
	v1 =	vimm.s32 $0x0  }
0x10: {  	s19 =	sshllo.u32 s18, $0x1;
	v9 =	vimm.f32 $-Inf;
	v4 =	vimm.s32 $0x0;
	v3 =	vimm.s32 $0x0  }
0x11: {  	v15 =	vimm.f32 $-Inf;
	v13 =	vimm.f32 $-Inf;
	v6 =	vimm.s32 $0x0;
	s20 =	sadd.s32 s5, s19  }
0x12: {  	v5 =	vimm.s32 $0x0;
	v19 =	vimm.f32 $-Inf;
	v18 =	vimm.f32 $-Inf;
	s20 =	sshll.u32 s20, $0xA  }
0x13: {  	v8 =	vimm.s32 $0x0;
	v7 =	vimm.s32 $0x0;
	v24 =	vimm.f32 $-Inf;
	s20 =	sadd.s32 s3, s20  }
0x14: {  	v23 =	vimm.f32 $-Inf;
	v11 =	vimm.s32 $0x0;
	v12 =	vimm.s32 $0x0;
	s20 =	sshrl.u32 s20, $0x3  }
0x15: {  	v25 =	vimm.f32 $-Inf;
	v26 =	vimm.f32 $-Inf;
	v16 =	vimm.s32 $0x0;
	s20 =	sadd.s32 s2, s20  }
0x16: {  	v14 =	vimm.s32 $0x0;
	v27 =	vimm.f32 $-Inf;
	v28 =	vimm.f32 $-Inf;
	[tilespmem:s12], [sflag:$0x2] =	stream.strided.gather [hbm4b:s20+s10], $0x6000, s11, s10, $0x38;
	[tilespmem:$0xCC00] =	vst v63  }
0x17: {  	v20 =	vimm.s32 $0x0;
	v17 =	vimm.s32 $0x0;
	v30 =	vimm.f32 $-Inf;
	_ =	swait.ge [sflag:s13], $0x6000  }
0x18: {  	v29 =	vimm.f32 $-Inf;
	v22 =	vimm.s32 $0x0;
	v21 =	vimm.s32 $0x0;
	[sflag:s13] =	ssyncset.done $0x0  }
0x19: {  	s21 =	simm.s32 $0x0;
	v31 =	vimm.f32 $-Inf;
	v32 =	vimm.f32 $-Inf;
	v0 =	vimm.s32 $0x0;
	s20 =	sshll.u32 s18, $0x1;
	[sflag:s13] =	ssyncadd.s32 $0xFFFFA000  }
.LBB2_3:
0x1a: {  	s22 =	sshra.s32 s21, $0x2  }
0x1b: {  	v33 =	vld [tilespmem:s22+$0x0]  }
0x1c: {  	v34 =	vld [tilespmem:s22+$0x10]  }
0x1d: {  	v35 =	vld [tilespmem:s22+$0x20]  }
0x1e: {  	v36 =	vld [tilespmem:s22+$0x30]  }
0x1f: {  	v51 =	vor.u32 $0x1, v0;
	v45 =	vld [tilespmem:s22+$0x40]  }
0x20: {  	v59 =	vor.u32 $0x2, v0;
	v46 =	vld [tilespmem:s22+$0x50];
	vm0 =	vgt.f32 v33, v31;
	vm1 =	vgt.f32 v33, v32  }
0x21: {  	v47 =	vld [tilespmem:s22+$0x60];
	v31 =	vmax.f32 v31, v33;
	vm10 =	vgt.f32 v34, v30;
	vm11 =	vgt.f32 v34, v29  }
0x22: {  	v44 =	vmax.f32 v32, v33;
	v30 =	vmax.f32 v30, v34;
	vm12 =	vgt.f32 v35, v27  }
0x23: {  	vm13 =	vgt.f32 v35, v28;
	v27 =	vmax.f32 v27, v35;
	vm14 =	vgt.f32 v36, v25  }
0x24: {  	vm15 =	vgt.f32 v36, v26;
	v25 =	vmax.f32 v25, v36;
	vm4 =	vgt.f32 v45, v24  }
0x25: {  	vm5 =	vgt.f32 v45, v23;
	v24 =	vmax.f32 v24, v45;
	vm6 =	vgt.f32 v46, v19  }
0x26: {  	vm7 =	vgt.f32 v46, v18;
	v19 =	vmax.f32 v19, v46;
	vm8 =	vgt.f32 v47, v15  }
0x27: {  	vm9 =	vgt.f32 v47, v13;
	v15 =	vmax.f32 v15, v47;
	v22 =	vsel vm0, v0, v22  }
0x28: {  	v31 =	vsel vm1, v32, v31;
	v20 =	vsel vm10, v0, v20;
	v30 =	vsel vm11, v29, v30  }
0x29: {  	v48 =	vld [tilespmem:s22+$0x70];
	v16 =	vsel vm12, v0, v16;
	v29 =	vmax.f32 v29, v34;
	v27 =	vsel vm13, v28, v27  }
0x2a: {  	v49 =	vld [tilespmem:s22+$0x80];
	v28 =	vmax.f32 v28, v35;
	v11 =	vsel vm14, v0, v11;
	v25 =	vsel vm15, v26, v25  }
0x2b: {  	v8 =	vsel vm4, v0, v8;
	v26 =	vmax.f32 v26, v36;
	v24 =	vsel vm5, v23, v24  }
0x2c: {  	v6 =	vsel vm6, v0, v6;
	v23 =	vmax.f32 v23, v45;
	v19 =	vsel vm7, v18, v19  }
0x2d: {  	v18 =	vmax.f32 v18, v46;
	v4 =	vsel vm8, v0, v4;
	v15 =	vsel vm9, v13, v15  }
0x2e: {  	vm10 =	vgt.f32 v48, v10;
	v13 =	vmax.f32 v13, v47;
	v10 =	vmax.f32 v10, v48  }
0x2f: {  	v32 =	vmax.f32 v44, v49;
	v22 =	vsel vm1, v21, v22;
	v21 =	vsel vm1, v0, v21  }
0x30: {  	v50 =	vld [tilespmem:s22+$0x90];
	v20 =	vsel vm11, v17, v20;
	v17 =	vsel vm11, v0, v17;
	v16 =	vsel vm13, v14, v16  }
0x31: {  	v37 =	vld [tilespmem:s22+$0xA0];
	v14 =	vsel vm13, v0, v14;
	v11 =	vsel vm15, v12, v11;
	v12 =	vsel vm15, v0, v12  }
0x32: {  	v52 =	vld [tilespmem:s22+$0xB0];
	v8 =	vsel vm5, v7, v8;
	v7 =	vsel vm5, v0, v7;
	v6 =	vsel vm7, v5, v6  }
0x33: {  	v53 =	vld [tilespmem:s22+$0xC0];
	v5 =	vsel vm7, v0, v5;
	v4 =	vsel vm9, v3, v4;
	v3 =	vsel vm9, v0, v3  }
0x34: {  	v54 =	vld [tilespmem:s22+$0xD0];
	vm11 =	vgt.f32 v48, v9;
	v2 =	vsel vm10, v0, v2;
	vm12 =	vgt.f32 v49, v31  }
0x35: {  	vm13 =	vgt.f32 v49, v44;
	v31 =	vmax.f32 v31, v49;
	vm14 =	vgt.f32 v50, v30  }
0x36: {  	vm15 =	vgt.f32 v50, v29;
	v30 =	vmax.f32 v30, v50;
	vm4 =	vgt.f32 v37, v27  }
0x37: {  	vm5 =	vgt.f32 v37, v28;
	v27 =	vmax.f32 v27, v37;
	vm6 =	vgt.f32 v52, v25  }
0x38: {  	vm7 =	vgt.f32 v52, v26;
	v25 =	vmax.f32 v25, v52;
	vm8 =	vgt.f32 v53, v24  }
0x39: {  	vm9 =	vgt.f32 v53, v23;
	v24 =	vmax.f32 v24, v53;
	vm10 =	vgt.f32 v54, v19  }
0x3a: {  	v19 =	vmax.f32 v19, v54;
	v2 =	vsel vm11, v1, v2;
	v10 =	vsel vm11, v9, v10  }
0x3b: {  	v1 =	vsel vm11, v0, v1;
	v22 =	vsel vm12, v51, v22;
	v9 =	vmax.f32 v9, v48  }
0x3c: {  	v55 =	vld [tilespmem:s22+$0xE0];
	v31 =	vsel vm13, v44, v31;
	v20 =	vsel vm14, v51, v20;
	v30 =	vsel vm15, v29, v30  }
0x3d: {  	v29 =	vmax.f32 v29, v50;
	v16 =	vsel vm4, v51, v16;
	v27 =	vsel vm5, v28, v27  }
0x3e: {  	v11 =	vsel vm6, v51, v11;
	v28 =	vmax.f32 v28, v37;
	v25 =	vsel vm7, v26, v25  }
0x3f: {  	v8 =	vsel vm8, v51, v8;
	v26 =	vmax.f32 v26, v52;
	v24 =	vsel vm9, v23, v24  }
0x40: {  	v23 =	vmax.f32 v23, v53;
	vm11 =	vgt.f32 v54, v18;
	v6 =	vsel vm10, v51, v6  }
0x41: {  	vm12 =	vgt.f32 v55, v15;
	v15 =	vmax.f32 v15, v55;
	v44 =	vor.u32 $0x3, v0  }
0x42: {  	v56 =	vld [tilespmem:s22+$0xF0];
	v53 =	vor.u32 $0x4, v0;
	v22 =	vsel vm13, v21, v22;
	v21 =	vsel vm13, v51, v21  }
0x43: {  	v57 =	vld [tilespmem:s22+$0x100];
	v20 =	vsel vm15, v17, v20;
	v17 =	vsel vm15, v51, v17;
	v16 =	vsel vm5, v14, v16  }
0x44: {  	v58 =	vld [tilespmem:s22+$0x110];
	v14 =	vsel vm5, v51, v14;
	v11 =	vsel vm7, v12, v11;
	v12 =	vsel vm7, v51, v12  }
0x45: {  	v60 =	vld [tilespmem:s22+$0x120];
	v8 =	vsel vm9, v7, v8;
	v7 =	vsel vm9, v51, v7;
	v6 =	vsel vm11, v5, v6  }
0x46: {  	v61 =	vld [tilespmem:s22+$0x130];
	v19 =	vsel vm11, v18, v19;
	v5 =	vsel vm11, v51, v5;
	vm13 =	vgt.f32 v55, v13  }
0x47: {  	v62 =	vld [tilespmem:s22+$0x140];
	v4 =	vsel vm12, v51, v4;
	v18 =	vmax.f32 v18, v54;
	vm14 =	vgt.f32 v56, v10  }
0x48: {  	vm15 =	vgt.f32 v56, v9;
	v10 =	vmax.f32 v10, v56;
	vm4 =	vgt.f32 v57, v31  }
0x49: {  	vm5 =	vgt.f32 v57, v32;
	v31 =	vmax.f32 v31, v57;
	vm6 =	vgt.f32 v58, v30  }
0x4a: {  	vm7 =	vgt.f32 v58, v29;
	v30 =	vmax.f32 v30, v58;
	vm8 =	vgt.f32 v60, v27  }
0x4b: {  	vm9 =	vgt.f32 v60, v28;
	v27 =	vmax.f32 v27, v60;
	vm10 =	vgt.f32 v61, v25  }
0x4c: {  	vm11 =	vgt.f32 v61, v26;
	v25 =	vmax.f32 v25, v61;
	vm12 =	vgt.f32 v62, v24  }
0x4d: {  	v24 =	vmax.f32 v24, v62;
	v4 =	vsel vm13, v3, v4;
	v15 =	vsel vm13, v13, v15  }
0x4e: {  	v3 =	vsel vm13, v51, v3;
	v2 =	vsel vm14, v51, v2;
	v13 =	vmax.f32 v13, v55  }
0x4f: {  	v63 =	vld [tilespmem:s22+$0x150];
	v10 =	vsel vm15, v9, v10;
	v22 =	vsel vm4, v59, v22;
	v9 =	vmax.f32 v9, v56  }
0x50: {  	v31 =	vsel vm5, v32, v31;
	v32 =	vmax.f32 v32, v57;
	v20 =	vsel vm6, v59, v20  }
0x51: {  	v30 =	vsel vm7, v29, v30;
	v16 =	vsel vm8, v59, v16;
	v29 =	vmax.f32 v29, v58  }
0x52: {  	v27 =	vsel vm9, v28, v27;
	v11 =	vsel vm10, v59, v11;
	v28 =	vmax.f32 v28, v60  }
0x53: {  	v25 =	vsel vm11, v26, v25;
	v26 =	vmax.f32 v26, v61;
	vm13 =	vgt.f32 v62, v23  }
0x54: {  	v8 =	vsel vm12, v59, v8;
	vm14 =	vgt.f32 v63, v19;
	v19 =	vmax.f32 v19, v63  }
0x55: {  	v40 =	vld [tilespmem:s22+$0x160];
	v2 =	vsel vm15, v1, v2;
	v1 =	vsel vm15, v51, v1;
	v22 =	vsel vm5, v21, v22  }
0x56: {  	v41 =	vld [tilespmem:s22+$0x170];
	v21 =	vsel vm5, v59, v21;
	v20 =	vsel vm7, v17, v20;
	v17 =	vsel vm7, v59, v17  }
0x57: {  	v42 =	vld [tilespmem:s22+$0x180];
	v16 =	vsel vm9, v14, v16;
	v14 =	vsel vm9, v59, v14;
	v11 =	vsel vm11, v12, v11  }
0x58: {  	v43 =	vld [tilespmem:s22+$0x190];
	v12 =	vsel vm11, v59, v12;
	v8 =	vsel vm13, v7, v8;
	v24 =	vsel vm13, v23, v24  }
0x59: {  	v45 =	vld [tilespmem:s22+$0x1A0];
	v7 =	vsel vm13, v59, v7;
	vm15 =	vgt.f32 v63, v18;
	v6 =	vsel vm14, v59, v6  }
0x5a: {  	v46 =	vld [tilespmem:s22+$0x1B0];
	v23 =	vmax.f32 v23, v62;
	vm4 =	vgt.f32 v40, v15;
	vm5 =	vgt.f32 v40, v13  }
0x5b: {  	v15 =	vmax.f32 v15, v40;
	vm6 =	vgt.f32 v41, v10;
	vm7 =	vgt.f32 v41, v9  }
0x5c: {  	v10 =	vmax.f32 v10, v41;
	vm8 =	vgt.f32 v42, v31;
	vm9 =	vgt.f32 v42, v32  }
0x5d: {  	v31 =	vmax.f32 v31, v42;
	vm10 =	vgt.f32 v43, v30;
	vm11 =	vgt.f32 v43, v29  }
0x5e: {  	v30 =	vmax.f32 v30, v43;
	vm12 =	vgt.f32 v45, v27;
	vm13 =	vgt.f32 v45, v28  }
0x5f: {  	v27 =	vmax.f32 v27, v45;
	vm14 =	vgt.f32 v46, v25;
	v25 =	vmax.f32 v25, v46  }
0x60: {  	v62 =	vor.u32 $0x5, v0;
	v6 =	vsel vm15, v5, v6;
	v19 =	vsel vm15, v18, v19  }
0x61: {  	v5 =	vsel vm15, v59, v5;
	v4 =	vsel vm4, v59, v4;
	v18 =	vmax.f32 v18, v63  }
0x62: {  	v47 =	vld [tilespmem:s22+$0x1C0];
	v15 =	vsel vm5, v13, v15;
	v13 =	vmax.f32 v13, v40;
	v2 =	vsel vm6, v59, v2  }
0x63: {  	v10 =	vsel vm7, v9, v10;
	v9 =	vmax.f32 v9, v41;
	v22 =	vsel vm8, v44, v22  }
0x64: {  	v31 =	vsel vm9, v32, v31;
	v20 =	vsel vm10, v44, v20;
	v32 =	vmax.f32 v32, v42  }
0x65: {  	v30 =	vsel vm11, v29, v30;
	v16 =	vsel vm12, v44, v16;
	v29 =	vmax.f32 v29, v43  }
0x66: {  	v27 =	vsel vm13, v28, v27;
	v28 =	vmax.f32 v28, v45;
	vm15 =	vgt.f32 v46, v26  }
0x67: {  	v11 =	vsel vm14, v44, v11;
	vm4 =	vgt.f32 v47, v24;
	v24 =	vmax.f32 v24, v47  }
0x68: {  	v48 =	vld [tilespmem:s22+$0x1D0];
	v4 =	vsel vm5, v3, v4;
	v3 =	vsel vm5, v59, v3;
	v2 =	vsel vm7, v1, v2  }
0x69: {  	v49 =	vld [tilespmem:s22+$0x1E0];
	v1 =	vsel vm7, v59, v1;
	v22 =	vsel vm9, v21, v22;
	v21 =	vsel vm9, v44, v21  }
0x6a: {  	v50 =	vld [tilespmem:s22+$0x1F0];
	v20 =	vsel vm11, v17, v20;
	v17 =	vsel vm11, v44, v17;
	v16 =	vsel vm13, v14, v16  }
0x6b: {  	v52 =	vld [tilespmem:s22+$0x210];
	v14 =	vsel vm13, v44, v14;
	v11 =	vsel vm15, v12, v11;
	v25 =	vsel vm15, v26, v25  }
0x6c: {  	v12 =	vsel vm15, v44, v12;
	vm5 =	vgt.f32 v47, v23;
	v8 =	vsel vm4, v44, v8  }
0x6d: {  	v26 =	vmax.f32 v26, v46;
	vm6 =	vgt.f32 v48, v19;
	vm7 =	vgt.f32 v48, v18  }
0x6e: {  	v19 =	vmax.f32 v19, v48;
	vm8 =	vgt.f32 v49, v15;
	vm9 =	vgt.f32 v49, v13  }
0x6f: {  	v15 =	vmax.f32 v15, v49;
	vm10 =	vgt.f32 v50, v10;
	vm11 =	vgt.f32 v50, v9  }
0x70: {  	v10 =	vmax.f32 v10, v50;
	vm14 =	vgt.f32 v52, v30;
	vm15 =	vgt.f32 v52, v29  }
0x71: {  	v54 =	vld [tilespmem:s22+$0x220];
	v30 =	vmax.f32 v30, v52;
	v8 =	vsel vm5, v7, v8;
	v24 =	vsel vm5, v23, v24  }
0x72: {  	v7 =	vsel vm5, v44, v7;
	v6 =	vsel vm6, v44, v6;
	v23 =	vmax.f32 v23, v47  }
0x73: {  	v19 =	vsel vm7, v18, v19;
	v18 =	vmax.f32 v18, v48;
	v4 =	vsel vm8, v44, v4  }
0x74: {  	v15 =	vsel vm9, v13, v15;
	v2 =	vsel vm10, v44, v2;
	v13 =	vmax.f32 v13, v49  }
0x75: {  	v10 =	vsel vm11, v9, v10;
	v9 =	vmax.f32 v9, v50;
	v20 =	vsel vm14, v53, v20  }
0x76: {  	v55 =	vld [tilespmem:s22+$0x230];
	v30 =	vsel vm15, v29, v30;
	v29 =	vmax.f32 v29, v52;
	vm4 =	vgt.f32 v54, v27  }
0x77: {  	v56 =	vld [tilespmem:s22+$0x240];
	vm5 =	vgt.f32 v54, v28;
	v27 =	vmax.f32 v27, v54;
	v47 =	vor.u32 $0x6, v0  }
0x78: {  	v57 =	vld [tilespmem:s22+$0x250];
	v6 =	vsel vm7, v5, v6;
	v5 =	vsel vm7, v44, v5;
	v4 =	vsel vm9, v3, v4  }
0x79: {  	v51 =	vld [tilespmem:s22+$0x200];
	v3 =	vsel vm9, v44, v3;
	v2 =	vsel vm11, v1, v2;
	v1 =	vsel vm11, v44, v1  }
0x7a: {  	v20 =	vsel vm15, v17, v20;
	v17 =	vsel vm15, v53, v17;
	v16 =	vsel vm4, v53, v16  }
0x7b: {  	v27 =	vsel vm5, v28, v27;
	vm6 =	vgt.f32 v55, v25;
	vm7 =	vgt.f32 v55, v26  }
0x7c: {  	v28 =	vmax.f32 v28, v54;
	v25 =	vmax.f32 v25, v55;
	vm8 =	vgt.f32 v56, v24  }
0x7d: {  	vm9 =	vgt.f32 v56, v23;
	v24 =	vmax.f32 v24, v56;
	vm10 =	vgt.f32 v57, v19  }
0x7e: {  	v61 =	vld [tilespmem:s22+$0x290];
	vm11 =	vgt.f32 v57, v18;
	v19 =	vmax.f32 v19, v57;
	vm12 =	vgt.f32 v51, v31  }
0x7f: {  	vm13 =	vgt.f32 v51, v32;
	v31 =	vmax.f32 v31, v51;
	v16 =	vsel vm5, v14, v16  }
0x80: {  	v14 =	vsel vm5, v53, v14;
	v11 =	vsel vm6, v53, v11;
	v25 =	vsel vm7, v26, v25  }
0x81: {  	v8 =	vsel vm8, v53, v8;
	v26 =	vmax.f32 v26, v55;
	v24 =	vsel vm9, v23, v24  }
0x82: {  	v58 =	vld [tilespmem:s22+$0x260];
	v23 =	vmax.f32 v23, v56;
	v6 =	vsel vm10, v53, v6;
	v19 =	vsel vm11, v18, v19  }
0x83: {  	v18 =	vmax.f32 v18, v57;
	vm6 =	vgt.f32 v61, v30;
	v30 =	vmax.f32 v30, v61  }
0x84: {  	v63 =	vld [tilespmem:s22+$0x2A0];
	v56 =	vor.u32 $0x7, v0;
	v0 =	vadd.s32 $0x8, v0;
	v22 =	vsel vm12, v53, v22  }
0x85: {  	v40 =	vld [tilespmem:s22+$0x2B0];
	v31 =	vsel vm13, v32, v31;
	v32 =	vmax.f32 v32, v51;
	v11 =	vsel vm7, v12, v11  }
0x86: {  	v12 =	vsel vm7, v53, v12;
	v8 =	vsel vm9, v7, v8;
	v7 =	vsel vm9, v53, v7  }
0x87: {  	v59 =	vld [tilespmem:s22+$0x270];
	v6 =	vsel vm11, v5, v6;
	vm12 =	vgt.f32 v58, v15;
	v5 =	vsel vm11, v53, v5  }
0x88: {  	v60 =	vld [tilespmem:s22+$0x280];
	v15 =	vmax.f32 v15, v58;
	vm7 =	vgt.f32 v61, v29;
	v20 =	vsel vm6, v62, v20  }
0x89: {  	vm8 =	vgt.f32 v63, v27;
	vm9 =	vgt.f32 v63, v28;
	v27 =	vmax.f32 v27, v63  }
0x8a: {  	vm10 =	vgt.f32 v40, v25;
	vm11 =	vgt.f32 v40, v26;
	v25 =	vmax.f32 v25, v40  }
0x8b: {  	v22 =	vsel vm13, v21, v22;
	v21 =	vsel vm13, v53, v21;
	vm13 =	vgt.f32 v58, v13  }
0x8c: {  	v41 =	vld [tilespmem:s22+$0x2C0];
	v4 =	vsel vm12, v53, v4;
	vm14 =	vgt.f32 v59, v10;
	vm15 =	vgt.f32 v59, v9  }
0x8d: {  	v10 =	vmax.f32 v10, v59;
	vm4 =	vgt.f32 v60, v31;
	vm5 =	vgt.f32 v60, v32  }
0x8e: {  	v31 =	vmax.f32 v31, v60;
	v20 =	vsel vm7, v17, v20;
	v30 =	vsel vm7, v29, v30  }
0x8f: {  	v17 =	vsel vm7, v62, v17;
	v16 =	vsel vm8, v62, v16;
	v29 =	vmax.f32 v29, v61  }
0x90: {  	v27 =	vsel vm9, v28, v27;
	v11 =	vsel vm10, v62, v11;
	v28 =	vmax.f32 v28, v63  }
0x91: {  	v25 =	vsel vm11, v26, v25;
	v26 =	vmax.f32 v26, v40;
	vm12 =	vgt.f32 v41, v24  }
0x92: {  	v42 =	vld [tilespmem:s22+$0x2D0];
	v24 =	vmax.f32 v24, v41;
	v4 =	vsel vm13, v3, v4;
	v15 =	vsel vm13, v13, v15  }
0x93: {  	v46 =	vld [tilespmem:s22+$0x310];
	v3 =	vsel vm13, v53, v3;
	v2 =	vsel vm14, v53, v2;
	v13 =	vmax.f32 v13, v58  }
0x94: {  	v48 =	vld [tilespmem:s22+$0x320];
	v10 =	vsel vm15, v9, v10;
	v22 =	vsel vm4, v62, v22;
	v9 =	vmax.f32 v9, v59  }
0x95: {  	v31 =	vsel vm5, v32, v31;
	v32 =	vmax.f32 v32, v60;
	v16 =	vsel vm9, v14, v16  }
0x96: {  	v14 =	vsel vm9, v62, v14;
	v11 =	vsel vm11, v12, v11;
	v12 =	vsel vm11, v62, v12  }
0x97: {  	vm13 =	vgt.f32 v41, v23;
	v8 =	vsel vm12, v62, v8;
	vm14 =	vgt.f32 v42, v19  }
0x98: {  	v43 =	vld [tilespmem:s22+$0x2E0];
	v19 =	vmax.f32 v19, v42;
	vm10 =	vgt.f32 v46, v30;
	vm11 =	vgt.f32 v46, v29  }
0x99: {  	v44 =	vld [tilespmem:s22+$0x2F0];
	v30 =	vmax.f32 v30, v46;
	vm12 =	vgt.f32 v48, v27;
	v27 =	vmax.f32 v27, v48  }
0x9a: {  	v45 =	vld [tilespmem:s22+$0x300];
	v2 =	vsel vm15, v1, v2;
	v1 =	vsel vm15, v53, v1;
	v22 =	vsel vm5, v21, v22  }
0x9b: {  	v21 =	vsel vm5, v62, v21;
	v8 =	vsel vm13, v7, v8;
	v24 =	vsel vm13, v23, v24  }
0x9c: {  	v7 =	vsel vm13, v62, v7;
	vm15 =	vgt.f32 v42, v18;
	v6 =	vsel vm14, v62, v6  }
0x9d: {  	v49 =	vld [tilespmem:s22+$0x330];
	v23 =	vmax.f32 v23, v41;
	vm4 =	vgt.f32 v43, v15;
	vm5 =	vgt.f32 v43, v13  }
0x9e: {  	v15 =	vmax.f32 v15, v43;
	vm6 =	vgt.f32 v44, v10;
	vm7 =	vgt.f32 v44, v9  }
0x9f: {  	v10 =	vmax.f32 v10, v44;
	vm8 =	vgt.f32 v45, v31;
	vm9 =	vgt.f32 v45, v32  }
0xa0: {  	v31 =	vmax.f32 v31, v45;
	v20 =	vsel vm10, v47, v20;
	v30 =	vsel vm11, v29, v30  }
0xa1: {  	vm13 =	vgt.f32 v48, v28;
	v16 =	vsel vm12, v47, v16;
	v29 =	vmax.f32 v29, v46  }
0xa2: {  	vm14 =	vgt.f32 v49, v25;
	v25 =	vmax.f32 v25, v49;
	v6 =	vsel vm15, v5, v6  }
0xa3: {  	v19 =	vsel vm15, v18, v19;
	v5 =	vsel vm15, v62, v5;
	v4 =	vsel vm4, v62, v4  }
0xa4: {  	v50 =	vld [tilespmem:s22+$0x340];
	v18 =	vmax.f32 v18, v42;
	v15 =	vsel vm5, v13, v15;
	v13 =	vmax.f32 v13, v43  }
0xa5: {  	v55 =	vld [tilespmem:s22+$0x390];
	v2 =	vsel vm6, v62, v2;
	v10 =	vsel vm7, v9, v10;
	v9 =	vmax.f32 v9, v44  }
0xa6: {  	v22 =	vsel vm8, v47, v22;
	v31 =	vsel vm9, v32, v31;
	v32 =	vmax.f32 v32, v45  }
0xa7: {  	v20 =	vsel vm11, v17, v20;
	v17 =	vsel vm11, v47, v17;
	v16 =	vsel vm13, v14, v16  }
0xa8: {  	v27 =	vsel vm13, v28, v27;
	v14 =	vsel vm13, v47, v14;
	v28 =	vmax.f32 v28, v48  }
0xa9: {  	vm15 =	vgt.f32 v49, v26;
	v11 =	vsel vm14, v47, v11;
	vm4 =	vgt.f32 v50, v24  }
0xaa: {  	v51 =	vld [tilespmem:s22+$0x350];
	v24 =	vmax.f32 v24, v50;
	vm14 =	vgt.f32 v55, v30;
	v30 =	vmax.f32 v30, v55  }
0xab: {  	v52 =	vld [tilespmem:s22+$0x360];
	v4 =	vsel vm5, v3, v4;
	v3 =	vsel vm5, v62, v3;
	v2 =	vsel vm7, v1, v2  }
0xac: {  	v54 =	vld [tilespmem:s22+$0x380];
	v1 =	vsel vm7, v62, v1;
	v22 =	vsel vm9, v21, v22;
	v21 =	vsel vm9, v47, v21  }
0xad: {  	v57 =	vld [tilespmem:s22+$0x3A0];
	v11 =	vsel vm15, v12, v11;
	v25 =	vsel vm15, v26, v25;
	v12 =	vsel vm15, v47, v12  }
0xae: {  	vm5 =	vgt.f32 v50, v23;
	v8 =	vsel vm4, v47, v8;
	v26 =	vmax.f32 v26, v49  }
0xaf: {  	vm6 =	vgt.f32 v51, v19;
	vm7 =	vgt.f32 v51, v18;
	v19 =	vmax.f32 v19, v51  }
0xb0: {  	vm8 =	vgt.f32 v52, v15;
	vm9 =	vgt.f32 v52, v13;
	v15 =	vmax.f32 v15, v52  }
0xb1: {  	vm12 =	vgt.f32 v54, v31;
	vm13 =	vgt.f32 v54, v32;
	v31 =	vmax.f32 v31, v54  }
0xb2: {  	vm15 =	vgt.f32 v55, v29;
	v20 =	vsel vm14, v56, v20;
	vm4 =	vgt.f32 v57, v27  }
0xb3: {  	v27 =	vmax.f32 v27, v57;
	v8 =	vsel vm5, v7, v8;
	v24 =	vsel vm5, v23, v24  }
0xb4: {  	v7 =	vsel vm5, v47, v7;
	v6 =	vsel vm6, v47, v6;
	v23 =	vmax.f32 v23, v50  }
0xb5: {  	v19 =	vsel vm7, v18, v19;
	v18 =	vmax.f32 v18, v51;
	v4 =	vsel vm8, v47, v4  }
0xb6: {  	v15 =	vsel vm9, v13, v15;
	v13 =	vmax.f32 v13, v52;
	v22 =	vsel vm12, v56, v22  }
0xb7: {  	v58 =	vld [tilespmem:s22+$0x3B0];
	v31 =	vsel vm13, v32, v31;
	v32 =	vmax.f32 v32, v54;
	v20 =	vsel vm15, v17, v20  }
0xb8: {  	v61 =	vld [tilespmem:s22+$0x3E0];
	v30 =	vsel vm15, v29, v30;
	v17 =	vsel vm15, v56, v17;
	v29 =	vmax.f32 v29, v55  }
0xb9: {  	v59 =	vld [tilespmem:s22+$0x3C0];
	vm5 =	vgt.f32 v57, v28;
	v16 =	vsel vm4, v56, v16;
	v6 =	vsel vm7, v5, v6  }
0xba: {  	v60 =	vld [tilespmem:s22+$0x3D0];
	v5 =	vsel vm7, v47, v5;
	v4 =	vsel vm9, v3, v4;
	v3 =	vsel vm9, v47, v3  }
0xbb: {  	v53 =	vld [tilespmem:s22+$0x370];
	v22 =	vsel vm13, v21, v22;
	v21 =	vsel vm13, v56, v21;
	v16 =	vsel vm5, v14, v16  }
0xbc: {  	v27 =	vsel vm5, v28, v27;
	vm6 =	vgt.f32 v58, v25;
	v14 =	vsel vm5, v56, v14  }
0xbd: {  	vm7 =	vgt.f32 v58, v26;
	v28 =	vmax.f32 v28, v57;
	v25 =	vmax.f32 v25, v58  }
0xbe: {  	vm8 =	vgt.f32 v59, v24;
	vm9 =	vgt.f32 v59, v23;
	v24 =	vmax.f32 v24, v59  }
0xbf: {  	v62 =	vmax.f32 v19, v60;
	vm12 =	vgt.f32 v61, v15;
	vm13 =	vgt.f32 v61, v13  }
0xc0: {  	v15 =	vmax.f32 v15, v61;
	vm10 =	vgt.f32 v53, v10;
	vm11 =	vgt.f32 v53, v9  }
0xc1: {  	v10 =	vmax.f32 v10, v53;
	v11 =	vsel vm6, v56, v11;
	v25 =	vsel vm7, v26, v25  }
0xc2: {  	v8 =	vsel vm8, v56, v8;
	v26 =	vmax.f32 v26, v58;
	v24 =	vsel vm9, v23, v24  }
0xc3: {  	v23 =	vmax.f32 v23, v59;
	v4 =	vsel vm12, v56, v4;
	v15 =	vsel vm13, v13, v15  }
0xc4: {  	v63 =	vld [tilespmem:s22+$0x3F0];
	v13 =	vmax.f32 v13, v61;
	v2 =	vsel vm10, v47, v2;
	v10 =	vsel vm11, v9, v10  }
0xc5: {  	v9 =	vmax.f32 v9, v53;
	v11 =	vsel vm7, v12, v11;
	v12 =	vsel vm7, v56, v12  }
0xc6: {  	v8 =	vsel vm9, v7, v8;
	vm10 =	vgt.f32 v60, v18;
	v7 =	vsel vm9, v56, v7  }
0xc7: {  	p0 =	sne.s32 s21, $0x17000;
	v4 =	vsel vm13, v3, v4;
	v3 =	vsel vm13, v56, v3;
	v2 =	vsel vm11, v1, v2  }
.Ltmp0:
0xc8: {  	v1 =	vsel vm11, v47, v1;
	vm11 =	vgt.f32 v60, v19;
	v19 =	vsel vm10, v18, v62;
	(pc) =	sbr.rel @p0 .LBB2_3-.Ltmp0, $4  }
0xc9: {  	v18 =	vmax.f32 v18, v60;
	vm14 =	vgt.f32 v63, v10;
	vm15 =	vgt.f32 v63, v9  }
0xca: {  	v10 =	vmax.f32 v10, v63;
	v6 =	vsel vm11, v56, v6;
	v2 =	vsel vm14, v56, v2  }
0xcb: {  	v10 =	vsel vm15, v9, v10;
	v9 =	vmax.f32 v9, v63;
	v6 =	vsel vm10, v5, v6  }
0xcc: {  	s21 =	sadd.s32 $0x1000, s21;
	v5 =	vsel vm10, v56, v5;
	v2 =	vsel vm15, v1, v2;
	v1 =	vsel vm15, v56, v1  }
0xcd: {  	v0 =	vsub.f32 v31, v32;
	_ =	sdelay $0x1  }
0xce: {  	v0 =	vmul.f32 $1.442695020e+00, v0;
	_ =	sdelay $0x1  }
0xcf: {  	(erf) = vpow2.f32 v0;
	_ =	sdelay $0x8  }
0xd0: {  	v29 =	vsub.f32 v30, v29;
	v0 =	vpop (erf)  }
0xd1: {  	v30 =	vadd.f32 $1.000000000e+00, v0  }
0xd2: {  	v29 =	vmul.f32 $1.442695020e+00, v29  }
0xd3: {  	(erf) = vrcp.f32 v30  }
0xd4: {  	(erf) = vpow2.f32 v29;
	_ =	sdelay $0x7  }
0xd5: {  	v29 =	vpop (erf)  }
0xd6: {  	v27 =	vsub.f32 v27, v28;
	v30 =	vpop (erf)  }
0xd7: {  	v28 =	vadd.f32 $1.000000000e+00, v30  }
0xd8: {  	v27 =	vmul.f32 $1.442695020e+00, v27  }
0xd9: {  	(erf) = vrcp.f32 v28  }
0xda: {  	(erf) = vpow2.f32 v27;
	_ =	sdelay $0x7  }
0xdb: {  	v27 =	vpop (erf)  }
0xdc: {  	v25 =	vsub.f32 v25, v26;
	v28 =	vpop (erf)  }
0xdd: {  	v26 =	vadd.f32 $1.000000000e+00, v28  }
0xde: {  	v25 =	vmul.f32 $1.442695020e+00, v25  }
0xdf: {  	(erf) = vrcp.f32 v26  }
0xe0: {  	(erf) = vpow2.f32 v25;
	_ =	sdelay $0x7  }
0xe1: {  	v25 =	vpop (erf)  }
0xe2: {  	v23 =	vsub.f32 v24, v23;
	v26 =	vpop (erf)  }
0xe3: {  	v24 =	vadd.f32 $1.000000000e+00, v26  }
0xe4: {  	v23 =	vmul.f32 $1.442695020e+00, v23  }
0xe5: {  	(erf) = vrcp.f32 v24  }
0xe6: {  	(erf) = vpow2.f32 v23;
	_ =	sdelay $0x7  }
0xe7: {  	v23 =	vpop (erf)  }
0xe8: {  	v18 =	vsub.f32 v19, v18;
	v24 =	vpop (erf)  }
0xe9: {  	v19 =	vadd.f32 $1.000000000e+00, v24  }
0xea: {  	v18 =	vmul.f32 $1.442695020e+00, v18  }
0xeb: {  	(erf) = vrcp.f32 v19  }
0xec: {  	(erf) = vpow2.f32 v18;
	_ =	sdelay $0x7  }
0xed: {  	v18 =	vpop (erf)  }
0xee: {  	v13 =	vsub.f32 v15, v13;
	v19 =	vpop (erf)  }
0xef: {  	v15 =	vadd.f32 $1.000000000e+00, v19  }
0xf0: {  	v13 =	vmul.f32 $1.442695020e+00, v13  }
0xf1: {  	(erf) = vrcp.f32 v15  }
0xf2: {  	(erf) = vpow2.f32 v13;
	_ =	sdelay $0x7  }
0xf3: {  	v13 =	vpop (erf)  }
0xf4: {  	v9 =	vsub.f32 v10, v9;
	v15 =	vpop (erf)  }
0xf5: {  	v10 =	vadd.f32 $1.000000000e+00, v15  }
0xf6: {  	v9 =	vmul.f32 $1.442695020e+00, v9  }
0xf7: {  	(erf) = vrcp.f32 v10  }
0xf8: {  	(erf) = vpow2.f32 v9  }
0xf9: {  	v16 =	vcvt.s32.f32 v16  }
0xfa: {  	v14 =	vcvt.s32.f32 v14;
	v10 =	vcvt.s32.f32 v20  }
0xfb: {  	v12 =	vcvt.s32.f32 v12;
	v11 =	vcvt.s32.f32 v11  }
0xfc: {  	v9 =	vcvt.s32.f32 v22;
	v10 =	vmul.f32 v10, v30  }
0xfd: {  	v8 =	vcvt.s32.f32 v8;
	v7 =	vcvt.s32.f32 v7  }
0xfe: {  	v0 =	vmul.f32 v9, v0;
	v9 =	vcvt.s32.f32 v17  }
0xff: {  	v6 =	vcvt.s32.f32 v6;
	v5 =	vcvt.s32.f32 v5  }
0x100: {  	v4 =	vcvt.s32.f32 v4;
	v20 =	vcvt.s32.f32 v21;
	v9 =	vadd.f32 v9, v10;
	v10 =	vpop (erf)  }
0x101: {  	v2 =	vcvt.s32.f32 v2;
	v3 =	vcvt.s32.f32 v3;
	v17 =	vpop (erf)  }
0x102: {  	v1 =	vcvt.s32.f32 v1;
	v0 =	vadd.f32 v20, v0;
	v20 =	vadd.f32 $1.000000000e+00, v17  }
0x103: {  	v31 =	vimm.f32 $-Inf;
	v16 =	vmul.f32 v16, v28;
	v11 =	vmul.f32 v11, v26  }
0x104: {  	v32 =	vimm.f32 $-Inf;
	v8 =	vmul.f32 v8, v24;
	(erf) = vrcp.f32 v20  }
0x105: {  	v28 =	vimm.f32 $-Inf;
	v14 =	vadd.f32 v14, v16;
	v16 =	vimm.s32 $0x0  }
0x106: {  	v11 =	vadd.f32 v12, v11;
	v7 =	vadd.f32 v7, v8;
	v6 =	vmul.f32 v6, v19  }
0x107: {  	s21 =	sshll.u32 s18, $0x8;
	v26 =	vimm.f32 $-Inf;
	v12 =	vmul.f32 v25, v14;
	v14 =	vimm.f32 $-Inf  }
0x108: {  	s21 =	sand.u32 $0x3FFFFF00, s21;
	v7 =	vmul.f32 v18, v7;
	v5 =	vadd.f32 v5, v6;
	v6 =	vmul.f32 v23, v11  }
0x109: {  	v25 =	vimm.f32 $-Inf;
	[tilespmem:s21+$0xC020] =	vst v12;
	v4 =	vmul.f32 v4, v15;
	v2 =	vmul.f32 v2, v17  }
0x10a: {  	v12 =	vimm.f32 $-Inf;
	v24 =	vimm.f32 $-Inf;
	[tilespmem:s21+$0xC040] =	vst v7;
	v8 =	vmul.f32 v13, v5  }
0x10b: {  	p0 =	seq.s32 s18, $0xB;
	v18 =	vimm.f32 $-Inf;
	[tilespmem:s21+$0xC030] =	vst v6;
	v3 =	vadd.f32 v3, v4;
	v0 =	vmul.f32 v29, v0  }
0x10c: {  	s20 =	sadd.s32 @!p0 s20, s7;
	v19 =	vimm.s32 $0x0;
	[tilespmem:s21+$0xC050] =	vst v8;
	v9 =	vmul.f32 v27, v9;
	v1 =	vadd.f32 v1, v2  }
0x10d: {  	s20 =	sshll.u32 @!p0 s20, $0xA;
	v7 =	vimm.s32 $0x0;
	v11 =	vimm.s32 $0x0;
	[tilespmem:s21+$0xC000] =	vst v0;
	v0 =	vmul.f32 v10, v3;
	v2 =	vpop (erf)  }
0x10e: {  	s20 =	sadd.s32 @!p0 s3, s20;
	v23 =	vimm.s32 $0x0;
	v6 =	vimm.s32 $0x0;
	[tilespmem:s21+$0xC010] =	vst v9;
	v15 =	vmul.f32 v2, v1  }
0x10f: {  	s22 =	simm.s32 @!p0 $0x80000;
	s20 =	sshrl.u32 @!p0 s20, $0x3;
	v5 =	vimm.s32 $0x0;
	v13 =	vimm.s32 $0x0;
	v8 =	vimm.s32 $0x0;
	[tilespmem:s21+$0xC060] =	vst v0  }
0x110: {  	s23 =	simm.s32 @!p0 $0x0;
	s20 =	sadd.s32 @!p0 s2, s20;
	v4 =	vimm.s32 $0x0;
	v21 =	vimm.s32 $0x0;
	v22 =	vimm.f32 $-Inf;
	[tilespmem:s21+$0xC070] =	vst v15;
	s21 =	simm.s32 @!p0 $0x400  }
0x111: {  	v30 =	vimm.f32 $-Inf;
	v27 =	vimm.f32 $-Inf;
	v29 =	vimm.f32 $-Inf;
	[tilespmem:s23], [sflag:$0x1] =	stream.strided.gather @!p0 [hbm4b:s20+s21], $0x6000, s22, s21, $0x38;
	[tilespmem:$0xCC00] =	vst v63  }
0x112: {  	v9 =	vimm.f32 $-Inf;
	v10 =	vimm.f32 $-Inf;
	v3 =	vimm.s32 $0x0;
	_ =	swait.ge [sflag:s14], $0x6000  }
0x113: {  	v17 =	vimm.f32 $-Inf;
	v0 =	vimm.s32 $0x0;
	v20 =	vimm.s32 $0x0;
	[sflag:s14] =	ssyncset.done $0x0  }
0x114: {  	v2 =	vimm.s32 $0x0;
	v1 =	vimm.s32 $0x0;
	v15 =	vimm.s32 $0x0;
	s20 =	simm.s32 $0x0;
	[sflag:s14] =	ssyncadd.s32 $0xFFFFA000  }
.LBB2_5:
0x115: {  	s21 =	sshra.s32 s20, $0x2  }
0x116: {  	v33 =	vld [tilespmem:s21+$0x6000]  }
0x117: {  	v34 =	vld [tilespmem:s21+$0x6010]  }
0x118: {  	v35 =	vld [tilespmem:s21+$0x6020]  }
0x119: {  	v36 =	vld [tilespmem:s21+$0x6030]  }
0x11a: {  	v51 =	vor.u32 $0x1, v0;
	v45 =	vld [tilespmem:s21+$0x6040]  }
0x11b: {  	v59 =	vor.u32 $0x2, v0;
	v46 =	vld [tilespmem:s21+$0x6050];
	vm0 =	vgt.f32 v33, v31;
	vm1 =	vgt.f32 v33, v32  }
0x11c: {  	v47 =	vld [tilespmem:s21+$0x6060];
	v31 =	vmax.f32 v31, v33;
	vm10 =	vgt.f32 v34, v30;
	vm11 =	vgt.f32 v34, v29  }
0x11d: {  	v44 =	vmax.f32 v32, v33;
	v30 =	vmax.f32 v30, v34;
	vm12 =	vgt.f32 v35, v27  }
0x11e: {  	vm13 =	vgt.f32 v35, v28;
	v27 =	vmax.f32 v27, v35;
	vm14 =	vgt.f32 v36, v25  }
0x11f: {  	vm15 =	vgt.f32 v36, v26;
	v25 =	vmax.f32 v25, v36;
	vm4 =	vgt.f32 v45, v24  }
0x120: {  	vm5 =	vgt.f32 v45, v22;
	v24 =	vmax.f32 v24, v45;
	vm6 =	vgt.f32 v46, v18  }
0x121: {  	vm7 =	vgt.f32 v46, v17;
	v18 =	vmax.f32 v18, v46;
	vm8 =	vgt.f32 v47, v14  }
0x122: {  	vm9 =	vgt.f32 v47, v12;
	v14 =	vmax.f32 v14, v47;
	v23 =	vsel vm0, v0, v23  }
0x123: {  	v31 =	vsel vm1, v32, v31;
	v20 =	vsel vm10, v0, v20;
	v30 =	vsel vm11, v29, v30  }
0x124: {  	v48 =	vld [tilespmem:s21+$0x6070];
	v16 =	vsel vm12, v0, v16;
	v29 =	vmax.f32 v29, v34;
	v27 =	vsel vm13, v28, v27  }
0x125: {  	v49 =	vld [tilespmem:s21+$0x6080];
	v28 =	vmax.f32 v28, v35;
	v13 =	vsel vm14, v0, v13;
	v25 =	vsel vm15, v26, v25  }
0x126: {  	v8 =	vsel vm4, v0, v8;
	v26 =	vmax.f32 v26, v36;
	v24 =	vsel vm5, v22, v24  }
0x127: {  	v6 =	vsel vm6, v0, v6;
	v22 =	vmax.f32 v22, v45;
	v18 =	vsel vm7, v17, v18  }
0x128: {  	v17 =	vmax.f32 v17, v46;
	v4 =	vsel vm8, v0, v4;
	v14 =	vsel vm9, v12, v14  }
0x129: {  	vm10 =	vgt.f32 v48, v9;
	v12 =	vmax.f32 v12, v47;
	v9 =	vmax.f32 v9, v48  }
0x12a: {  	v32 =	vmax.f32 v44, v49;
	v23 =	vsel vm1, v21, v23;
	v21 =	vsel vm1, v0, v21  }
0x12b: {  	v50 =	vld [tilespmem:s21+$0x6090];
	v20 =	vsel vm11, v19, v20;
	v19 =	vsel vm11, v0, v19;
	v16 =	vsel vm13, v15, v16  }
0x12c: {  	v37 =	vld [tilespmem:s21+$0x60A0];
	v15 =	vsel vm13, v0, v15;
	v13 =	vsel vm15, v11, v13;
	v11 =	vsel vm15, v0, v11  }
0x12d: {  	v52 =	vld [tilespmem:s21+$0x60B0];
	v8 =	vsel vm5, v7, v8;
	v7 =	vsel vm5, v0, v7;
	v6 =	vsel vm7, v5, v6  }
0x12e: {  	v53 =	vld [tilespmem:s21+$0x60C0];
	v5 =	vsel vm7, v0, v5;
	v4 =	vsel vm9, v3, v4;
	v3 =	vsel vm9, v0, v3  }
0x12f: {  	v54 =	vld [tilespmem:s21+$0x60D0];
	vm11 =	vgt.f32 v48, v10;
	v2 =	vsel vm10, v0, v2;
	vm12 =	vgt.f32 v49, v31  }
0x130: {  	vm13 =	vgt.f32 v49, v44;
	v31 =	vmax.f32 v31, v49;
	vm14 =	vgt.f32 v50, v30  }
0x131: {  	vm15 =	vgt.f32 v50, v29;
	v30 =	vmax.f32 v30, v50;
	vm4 =	vgt.f32 v37, v27  }
0x132: {  	vm5 =	vgt.f32 v37, v28;
	v27 =	vmax.f32 v27, v37;
	vm6 =	vgt.f32 v52, v25  }
0x133: {  	vm7 =	vgt.f32 v52, v26;
	v25 =	vmax.f32 v25, v52;
	vm8 =	vgt.f32 v53, v24  }
0x134: {  	vm9 =	vgt.f32 v53, v22;
	v24 =	vmax.f32 v24, v53;
	vm10 =	vgt.f32 v54, v18  }
0x135: {  	v18 =	vmax.f32 v18, v54;
	v2 =	vsel vm11, v1, v2;
	v9 =	vsel vm11, v10, v9  }
0x136: {  	v1 =	vsel vm11, v0, v1;
	v23 =	vsel vm12, v51, v23;
	v10 =	vmax.f32 v10, v48  }
0x137: {  	v55 =	vld [tilespmem:s21+$0x60E0];
	v31 =	vsel vm13, v44, v31;
	v20 =	vsel vm14, v51, v20;
	v30 =	vsel vm15, v29, v30  }
0x138: {  	v29 =	vmax.f32 v29, v50;
	v16 =	vsel vm4, v51, v16;
	v27 =	vsel vm5, v28, v27  }
0x139: {  	v13 =	vsel vm6, v51, v13;
	v28 =	vmax.f32 v28, v37;
	v25 =	vsel vm7, v26, v25  }
0x13a: {  	v8 =	vsel vm8, v51, v8;
	v26 =	vmax.f32 v26, v52;
	v24 =	vsel vm9, v22, v24  }
0x13b: {  	v22 =	vmax.f32 v22, v53;
	vm11 =	vgt.f32 v54, v17;
	v6 =	vsel vm10, v51, v6  }
0x13c: {  	vm12 =	vgt.f32 v55, v14;
	v14 =	vmax.f32 v14, v55;
	v44 =	vor.u32 $0x3, v0  }
0x13d: {  	v56 =	vld [tilespmem:s21+$0x60F0];
	v53 =	vor.u32 $0x4, v0;
	v23 =	vsel vm13, v21, v23;
	v21 =	vsel vm13, v51, v21  }
0x13e: {  	v57 =	vld [tilespmem:s21+$0x6100];
	v20 =	vsel vm15, v19, v20;
	v19 =	vsel vm15, v51, v19;
	v16 =	vsel vm5, v15, v16  }
0x13f: {  	v58 =	vld [tilespmem:s21+$0x6110];
	v15 =	vsel vm5, v51, v15;
	v13 =	vsel vm7, v11, v13;
	v11 =	vsel vm7, v51, v11  }
0x140: {  	v60 =	vld [tilespmem:s21+$0x6120];
	v8 =	vsel vm9, v7, v8;
	v7 =	vsel vm9, v51, v7;
	v6 =	vsel vm11, v5, v6  }
0x141: {  	v61 =	vld [tilespmem:s21+$0x6130];
	v18 =	vsel vm11, v17, v18;
	v5 =	vsel vm11, v51, v5;
	vm13 =	vgt.f32 v55, v12  }
0x142: {  	v62 =	vld [tilespmem:s21+$0x6140];
	v4 =	vsel vm12, v51, v4;
	v17 =	vmax.f32 v17, v54;
	vm14 =	vgt.f32 v56, v9  }
0x143: {  	vm15 =	vgt.f32 v56, v10;
	v9 =	vmax.f32 v9, v56;
	vm4 =	vgt.f32 v57, v31  }
0x144: {  	vm5 =	vgt.f32 v57, v32;
	v31 =	vmax.f32 v31, v57;
	vm6 =	vgt.f32 v58, v30  }
0x145: {  	vm7 =	vgt.f32 v58, v29;
	v30 =	vmax.f32 v30, v58;
	vm8 =	vgt.f32 v60, v27  }
0x146: {  	vm9 =	vgt.f32 v60, v28;
	v27 =	vmax.f32 v27, v60;
	vm10 =	vgt.f32 v61, v25  }
0x147: {  	vm11 =	vgt.f32 v61, v26;
	v25 =	vmax.f32 v25, v61;
	vm12 =	vgt.f32 v62, v24  }
0x148: {  	v24 =	vmax.f32 v24, v62;
	v4 =	vsel vm13, v3, v4;
	v14 =	vsel vm13, v12, v14  }
0x149: {  	v3 =	vsel vm13, v51, v3;
	v2 =	vsel vm14, v51, v2;
	v12 =	vmax.f32 v12, v55  }
0x14a: {  	v63 =	vld [tilespmem:s21+$0x6150];
	v9 =	vsel vm15, v10, v9;
	v23 =	vsel vm4, v59, v23;
	v10 =	vmax.f32 v10, v56  }
0x14b: {  	v31 =	vsel vm5, v32, v31;
	v32 =	vmax.f32 v32, v57;
	v20 =	vsel vm6, v59, v20  }
0x14c: {  	v30 =	vsel vm7, v29, v30;
	v16 =	vsel vm8, v59, v16;
	v29 =	vmax.f32 v29, v58  }
0x14d: {  	v27 =	vsel vm9, v28, v27;
	v13 =	vsel vm10, v59, v13;
	v28 =	vmax.f32 v28, v60  }
0x14e: {  	v25 =	vsel vm11, v26, v25;
	v26 =	vmax.f32 v26, v61;
	vm13 =	vgt.f32 v62, v22  }
0x14f: {  	v8 =	vsel vm12, v59, v8;
	vm14 =	vgt.f32 v63, v18;
	v18 =	vmax.f32 v18, v63  }
0x150: {  	v40 =	vld [tilespmem:s21+$0x6160];
	v2 =	vsel vm15, v1, v2;
	v1 =	vsel vm15, v51, v1;
	v23 =	vsel vm5, v21, v23  }
0x151: {  	v41 =	vld [tilespmem:s21+$0x6170];
	v21 =	vsel vm5, v59, v21;
	v20 =	vsel vm7, v19, v20;
	v19 =	vsel vm7, v59, v19  }
0x152: {  	v42 =	vld [tilespmem:s21+$0x6180];
	v16 =	vsel vm9, v15, v16;
	v15 =	vsel vm9, v59, v15;
	v13 =	vsel vm11, v11, v13  }
0x153: {  	v43 =	vld [tilespmem:s21+$0x6190];
	v11 =	vsel vm11, v59, v11;
	v8 =	vsel vm13, v7, v8;
	v24 =	vsel vm13, v22, v24  }
0x154: {  	v45 =	vld [tilespmem:s21+$0x61A0];
	v7 =	vsel vm13, v59, v7;
	vm15 =	vgt.f32 v63, v17;
	v6 =	vsel vm14, v59, v6  }
0x155: {  	v46 =	vld [tilespmem:s21+$0x61B0];
	v22 =	vmax.f32 v22, v62;
	vm4 =	vgt.f32 v40, v14;
	vm5 =	vgt.f32 v40, v12  }
0x156: {  	v14 =	vmax.f32 v14, v40;
	vm6 =	vgt.f32 v41, v9;
	vm7 =	vgt.f32 v41, v10  }
0x157: {  	v9 =	vmax.f32 v9, v41;
	vm8 =	vgt.f32 v42, v31;
	vm9 =	vgt.f32 v42, v32  }
0x158: {  	v31 =	vmax.f32 v31, v42;
	vm10 =	vgt.f32 v43, v30;
	vm11 =	vgt.f32 v43, v29  }
0x159: {  	v30 =	vmax.f32 v30, v43;
	vm12 =	vgt.f32 v45, v27;
	vm13 =	vgt.f32 v45, v28  }
0x15a: {  	v27 =	vmax.f32 v27, v45;
	vm14 =	vgt.f32 v46, v25;
	v25 =	vmax.f32 v25, v46  }
0x15b: {  	v62 =	vor.u32 $0x5, v0;
	v6 =	vsel vm15, v5, v6;
	v18 =	vsel vm15, v17, v18  }
0x15c: {  	v5 =	vsel vm15, v59, v5;
	v4 =	vsel vm4, v59, v4;
	v17 =	vmax.f32 v17, v63  }
0x15d: {  	v47 =	vld [tilespmem:s21+$0x61C0];
	v14 =	vsel vm5, v12, v14;
	v12 =	vmax.f32 v12, v40;
	v2 =	vsel vm6, v59, v2  }
0x15e: {  	v9 =	vsel vm7, v10, v9;
	v10 =	vmax.f32 v10, v41;
	v23 =	vsel vm8, v44, v23  }
0x15f: {  	v31 =	vsel vm9, v32, v31;
	v20 =	vsel vm10, v44, v20;
	v32 =	vmax.f32 v32, v42  }
0x160: {  	v30 =	vsel vm11, v29, v30;
	v16 =	vsel vm12, v44, v16;
	v29 =	vmax.f32 v29, v43  }
0x161: {  	v27 =	vsel vm13, v28, v27;
	v28 =	vmax.f32 v28, v45;
	vm15 =	vgt.f32 v46, v26  }
0x162: {  	v13 =	vsel vm14, v44, v13;
	vm4 =	vgt.f32 v47, v24;
	v24 =	vmax.f32 v24, v47  }
0x163: {  	v48 =	vld [tilespmem:s21+$0x61D0];
	v4 =	vsel vm5, v3, v4;
	v3 =	vsel vm5, v59, v3;
	v2 =	vsel vm7, v1, v2  }
0x164: {  	v49 =	vld [tilespmem:s21+$0x61E0];
	v1 =	vsel vm7, v59, v1;
	v23 =	vsel vm9, v21, v23;
	v21 =	vsel vm9, v44, v21  }
0x165: {  	v50 =	vld [tilespmem:s21+$0x61F0];
	v20 =	vsel vm11, v19, v20;
	v19 =	vsel vm11, v44, v19;
	v16 =	vsel vm13, v15, v16  }
0x166: {  	v52 =	vld [tilespmem:s21+$0x6210];
	v15 =	vsel vm13, v44, v15;
	v13 =	vsel vm15, v11, v13;
	v25 =	vsel vm15, v26, v25  }
0x167: {  	v11 =	vsel vm15, v44, v11;
	vm5 =	vgt.f32 v47, v22;
	v8 =	vsel vm4, v44, v8  }
0x168: {  	v26 =	vmax.f32 v26, v46;
	vm6 =	vgt.f32 v48, v18;
	vm7 =	vgt.f32 v48, v17  }
0x169: {  	v18 =	vmax.f32 v18, v48;
	vm8 =	vgt.f32 v49, v14;
	vm9 =	vgt.f32 v49, v12  }
0x16a: {  	v14 =	vmax.f32 v14, v49;
	vm10 =	vgt.f32 v50, v9;
	vm11 =	vgt.f32 v50, v10  }
0x16b: {  	v9 =	vmax.f32 v9, v50;
	vm14 =	vgt.f32 v52, v30;
	vm15 =	vgt.f32 v52, v29  }
0x16c: {  	v54 =	vld [tilespmem:s21+$0x6220];
	v30 =	vmax.f32 v30, v52;
	v8 =	vsel vm5, v7, v8;
	v24 =	vsel vm5, v22, v24  }
0x16d: {  	v7 =	vsel vm5, v44, v7;
	v6 =	vsel vm6, v44, v6;
	v22 =	vmax.f32 v22, v47  }
0x16e: {  	v18 =	vsel vm7, v17, v18;
	v17 =	vmax.f32 v17, v48;
	v4 =	vsel vm8, v44, v4  }
0x16f: {  	v14 =	vsel vm9, v12, v14;
	v2 =	vsel vm10, v44, v2;
	v12 =	vmax.f32 v12, v49  }
0x170: {  	v9 =	vsel vm11, v10, v9;
	v10 =	vmax.f32 v10, v50;
	v20 =	vsel vm14, v53, v20  }
0x171: {  	v55 =	vld [tilespmem:s21+$0x6230];
	v30 =	vsel vm15, v29, v30;
	v29 =	vmax.f32 v29, v52;
	vm4 =	vgt.f32 v54, v27  }
0x172: {  	v56 =	vld [tilespmem:s21+$0x6240];
	vm5 =	vgt.f32 v54, v28;
	v27 =	vmax.f32 v27, v54;
	v47 =	vor.u32 $0x6, v0  }
0x173: {  	v57 =	vld [tilespmem:s21+$0x6250];
	v6 =	vsel vm7, v5, v6;
	v5 =	vsel vm7, v44, v5;
	v4 =	vsel vm9, v3, v4  }
0x174: {  	v51 =	vld [tilespmem:s21+$0x6200];
	v3 =	vsel vm9, v44, v3;
	v2 =	vsel vm11, v1, v2;
	v1 =	vsel vm11, v44, v1  }
0x175: {  	v20 =	vsel vm15, v19, v20;
	v19 =	vsel vm15, v53, v19;
	v16 =	vsel vm4, v53, v16  }
0x176: {  	v27 =	vsel vm5, v28, v27;
	vm6 =	vgt.f32 v55, v25;
	vm7 =	vgt.f32 v55, v26  }
0x177: {  	v28 =	vmax.f32 v28, v54;
	v25 =	vmax.f32 v25, v55;
	vm8 =	vgt.f32 v56, v24  }
0x178: {  	vm9 =	vgt.f32 v56, v22;
	v24 =	vmax.f32 v24, v56;
	vm10 =	vgt.f32 v57, v18  }
0x179: {  	v61 =	vld [tilespmem:s21+$0x6290];
	vm11 =	vgt.f32 v57, v17;
	v18 =	vmax.f32 v18, v57;
	vm12 =	vgt.f32 v51, v31  }
0x17a: {  	vm13 =	vgt.f32 v51, v32;
	v31 =	vmax.f32 v31, v51;
	v16 =	vsel vm5, v15, v16  }
0x17b: {  	v15 =	vsel vm5, v53, v15;
	v13 =	vsel vm6, v53, v13;
	v25 =	vsel vm7, v26, v25  }
0x17c: {  	v8 =	vsel vm8, v53, v8;
	v26 =	vmax.f32 v26, v55;
	v24 =	vsel vm9, v22, v24  }
0x17d: {  	v58 =	vld [tilespmem:s21+$0x6260];
	v22 =	vmax.f32 v22, v56;
	v6 =	vsel vm10, v53, v6;
	v18 =	vsel vm11, v17, v18  }
0x17e: {  	v17 =	vmax.f32 v17, v57;
	vm6 =	vgt.f32 v61, v30;
	v30 =	vmax.f32 v30, v61  }
0x17f: {  	v63 =	vld [tilespmem:s21+$0x62A0];
	v56 =	vor.u32 $0x7, v0;
	v0 =	vadd.s32 $0x8, v0;
	v23 =	vsel vm12, v53, v23  }
0x180: {  	v40 =	vld [tilespmem:s21+$0x62B0];
	v31 =	vsel vm13, v32, v31;
	v32 =	vmax.f32 v32, v51;
	v13 =	vsel vm7, v11, v13  }
0x181: {  	v11 =	vsel vm7, v53, v11;
	v8 =	vsel vm9, v7, v8;
	v7 =	vsel vm9, v53, v7  }
0x182: {  	v59 =	vld [tilespmem:s21+$0x6270];
	v6 =	vsel vm11, v5, v6;
	vm12 =	vgt.f32 v58, v14;
	v5 =	vsel vm11, v53, v5  }
0x183: {  	v60 =	vld [tilespmem:s21+$0x6280];
	v14 =	vmax.f32 v14, v58;
	vm7 =	vgt.f32 v61, v29;
	v20 =	vsel vm6, v62, v20  }
0x184: {  	vm8 =	vgt.f32 v63, v27;
	vm9 =	vgt.f32 v63, v28;
	v27 =	vmax.f32 v27, v63  }
0x185: {  	vm10 =	vgt.f32 v40, v25;
	vm11 =	vgt.f32 v40, v26;
	v25 =	vmax.f32 v25, v40  }
0x186: {  	v23 =	vsel vm13, v21, v23;
	v21 =	vsel vm13, v53, v21;
	vm13 =	vgt.f32 v58, v12  }
0x187: {  	v41 =	vld [tilespmem:s21+$0x62C0];
	v4 =	vsel vm12, v53, v4;
	vm14 =	vgt.f32 v59, v9;
	vm15 =	vgt.f32 v59, v10  }
0x188: {  	v9 =	vmax.f32 v9, v59;
	vm4 =	vgt.f32 v60, v31;
	vm5 =	vgt.f32 v60, v32  }
0x189: {  	v31 =	vmax.f32 v31, v60;
	v20 =	vsel vm7, v19, v20;
	v30 =	vsel vm7, v29, v30  }
0x18a: {  	v19 =	vsel vm7, v62, v19;
	v16 =	vsel vm8, v62, v16;
	v29 =	vmax.f32 v29, v61  }
0x18b: {  	v27 =	vsel vm9, v28, v27;
	v13 =	vsel vm10, v62, v13;
	v28 =	vmax.f32 v28, v63  }
0x18c: {  	v25 =	vsel vm11, v26, v25;
	v26 =	vmax.f32 v26, v40;
	vm12 =	vgt.f32 v41, v24  }
0x18d: {  	v42 =	vld [tilespmem:s21+$0x62D0];
	v24 =	vmax.f32 v24, v41;
	v4 =	vsel vm13, v3, v4;
	v14 =	vsel vm13, v12, v14  }
0x18e: {  	v46 =	vld [tilespmem:s21+$0x6310];
	v3 =	vsel vm13, v53, v3;
	v2 =	vsel vm14, v53, v2;
	v12 =	vmax.f32 v12, v58  }
0x18f: {  	v48 =	vld [tilespmem:s21+$0x6320];
	v9 =	vsel vm15, v10, v9;
	v23 =	vsel vm4, v62, v23;
	v10 =	vmax.f32 v10, v59  }
0x190: {  	v31 =	vsel vm5, v32, v31;
	v32 =	vmax.f32 v32, v60;
	v16 =	vsel vm9, v15, v16  }
0x191: {  	v15 =	vsel vm9, v62, v15;
	v13 =	vsel vm11, v11, v13;
	v11 =	vsel vm11, v62, v11  }
0x192: {  	vm13 =	vgt.f32 v41, v22;
	v8 =	vsel vm12, v62, v8;
	vm14 =	vgt.f32 v42, v18  }
0x193: {  	v43 =	vld [tilespmem:s21+$0x62E0];
	v18 =	vmax.f32 v18, v42;
	vm10 =	vgt.f32 v46, v30;
	vm11 =	vgt.f32 v46, v29  }
0x194: {  	v44 =	vld [tilespmem:s21+$0x62F0];
	v30 =	vmax.f32 v30, v46;
	vm12 =	vgt.f32 v48, v27;
	v27 =	vmax.f32 v27, v48  }
0x195: {  	v45 =	vld [tilespmem:s21+$0x6300];
	v2 =	vsel vm15, v1, v2;
	v1 =	vsel vm15, v53, v1;
	v23 =	vsel vm5, v21, v23  }
0x196: {  	v21 =	vsel vm5, v62, v21;
	v8 =	vsel vm13, v7, v8;
	v24 =	vsel vm13, v22, v24  }
0x197: {  	v7 =	vsel vm13, v62, v7;
	vm15 =	vgt.f32 v42, v17;
	v6 =	vsel vm14, v62, v6  }
0x198: {  	v49 =	vld [tilespmem:s21+$0x6330];
	v22 =	vmax.f32 v22, v41;
	vm4 =	vgt.f32 v43, v14;
	vm5 =	vgt.f32 v43, v12  }
0x199: {  	v14 =	vmax.f32 v14, v43;
	vm6 =	vgt.f32 v44, v9;
	vm7 =	vgt.f32 v44, v10  }
0x19a: {  	v9 =	vmax.f32 v9, v44;
	vm8 =	vgt.f32 v45, v31;
	vm9 =	vgt.f32 v45, v32  }
0x19b: {  	v31 =	vmax.f32 v31, v45;
	v20 =	vsel vm10, v47, v20;
	v30 =	vsel vm11, v29, v30  }
0x19c: {  	vm13 =	vgt.f32 v48, v28;
	v16 =	vsel vm12, v47, v16;
	v29 =	vmax.f32 v29, v46  }
0x19d: {  	vm14 =	vgt.f32 v49, v25;
	v25 =	vmax.f32 v25, v49;
	v6 =	vsel vm15, v5, v6  }
0x19e: {  	v18 =	vsel vm15, v17, v18;
	v5 =	vsel vm15, v62, v5;
	v4 =	vsel vm4, v62, v4  }
0x19f: {  	v50 =	vld [tilespmem:s21+$0x6340];
	v17 =	vmax.f32 v17, v42;
	v14 =	vsel vm5, v12, v14;
	v12 =	vmax.f32 v12, v43  }
0x1a0: {  	v55 =	vld [tilespmem:s21+$0x6390];
	v2 =	vsel vm6, v62, v2;
	v9 =	vsel vm7, v10, v9;
	v10 =	vmax.f32 v10, v44  }
0x1a1: {  	v23 =	vsel vm8, v47, v23;
	v31 =	vsel vm9, v32, v31;
	v32 =	vmax.f32 v32, v45  }
0x1a2: {  	v20 =	vsel vm11, v19, v20;
	v19 =	vsel vm11, v47, v19;
	v16 =	vsel vm13, v15, v16  }
0x1a3: {  	v27 =	vsel vm13, v28, v27;
	v15 =	vsel vm13, v47, v15;
	v28 =	vmax.f32 v28, v48  }
0x1a4: {  	vm15 =	vgt.f32 v49, v26;
	v13 =	vsel vm14, v47, v13;
	vm4 =	vgt.f32 v50, v24  }
0x1a5: {  	v51 =	vld [tilespmem:s21+$0x6350];
	v24 =	vmax.f32 v24, v50;
	vm14 =	vgt.f32 v55, v30;
	v30 =	vmax.f32 v30, v55  }
0x1a6: {  	v52 =	vld [tilespmem:s21+$0x6360];
	v4 =	vsel vm5, v3, v4;
	v3 =	vsel vm5, v62, v3;
	v2 =	vsel vm7, v1, v2  }
0x1a7: {  	v54 =	vld [tilespmem:s21+$0x6380];
	v1 =	vsel vm7, v62, v1;
	v23 =	vsel vm9, v21, v23;
	v21 =	vsel vm9, v47, v21  }
0x1a8: {  	v57 =	vld [tilespmem:s21+$0x63A0];
	v13 =	vsel vm15, v11, v13;
	v25 =	vsel vm15, v26, v25;
	v11 =	vsel vm15, v47, v11  }
0x1a9: {  	vm5 =	vgt.f32 v50, v22;
	v8 =	vsel vm4, v47, v8;
	v26 =	vmax.f32 v26, v49  }
0x1aa: {  	vm6 =	vgt.f32 v51, v18;
	vm7 =	vgt.f32 v51, v17;
	v18 =	vmax.f32 v18, v51  }
0x1ab: {  	vm8 =	vgt.f32 v52, v14;
	vm9 =	vgt.f32 v52, v12;
	v14 =	vmax.f32 v14, v52  }
0x1ac: {  	vm12 =	vgt.f32 v54, v31;
	vm13 =	vgt.f32 v54, v32;
	v31 =	vmax.f32 v31, v54  }
0x1ad: {  	vm15 =	vgt.f32 v55, v29;
	v20 =	vsel vm14, v56, v20;
	vm4 =	vgt.f32 v57, v27  }
0x1ae: {  	v27 =	vmax.f32 v27, v57;
	v8 =	vsel vm5, v7, v8;
	v24 =	vsel vm5, v22, v24  }
0x1af: {  	v7 =	vsel vm5, v47, v7;
	v6 =	vsel vm6, v47, v6;
	v22 =	vmax.f32 v22, v50  }
0x1b0: {  	v18 =	vsel vm7, v17, v18;
	v17 =	vmax.f32 v17, v51;
	v4 =	vsel vm8, v47, v4  }
0x1b1: {  	v14 =	vsel vm9, v12, v14;
	v12 =	vmax.f32 v12, v52;
	v23 =	vsel vm12, v56, v23  }
0x1b2: {  	v58 =	vld [tilespmem:s21+$0x63B0];
	v31 =	vsel vm13, v32, v31;
	v32 =	vmax.f32 v32, v54;
	v20 =	vsel vm15, v19, v20  }
0x1b3: {  	v61 =	vld [tilespmem:s21+$0x63E0];
	v30 =	vsel vm15, v29, v30;
	v19 =	vsel vm15, v56, v19;
	v29 =	vmax.f32 v29, v55  }
0x1b4: {  	v59 =	vld [tilespmem:s21+$0x63C0];
	vm5 =	vgt.f32 v57, v28;
	v16 =	vsel vm4, v56, v16;
	v6 =	vsel vm7, v5, v6  }
0x1b5: {  	v60 =	vld [tilespmem:s21+$0x63D0];
	v5 =	vsel vm7, v47, v5;
	v4 =	vsel vm9, v3, v4;
	v3 =	vsel vm9, v47, v3  }
0x1b6: {  	v53 =	vld [tilespmem:s21+$0x6370];
	v23 =	vsel vm13, v21, v23;
	v21 =	vsel vm13, v56, v21;
	v16 =	vsel vm5, v15, v16  }
0x1b7: {  	v27 =	vsel vm5, v28, v27;
	vm6 =	vgt.f32 v58, v25;
	v15 =	vsel vm5, v56, v15  }
0x1b8: {  	vm7 =	vgt.f32 v58, v26;
	v28 =	vmax.f32 v28, v57;
	v25 =	vmax.f32 v25, v58  }
0x1b9: {  	vm8 =	vgt.f32 v59, v24;
	vm9 =	vgt.f32 v59, v22;
	v24 =	vmax.f32 v24, v59  }
0x1ba: {  	v62 =	vmax.f32 v18, v60;
	vm12 =	vgt.f32 v61, v14;
	vm13 =	vgt.f32 v61, v12  }
0x1bb: {  	v14 =	vmax.f32 v14, v61;
	vm10 =	vgt.f32 v53, v9;
	vm11 =	vgt.f32 v53, v10  }
0x1bc: {  	v9 =	vmax.f32 v9, v53;
	v13 =	vsel vm6, v56, v13;
	v25 =	vsel vm7, v26, v25  }
0x1bd: {  	v8 =	vsel vm8, v56, v8;
	v26 =	vmax.f32 v26, v58;
	v24 =	vsel vm9, v22, v24  }
0x1be: {  	v22 =	vmax.f32 v22, v59;
	v4 =	vsel vm12, v56, v4;
	v14 =	vsel vm13, v12, v14  }
0x1bf: {  	v63 =	vld [tilespmem:s21+$0x63F0];
	v12 =	vmax.f32 v12, v61;
	v2 =	vsel vm10, v47, v2;
	v9 =	vsel vm11, v10, v9  }
0x1c0: {  	v10 =	vmax.f32 v10, v53;
	v13 =	vsel vm7, v11, v13;
	v11 =	vsel vm7, v56, v11  }
0x1c1: {  	v8 =	vsel vm9, v7, v8;
	vm10 =	vgt.f32 v60, v17;
	v7 =	vsel vm9, v56, v7  }
0x1c2: {  	p0 =	sne.s32 s20, $0x17000;
	v4 =	vsel vm13, v3, v4;
	v3 =	vsel vm13, v56, v3;
	v2 =	vsel vm11, v1, v2  }
.Ltmp1:
0x1c3: {  	v1 =	vsel vm11, v47, v1;
	vm11 =	vgt.f32 v60, v18;
	v18 =	vsel vm10, v17, v62;
	(pc) =	sbr.rel @p0 .LBB2_5-.Ltmp1, $4  }
0x1c4: {  	v17 =	vmax.f32 v17, v60;
	vm14 =	vgt.f32 v63, v9;
	vm15 =	vgt.f32 v63, v10  }
0x1c5: {  	v9 =	vmax.f32 v9, v63;
	v6 =	vsel vm11, v56, v6;
	v2 =	vsel vm14, v56, v2  }
0x1c6: {  	v9 =	vsel vm15, v10, v9;
	v10 =	vmax.f32 v10, v63;
	v6 =	vsel vm10, v5, v6  }
0x1c7: {  	s20 =	sadd.s32 $0x1000, s20;
	v5 =	vsel vm10, v56, v5;
	v2 =	vsel vm15, v1, v2;
	v1 =	vsel vm15, v56, v1  }
0x1c8: {  	v0 =	vsub.f32 v31, v32;
	_ =	sdelay $0x1  }
0x1c9: {  	v0 =	vmul.f32 $1.442695020e+00, v0;
	_ =	sdelay $0x1  }
0x1ca: {  	(erf) = vpow2.f32 v0;
	_ =	sdelay $0x8  }
0x1cb: {  	v29 =	vsub.f32 v30, v29;
	v0 =	vpop (erf)  }
0x1cc: {  	v34 =	vadd.f32 $1.000000000e+00, v0  }
0x1cd: {  	v29 =	vmul.f32 $1.442695020e+00, v29  }
0x1ce: {  	(erf) = vrcp.f32 v34  }
0x1cf: {  	(erf) = vpow2.f32 v29;
	_ =	sdelay $0x7  }
0x1d0: {  	v35 =	vpop (erf)  }
0x1d1: {  	v27 =	vsub.f32 v27, v28;
	v36 =	vpop (erf)  }
0x1d2: {  	v37 =	vadd.f32 $1.000000000e+00, v36  }
0x1d3: {  	v27 =	vmul.f32 $1.442695020e+00, v27  }
0x1d4: {  	(erf) = vrcp.f32 v37  }
0x1d5: {  	(erf) = vpow2.f32 v27;
	_ =	sdelay $0x7  }
0x1d6: {  	v38 =	vpop (erf)  }
0x1d7: {  	v25 =	vsub.f32 v25, v26;
	v39 =	vpop (erf)  }
0x1d8: {  	v40 =	vadd.f32 $1.000000000e+00, v39  }
0x1d9: {  	v25 =	vmul.f32 $1.442695020e+00, v25  }
0x1da: {  	(erf) = vrcp.f32 v40  }
0x1db: {  	(erf) = vpow2.f32 v25;
	_ =	sdelay $0x7  }
0x1dc: {  	v41 =	vpop (erf)  }
0x1dd: {  	v22 =	vsub.f32 v24, v22;
	v42 =	vpop (erf)  }
0x1de: {  	v43 =	vadd.f32 $1.000000000e+00, v42  }
0x1df: {  	v22 =	vmul.f32 $1.442695020e+00, v22  }
0x1e0: {  	(erf) = vrcp.f32 v43  }
0x1e1: {  	(erf) = vpow2.f32 v22;
	_ =	sdelay $0x7  }
0x1e2: {  	v44 =	vpop (erf)  }
0x1e3: {  	v17 =	vsub.f32 v18, v17;
	v45 =	vpop (erf)  }
0x1e4: {  	v46 =	vadd.f32 $1.000000000e+00, v45  }
0x1e5: {  	v17 =	vmul.f32 $1.442695020e+00, v17  }
0x1e6: {  	(erf) = vrcp.f32 v46  }
0x1e7: {  	(erf) = vpow2.f32 v17;
	_ =	sdelay $0x7  }
0x1e8: {  	v47 =	vpop (erf)  }
0x1e9: {  	v12 =	vsub.f32 v14, v12;
	v48 =	vpop (erf)  }
0x1ea: {  	v49 =	vadd.f32 $1.000000000e+00, v48  }
0x1eb: {  	v12 =	vmul.f32 $1.442695020e+00, v12  }
0x1ec: {  	(erf) = vrcp.f32 v49  }
0x1ed: {  	(erf) = vpow2.f32 v12;
	_ =	sdelay $0x7  }
0x1ee: {  	v50 =	vpop (erf)  }
0x1ef: {  	v9 =	vsub.f32 v9, v10;
	v51 =	vpop (erf)  }
0x1f0: {  	v52 =	vadd.f32 $1.000000000e+00, v51  }
0x1f1: {  	v9 =	vmul.f32 $1.442695020e+00, v9  }
0x1f2: {  	(erf) = vrcp.f32 v52  }
0x1f3: {  	(erf) = vpow2.f32 v9;
	_ =	sdelay $0x3  }
0x1f4: {  	v53 =	vcvt.s32.f32 v23  }
0x1f5: {  	v54 =	vcvt.s32.f32 v21;
	v55 =	vcvt.s32.f32 v20  }
0x1f6: {  	v19 =	vcvt.s32.f32 v19;
	v16 =	vcvt.s32.f32 v16  }
0x1f7: {  	v15 =	vcvt.s32.f32 v15;
	v13 =	vcvt.s32.f32 v13  }
0x1f8: {  	v11 =	vcvt.s32.f32 v11;
	v8 =	vcvt.s32.f32 v8;
	v56 =	vpop (erf)  }
0x1f9: {  	v7 =	vcvt.s32.f32 v7;
	v6 =	vcvt.s32.f32 v6;
	v58 =	vpop (erf)  }
0x1fa: {  	v5 =	vcvt.s32.f32 v5;
	v4 =	vcvt.s32.f32 v4;
	v59 =	vadd.f32 $1.000000000e+00, v58  }
0x1fb: {  	v2 =	vcvt.s32.f32 v2;
	v0 =	vmul.f32 v53, v0  }
0x1fc: {  	v16 =	vmul.f32 v16, v39;
	(erf) = vrcp.f32 v59  }
0x1fd: {  	v3 =	vcvt.s32.f32 v3;
	v0 =	vadd.f32 v54, v0;
	v13 =	vmul.f32 v13, v42  }
0x1fe: {  	v1 =	vcvt.s32.f32 v1;
	v57 =	vadd.f32 v15, v16;
	v8 =	vmul.f32 v8, v45  }
0x1ff: {  	s19 =	sshll.u32 s19, $0x7;
	v0 =	vmul.f32 v35, v0;
	v11 =	vadd.f32 v11, v13;
	v6 =	vmul.f32 v6, v48  }
0x200: {  	s19 =	sand.u32 $0x3FFFFF80, s19;
	v10 =	vmul.f32 v41, v57;
	v60 =	vadd.f32 v7, v8;
	v9 =	vmul.f32 v55, v36  }
0x201: {  	[tilespmem:s19+$0xC000] =	vst v0;
	v11 =	vmul.f32 v44, v11;
	v5 =	vadd.f32 v5, v6;
	v4 =	vmul.f32 v4, v51  }
0x202: {  	s18 =	sadd.s32 $0x1, s18;
	[tilespmem:s19+$0xC020] =	vst v10;
	v0 =	vmul.f32 v47, v60;
	v9 =	vadd.f32 v19, v9;
	v2 =	vmul.f32 v2, v58  }
0x203: {  	p0 =	sne.s32 s18, $0xC;
	[tilespmem:s19+$0xC030] =	vst v11;
	v61 =	vmul.f32 v50, v5;
	v3 =	vadd.f32 v3, v4  }
.Ltmp2:
0x204: {  	[tilespmem:s19+$0xC040] =	vst v0;
	v9 =	vmul.f32 v38, v9;
	v1 =	vadd.f32 v1, v2;
	(pc) =	sbr.rel @p0 .LBB2_2-.Ltmp2, $4  }
0x205: {  	[tilespmem:s19+$0xC050] =	vst v61;
	v62 =	vmul.f32 v56, v3;
	v63 =	vpop (erf)  }
0x206: {  	[tilespmem:s19+$0xC010] =	vst v9;
	v1 =	vmul.f32 v63, v1  }
0x207: {  	[tilespmem:s19+$0xC060] =	vst v62  }
0x208: {  	[tilespmem:s19+$0xC070] =	vst v1  }
0x209: {  	s17 =	sadd.s32 $0x1, s17  }
0x20a: {  	p0 =	sne.s32 s17, s9  }
.Ltmp3:
0x20b: {  	_ = 	snop;
	(pc) =	sbr.rel @p0 .LBB2_1-.Ltmp3, $4  }
0x20c: {  	[hbm4b:s8+s4] =	stream.linear.scatter [tilespmem:s15], [sflag:$0x3], $0xC00, $0x38;
	[tilespmem:$0xCC00] =	vst v63  }
0x20d: {  	_ =	swait.ge [sflag:s16], $0xC00  }
0x20e: {  	[sflag:s16] =	ssyncset.done $0x0  }
0x20f: {  	[sflag:s16] =	ssyncadd.s32 $0xFFFFF400  }
0x210: {  	_ =	sfence.sel $0x180000  }
0x211: {  	[bflag:$0x0] =	sbarrier.arrive $0xFFFF  }
0x212: {  	p0 =	sne.s32 s0, $0x0;
	_ =	strace $0x90000047  }
0x213: {  	s0 =	sadd.s32 @!p0 $0x100000, s1;
	[bflag:$0x2] =	sbarrier.arrive $0xFFFF  }
0x214: {  	[sflag:s0] =	ssyncadd.tile.s32 @!p0 $0x1;
	_ =	shalt  }
.Lfunc_end2:
_tile_overlayer_lowered:
.L_overlay_start_2:
0x215: {  	(tag) =	ssettag $0x2  }
0x216: {  	s0 =	rddreg [dreg:$0x0];
	s2 =	stileid.u32  }
0x217: {  	s1 =	rddreg [dreg:$0x1];
	p0 =	sne.s32 s2, $0x0  }
0x218: {  	s3 =	rddreg [dreg:$0x2];
	[bflag:$0x3] =	sbarrier.arrive $0xFFFF;
	s2 =	simm.s32 @!p0 $0x1C03  }
0x219: {  	[timem:s3], [sflag:s2] =	dma.local @!p0 [hbm:s0], s1  }
0x21a: {  	s0 =	simm.s32 @!p0 $0x3  }
0x21b: {  	_ =	swait.ge @!p0 [sflag:s0], s1  }
0x21c: {  	s1 =	ssub.s32 @!p0 $0x0, s1;
	[sflag:s0] =	ssyncset.done @!p0 $0x0  }
0x21d: {  	[sflag:s0] =	ssyncadd.s32 @!p0 s1  }
0x21e: {  	[bflag:$0x3] =	sbarrier.arrive $0xFFFF  }
0x21f: {  	_ =	shalt  }

</sc_bundles>
